<compile_context>
chip_gen: v7x
topology: tpu7x:2x2x1
jax: 0.10.2.dev20260603
libtpu: 0.0.44.dev20260713+nightly
codegen_flags: <defaults>
</compile_context>

<pallas_src>
import functools

import jax
import jax.numpy as jnp
from jax import lax
from jax.experimental import pallas as pl
from jax.experimental.pallas import tpu as pltpu
from jax.experimental.pallas import tpu_sc as plsc

B = 10000
D = 128
HD = D // 2
CW = 8
E = 160000
NREL = 2
NC = 2
NS = 16
NW = NC * NS
LANES = 16

CH = 125
EDGES_PER_TILE = E // NS
NCH = EDGES_PER_TILE // CH

B_PAD = 10240
SEG_ROWS = B_PAD // NS
ZCH = 128
NZ = SEG_ROWS // ZCH
SELF_TILES = 25
SELF_PER_TILE = B // SELF_TILES
SCH = 80
NSCH = SELF_PER_TILE // SCH

_mesh = plsc.VectorSubcoreMesh(core_axis_name="c", subcore_axis_name="s")


@functools.partial(
    pl.kernel,
    out_type=(
        jax.ShapeDtypeStruct((B, D), jnp.float32),
        jax.ShapeDtypeStruct((NREL, B_PAD, D), jnp.float32),
        jax.ShapeDtypeStruct((NREL, B_PAD, CW), jnp.float32),
    ),
    mesh=_mesh,
    compiler_params=pltpu.CompilerParams(use_tc_tiling_on_sc=False),
    scratch_types=[
        pltpu.VMEM((NCH, CH), jnp.int32),
        pltpu.VMEM((NCH, CH), jnp.int32),
        pltpu.VMEM((ZCH, HD), jnp.float32),
        pltpu.VMEM((ZCH, HD), jnp.float32),
        pltpu.VMEM((ZCH, HD), jnp.float32),
        pltpu.VMEM((ZCH, HD), jnp.float32),
        pltpu.VMEM((ZCH, HD), jnp.float32),
        pltpu.VMEM((ZCH, HD), jnp.float32),
        pltpu.VMEM((CH, CW), jnp.float32),
        pltpu.VMEM((NSCH, SCH), jnp.int32),
        pltpu.VMEM((SCH, D), jnp.float32),
        pltpu.VMEM((ZCH, LANES), jnp.float32),
        pltpu.VMEM_SHARED((B_PAD, HD), jnp.float32),
        pltpu.VMEM_SHARED((B_PAD, CW), jnp.float32),
        pltpu.SemaphoreType.DMA,
        pltpu.SemaphoreType.DMA,
        pltpu.SemaphoreType.DMA,
        pltpu.SemaphoreType.DMA,
        pltpu.SemaphoreType.DMA,
        pltpu.SemaphoreType.DMA,
        pltpu.SemaphoreType.DMA,
        pltpu.SemaphoreType.DMA,
        pltpu.SemaphoreType.DMA,
        pltpu.SemaphoreType.DMA,
        pltpu.SemaphoreType.DMA,
        pltpu.SemaphoreType.DMA,
        pltpu.SemaphoreType.DMA,
    ],
)
def _aggregate(feat_hbm, featl_hbm, featr_hbm, nodes_hbm, e0_hbm, e1_hbm,
               ones_hbm,
               self_out, acc_out, cnt_out,
               src_v, dst_v, rows_a, rows_b, rows_e, rows_f, rows_c, rows_d,
               ones_v, nidx_v, srows_v, zcnt_v, acc_sh, cnt_sh,
               sg0, sg1, sg2, sg3, sg4, sg5,
               ss0, ss1, ss2, ss3, ss4, ss5, sem_c):
    c = lax.axis_index("c")
    s = lax.axis_index("s")
    wid = c * NS + s

    zeros16 = jnp.zeros((LANES,), jnp.float32)

    def _zero_rows_a():
        def _zr(i, carry):
            for j in range(HD // LANES):
                rows_a[i, pl.ds(j * LANES, LANES)] = zeros16
            return carry

        lax.fori_loop(0, ZCH, _zr, 0)

    _zero_rows_a()

    def _init_row(i, carry):
        zcnt_v[i, :] = zeros16
        return carry

    lax.fori_loop(0, ZCH, _init_row, 0)

    pltpu.sync_copy(ones_hbm, ones_v)

    def _zero_acc():
        for j in range(NZ):
            pltpu.sync_copy(
                rows_a, acc_sh.at[pl.ds(s * SEG_ROWS + j * ZCH, ZCH)])

    _zero_acc()
    for j in range(NZ):
        pltpu.sync_copy(zcnt_v.at[pl.ds(0, ZCH), pl.ds(0, CW)],
                        cnt_sh.at[pl.ds(s * SEG_ROWS + j * ZCH, ZCH)])
    plsc.subcore_barrier()

    @pl.when(c == 0)
    def _():
        pltpu.sync_copy(e0_hbm.at[1, s], src_v)
        pltpu.sync_copy(e0_hbm.at[0, s], dst_v)

    @pl.when(c == 1)
    def _():
        pltpu.sync_copy(e1_hbm.at[1, s], src_v)
        pltpu.sync_copy(e1_hbm.at[0, s], dst_v)

    bufs = (rows_a, rows_b, rows_e, rows_f, rows_c, rows_d)
    gsems = (sg0, sg1, sg2, sg3, sg4, sg5)
    ssems = (ss0, ss1, ss2, ss3, ss4, ss5)
    NB = 6
    DEPTH = 3
    ones_pay = ones_v

    def _edge_phase(table_hbm, cnt_lo, cnt_hi):
        def _gather_src(j):
            return table_hbm.at[src_v.at[j]]

        def _rows(buf):
            return buf.at[pl.ds(0, CH)]

        for t in range(DEPTH):
            pltpu.async_copy(_gather_src(t), _rows(bufs[t]), gsems[t])

        def _hex(i, carry):
            for t in range(NB):
                j = NB * i + t
                td = (t + DEPTH) % NB
                buf = bufs[t]
                bufd = bufs[td]
                pltpu.make_async_copy(
                    _gather_src(j), _rows(buf), gsems[t]).wait()
                pltpu.async_copy(
                    _rows(buf), acc_sh.at[dst_v.at[j]], ssems[t], add=True)

                @pl.when(jnp.logical_and(cnt_lo <= j, j < cnt_hi))
                def _():
                    pltpu.async_copy(
                        ones_pay, cnt_sh.at[dst_v.at[j]], sem_c, add=True)

                @pl.when(j >= DEPTH)
                def _():
                    pltpu.make_async_copy(
                        _rows(bufd), acc_sh.at[dst_v.at[j - DEPTH]],
                        ssems[td]).wait()

                @pl.when(j + DEPTH < NCH)
                def _():
                    pltpu.async_copy(
                        _gather_src(j + DEPTH), _rows(bufd), gsems[td])
            return carry

        lax.fori_loop(0, NCH // NB, _hex, 0)

        for j in range(NCH - NCH % NB, NCH):
            t = j % NB
            td = (t + DEPTH) % NB
            pltpu.make_async_copy(
                _gather_src(j), _rows(bufs[t]), gsems[t]).wait()
            pltpu.async_copy(
                _rows(bufs[t]), acc_sh.at[dst_v.at[j]], ssems[t], add=True)

            @pl.when(jnp.logical_and(cnt_lo <= j, j < cnt_hi))
            def _():
                pltpu.async_copy(
                    ones_pay, cnt_sh.at[dst_v.at[j]], sem_c, add=True)

            pltpu.make_async_copy(
                _rows(bufs[td]), acc_sh.at[dst_v.at[j - DEPTH]],
                ssems[td]).wait()
        for j in range(NCH - DEPTH, NCH):
            pltpu.make_async_copy(
                _rows(bufs[j % NB]), acc_sh.at[dst_v.at[j]],
                ssems[j % NB]).wait()

        def _drain(j, carry):
            @pl.when(jnp.logical_and(cnt_lo <= j, j < cnt_hi))
            def _():
                pltpu.make_async_copy(
                    ones_pay, cnt_sh.at[dst_v.at[j]], sem_c).wait()
            return carry

        lax.fori_loop(0, NCH, _drain, 0)

    _edge_phase(featl_hbm, 0, NCH // 2)

    plsc.subcore_barrier()
    for j in range(NZ):
        base = s * SEG_ROWS + j * ZCH
        pltpu.sync_copy(acc_sh.at[pl.ds(base, ZCH)],
                        acc_out.at[c, pl.ds(base, ZCH), pl.ds(0, HD)])
    _zero_rows_a()
    _zero_acc()
    plsc.subcore_barrier()

    _edge_phase(featr_hbm, NCH // 2, NCH)

    @pl.when(wid < SELF_TILES)
    def _():
        pltpu.sync_copy(nodes_hbm.at[wid], nidx_v)
        for t in range(NSCH):
            pltpu.async_copy(feat_hbm.at[nidx_v.at[t]], srows_v, sg0).wait()
            pltpu.sync_copy(
                srows_v,
                self_out.at[pl.ds(wid * SELF_PER_TILE + t * SCH, SCH)])

    plsc.subcore_barrier()
    for j in range(NZ):
        base = s * SEG_ROWS + j * ZCH
        pltpu.sync_copy(acc_sh.at[pl.ds(base, ZCH)],
                        acc_out.at[c, pl.ds(base, ZCH), pl.ds(HD, HD)])
        pltpu.sync_copy(cnt_sh.at[pl.ds(base, ZCH)],
                        cnt_out.at[c, pl.ds(base, ZCH)])


BLK = 2000


def _tdot(x, w):
    return lax.dot_general(x, w, (((1,), (1,)), ((), ())),
                           preferred_element_type=jnp.float32)


def _mlp_body(self_ref, a0_ref, a1_ref, c0_ref, c1_ref,
              w1_ref, b1_ref, w2_ref, b2_ref, out_ref):
    inv0 = 1.0 / jnp.maximum(c0_ref[0][:, 0:1], 1.0)
    inv1 = 1.0 / jnp.maximum(c1_ref[0][:, 0:1], 1.0)
    h = _tdot(self_ref[:], w1_ref[:, :D])
    h = h + _tdot(a0_ref[0] * inv0, w1_ref[:, D:2 * D])
    h = h + _tdot(a1_ref[0] * inv1, w1_ref[:, 2 * D:])
    h = jnp.tanh(h + b1_ref[:])
    out_ref[:] = _tdot(h, w2_ref[:]) + b2_ref[:]


def _mlp(self_feats, acc3, cnt3, w1, b1, w2, b2):
    row_spec = pl.BlockSpec((BLK, D), lambda i: (i, 0))

    def rel(k, width):
        return pl.BlockSpec((1, BLK, width), lambda i, _k=k: (_k, i, 0))

    def full(shape):
        return pl.BlockSpec(shape, lambda *_: (0,) * len(shape))

    return pl.pallas_call(
        _mlp_body,
        grid=(B // BLK,),
        in_specs=[row_spec, rel(0, D), rel(1, D), rel(0, CW), rel(1, CW),
                  full((D, 3 * D)), full((D,)), full((D, D)), full((D,))],
        out_specs=row_spec,
        out_shape=jax.ShapeDtypeStruct((B, D), jnp.float32),
    )(self_feats, acc3, acc3, cnt3, cnt3, w1, b1, w2, b2)


def kernel(nodes, edge_index_0, edge_index_1, feat_table, W1, b1, W2, b2):
    nodes_r = nodes.astype(jnp.int32).reshape(SELF_TILES, NSCH, SCH)
    e0 = edge_index_0.astype(jnp.int32).reshape(2, NS, NCH, CH)
    e1 = edge_index_1.astype(jnp.int32).reshape(2, NS, NCH, CH)
    featl = feat_table[:, :HD]
    featr = feat_table[:, HD:]

    self_rows, acc, cnt = _aggregate(
        feat_table, featl, featr, nodes_r, e0, e1,
        jnp.ones((CH, CW), jnp.float32))

    return _mlp(self_rows, acc, cnt, W1, b1, W2, b2)

# --- scband reference (transcript-rebuilt; emitter-appended) ---
"""Pipeline reference for scband-encoder-6657199309164 (READ-ONLY COPY).

The authoritative reference and input builder live on the scoring server;
editing this copy changes nothing except your own understanding.
"""

import jax, jax.numpy as jnp
import numpy as np

N_NODES = 10000
FEAT_DIM = 128
EMBED_DIM = 128
N_EDGES = 160000  # per relation
BATCH = 10000
NUM_REL = 2


def setup_inputs(seed: int = 0) -> dict:
    key = jax.random.key(seed)
    ks = jax.random.split(key, 8)
    nodes = jax.random.randint(ks[0], (BATCH,), 0, N_NODES, dtype=jnp.int64) if jax.config.jax_enable_x64 else jax.random.randint(ks[0], (BATCH,), 0, N_NODES, dtype=jnp.int32)
    edge_index_0 = jax.random.randint(ks[1], (2, N_EDGES), 0, N_NODES)
    edge_index_1 = jax.random.randint(ks[2], (2, N_EDGES), 0, N_NODES)
    feat_table = jax.random.normal(ks[3], (N_NODES, FEAT_DIM), dtype=jnp.float32)
    # nonlinear_layer: Linear((num_rel+1)*feat_dim -> feat_dim), Tanh, Linear(feat_dim -> embed_dim)
    fan1 = (NUM_REL + 1) * FEAT_DIM
    W1 = jax.random.normal(ks[4], (FEAT_DIM, fan1), dtype=jnp.float32) * np.sqrt(2.0 / fan1)
    b1 = jax.random.uniform(ks[5], (FEAT_DIM,), dtype=jnp.float32, minval=-1.0 / np.sqrt(fan1), maxval=1.0 / np.sqrt(fan1))
    W2 = jax.random.normal(ks[6], (EMBED_DIM, FEAT_DIM), dtype=jnp.float32) * np.sqrt(2.0 / FEAT_DIM)
    b2 = jax.random.uniform(ks[7], (EMBED_DIM,), dtype=jnp.float32, minval=-1.0 / np.sqrt(FEAT_DIM), maxval=1.0 / np.sqrt(FEAT_DIM))
    return {
        'nodes': nodes,
        'edge_index_0': edge_index_0,
        'edge_index_1': edge_index_1,
        'feat_table': feat_table,
        'W1': W1, 'b1': b1, 'W2': W2, 'b2': b2,
    }


def _mean_aggregate(feat_table, edge_index, num_dst):
    # edge_index[0]: destination batch position; edge_index[1]: neighbor node id
    dst = edge_index[0]
    src = edge_index[1]
    msgs = jnp.take(feat_table, src, axis=0)              # gather  [E, D]
    summed = jax.ops.segment_sum(msgs, dst, num_segments=num_dst)  # scatter-add
    cnt = jax.ops.segment_sum(jnp.ones((src.shape[0],), jnp.float32), dst, num_segments=num_dst)
    return summed / jnp.clip(cnt, 1.0, None)[:, None]


def reference(nodes, edge_index_0, edge_index_1, feat_table, W1, b1, W2, b2):
    B = nodes.shape[0]
    self_feats = jnp.take(feat_table, nodes, axis=0)      # embedding gather [B, D]
    neigh0 = _mean_aggregate(feat_table, edge_index_0, B)
    neigh1 = _mean_aggregate(feat_table, edge_index_1, B)
    combined = jnp.concatenate([self_feats, neigh0, neigh1], axis=1)  # [B, 3D]
    h = jnp.tanh(combined @ W1.T + b1)
    out = h @ W2.T + b2
    return out

if __name__ == "__main__":
    import jax
    _d = setup_inputs()
    print(jax.jit(kernel)(*tuple(_d.values())))

</pallas_src>

<mosaic_0001>
#map = affine_map<(d0, d1) -> (0, 0)>
#map1 = affine_map<(d0, d1) -> (0, 0, 0)>
#map2 = affine_map<(d0, d1) -> (0, 0, 0, 0)>
module attributes {stable_mosaic.version = 14 : i64} {
  func.func @_aggregate(%arg0: i32, %arg1: i32, %arg2: memref<10000x128xf32, #tpu.memory_space<hbm>>, %arg3: memref<10000x64xf32, #tpu.memory_space<hbm>>, %arg4: memref<10000x64xf32, #tpu.memory_space<hbm>>, %arg5: memref<25x5x80xi32, #tpu.memory_space<hbm>>, %arg6: memref<2x16x80x125xi32, #tpu.memory_space<hbm>>, %arg7: memref<2x16x80x125xi32, #tpu.memory_space<hbm>>, %arg8: memref<125x8xf32, #tpu.memory_space<hbm>>, %arg9: memref<10000x128xf32, #tpu.memory_space<hbm>>, %arg10: memref<2x10240x128xf32, #tpu.memory_space<hbm>>, %arg11: memref<2x10240x8xf32, #tpu.memory_space<hbm>>, %arg12: memref<80x125xi32, #tpu.memory_space<vmem>>, %arg13: memref<80x125xi32, #tpu.memory_space<vmem>>, %arg14: memref<128x64xf32, #tpu.memory_space<vmem>>, %arg15: memref<128x64xf32, #tpu.memory_space<vmem>>, %arg16: memref<128x64xf32, #tpu.memory_space<vmem>>, %arg17: memref<128x64xf32, #tpu.memory_space<vmem>>, %arg18: memref<128x64xf32, #tpu.memory_space<vmem>>, %arg19: memref<128x64xf32, #tpu.memory_space<vmem>>, %arg20: memref<125x8xf32, #tpu.memory_space<vmem>>, %arg21: memref<5x80xi32, #tpu.memory_space<vmem>>, %arg22: memref<80x128xf32, #tpu.memory_space<vmem>>, %arg23: memref<128x16xf32, #tpu.memory_space<vmem>>, %arg24: memref<10240x64xf32, #tpu.memory_space<vmem_shared>>, %arg25: memref<10240x8xf32, #tpu.memory_space<vmem_shared>>, %arg26: memref<!tpu.dma_semaphore, #tpu.memory_space<semaphore_mem>>, %arg27: memref<!tpu.dma_semaphore, #tpu.memory_space<semaphore_mem>>, %arg28: memref<!tpu.dma_semaphore, #tpu.memory_space<semaphore_mem>>, %arg29: memref<!tpu.dma_semaphore, #tpu.memory_space<semaphore_mem>>, %arg30: memref<!tpu.dma_semaphore, #tpu.memory_space<semaphore_mem>>, %arg31: memref<!tpu.dma_semaphore, #tpu.memory_space<semaphore_mem>>, %arg32: memref<!tpu.dma_semaphore, #tpu.memory_space<semaphore_mem>>, %arg33: memref<!tpu.dma_semaphore, #tpu.memory_space<semaphore_mem>>, %arg34: memref<!tpu.dma_semaphore, #tpu.memory_space<semaphore_mem>>, %arg35: memref<!tpu.dma_semaphore, #tpu.memory_space<semaphore_mem>>, %arg36: memref<!tpu.dma_semaphore, #tpu.memory_space<semaphore_mem>>, %arg37: memref<!tpu.dma_semaphore, #tpu.memory_space<semaphore_mem>>, %arg38: memref<!tpu.dma_semaphore, #tpu.memory_space<semaphore_mem>>) attributes {dimension_semantics = [#tpu.dimension_semantics<core_parallel>, #tpu.dimension_semantics<subcore_parallel>], iteration_bounds = array<i64: 2, 16>, scalar_prefetch = 0 : i64, scratch_operands = 27 : i64, tpu.core_type = #tpu.core_type<sc_vector_subcore>, window_params = [{transform_indices = #map}, {transform_indices = #map}, {transform_indices = #map}, {transform_indices = #map1}, {transform_indices = #map2}, {transform_indices = #map2}, {transform_indices = #map}, {transform_indices = #map}, {transform_indices = #map1}, {transform_indices = #map1}]} {
    %mul3A = arith.constant 16 : i32
    %mul3A_0 = arith.muli %arg0, %mul3A : i32
    %add3A = arith.addi %mul3A_0, %arg1 : i32
    %broadcast_in_dim3A = arith.constant 0.000000e+00 : f32
    %broadcast_in_dim3A_1 = vector.broadcast %broadcast_in_dim3A : f32 to vector<16xf32>
    %scan3A = arith.constant 0 : i32
    %scan3A_2 = arith.constant 0 : i32
    %scan3A_3 = arith.constant 128 : i32
    %scan3A_4 = arith.addi %scan3A_2, %scan3A_3 : i32
    %scan3A_5 = arith.constant 1 : i32
    scf.for %scan3A_418 = %scan3A_2 to %scan3A_4 step %scan3A_5  : i32 {
      %swap3A = arith.index_cast %scan3A_418 : i32 to index
      %swap3A_419 = arith.constant 0 : index
      %swap3A_420 = tpu.vector_load %arg14[%swap3A, %swap3A_419] {strides = array<i32>} : memref<128x64xf32, #tpu.memory_space<vmem>>, vector<1x16xf32>,
      %swap3A_421 = vector.shape_cast %swap3A_420 : vector<1x16xf32> to vector<16xf32>
      %swap3A_422 = vector.shape_cast %broadcast_in_dim3A_1 : vector<16xf32> to vector<1x16xf32>
      tpu.vector_store %arg14[%swap3A, %swap3A_419], %swap3A_422 {strides = array<i32>} : memref<128x64xf32, #tpu.memory_space<vmem>>, vector<1x16xf32>,
      %swap3A_423 = arith.index_cast %scan3A_418 : i32 to index
      %swap3A_424 = arith.constant 16 : index
      %swap3A_425 = tpu.vector_load %arg14[%swap3A_423, %swap3A_424] {strides = array<i32>} : memref<128x64xf32, #tpu.memory_space<vmem>>, vector<1x16xf32>,
      %swap3A_426 = vector.shape_cast %swap3A_425 : vector<1x16xf32> to vector<16xf32>
      %swap3A_427 = vector.shape_cast %broadcast_in_dim3A_1 : vector<16xf32> to vector<1x16xf32>
      tpu.vector_store %arg14[%swap3A_423, %swap3A_424], %swap3A_427 {strides = array<i32>} : memref<128x64xf32, #tpu.memory_space<vmem>>, vector<1x16xf32>,
      %swap3A_428 = arith.index_cast %scan3A_418 : i32 to index
      %swap3A_429 = arith.constant 32 : index
      %swap3A_430 = tpu.vector_load %arg14[%swap3A_428, %swap3A_429] {strides = array<i32>} : memref<128x64xf32, #tpu.memory_space<vmem>>, vector<1x16xf32>,
      %swap3A_431 = vector.shape_cast %swap3A_430 : vector<1x16xf32> to vector<16xf32>
      %swap3A_432 = vector.shape_cast %broadcast_in_dim3A_1 : vector<16xf32> to vector<1x16xf32>
      tpu.vector_store %arg14[%swap3A_428, %swap3A_429], %swap3A_432 {strides = array<i32>} : memref<128x64xf32, #tpu.memory_space<vmem>>, vector<1x16xf32>,
      %swap3A_433 = arith.index_cast %scan3A_418 : i32 to index
      %swap3A_434 = arith.constant 48 : index
      %swap3A_435 = tpu.vector_load %arg14[%swap3A_433, %swap3A_434] {strides = array<i32>} : memref<128x64xf32, #tpu.memory_space<vmem>>, vector<1x16xf32>,
      %swap3A_436 = vector.shape_cast %swap3A_435 : vector<1x16xf32> to vector<16xf32>
      %swap3A_437 = vector.shape_cast %broadcast_in_dim3A_1 : vector<16xf32> to vector<1x16xf32>
      tpu.vector_store %arg14[%swap3A_433, %swap3A_434], %swap3A_437 {strides = array<i32>} : memref<128x64xf32, #tpu.memory_space<vmem>>, vector<1x16xf32>,
    }
    %scan3A_6 = arith.constant 128 : i32
    %scan3A_7 = arith.constant 0 : i32
    %scan3A_8 = arith.constant 0 : i32
    %scan3A_9 = arith.constant 128 : i32
    %scan3A_10 = arith.addi %scan3A_8, %scan3A_9 : i32
    %scan3A_11 = arith.constant 1 : i32
    scf.for %scan3A_418 = %scan3A_8 to %scan3A_10 step %scan3A_11  : i32 {
      %swap3A = arith.index_cast %scan3A_418 : i32 to index
      %swap3A_419 = arith.constant 0 : index
      %swap3A_420 = tpu.vector_load %arg23[%swap3A, %swap3A_419] {strides = array<i32>} : memref<128x16xf32, #tpu.memory_space<vmem>>, vector<1x16xf32>,
      %swap3A_421 = vector.shape_cast %swap3A_420 : vector<1x16xf32> to vector<16xf32>
      %swap3A_422 = vector.shape_cast %broadcast_in_dim3A_1 : vector<16xf32> to vector<1x16xf32>
      tpu.vector_store %arg23[%swap3A, %swap3A_419], %swap3A_422 {strides = array<i32>} : memref<128x16xf32, #tpu.memory_space<vmem>>, vector<1x16xf32>,
    }
    %scan3A_12 = arith.constant 128 : i32
    "tpu.region"() ({
      %run_scoped3A = tpu.sem_alloc : memref<!tpu.dma_semaphore, #tpu.memory_space<semaphore_mem>>
      tpu.enqueue_dma source(%arg8 : memref<125x8xf32, #tpu.memory_space<hbm>>) target(%arg20 : memref<125x8xf32, #tpu.memory_space<vmem>>) target_semaphore(%run_scoped3A : memref<!tpu.dma_semaphore, #tpu.memory_space<semaphore_mem>>)
      tpu.wait_dma2 semaphore(%run_scoped3A : memref<!tpu.dma_semaphore, #tpu.memory_space<semaphore_mem>>) src(%arg8 : memref<125x8xf32, #tpu.memory_space<hbm>>) dst(%arg20 : memref<125x8xf32, #tpu.memory_space<vmem>>)
      tpu.yield
    }) : () -> ()
    %mul3A_13 = arith.constant 640 : i32
    %mul3A_14 = arith.muli %arg1, %mul3A_13 : i32
    %add3A_15 = arith.constant 0 : i32
    %add3A_16 = arith.addi %mul3A_14, %add3A_15 : i32
    "tpu.region"() ({
      %run_scoped3A = tpu.sem_alloc : memref<!tpu.dma_semaphore, #tpu.memory_space<semaphore_mem>>
      %dma_start3A_418 = arith.constant 0 : i32
      %dma_start3A_419 = tpu.memref_slice %arg24[%add3A_16, %dma_start3A_418] : memref<10240x64xf32, #tpu.memory_space<vmem_shared>> -> memref<128x64xf32, #tpu.memory_space<vmem_shared>>
      %dma_start3A_420 = arith.constant 0 : i32
      %dma_start3A_421 = tpu.memref_slice %arg24[%add3A_16, %dma_start3A_420] : memref<10240x64xf32, #tpu.memory_space<vmem_shared>> -> memref<128x64xf32, #tpu.memory_space<vmem_shared>>
      tpu.enqueue_dma source(%arg14 : memref<128x64xf32, #tpu.memory_space<vmem>>) target(%dma_start3A_421 : memref<128x64xf32, #tpu.memory_space<vmem_shared>>) target_semaphore(%run_scoped3A : memref<!tpu.dma_semaphore, #tpu.memory_space<semaphore_mem>>)
      %dma_wait3A_422 = arith.constant 0 : i32
      %dma_wait3A_423 = tpu.memref_slice %arg24[%add3A_16, %dma_wait3A_422] : memref<10240x64xf32, #tpu.memory_space<vmem_shared>> -> memref<128x64xf32, #tpu.memory_space<vmem_shared>>
      %dma_wait3A_424 = arith.constant 0 : i32
      %dma_wait3A_425 = tpu.memref_slice %arg24[%add3A_16, %dma_wait3A_424] : memref<10240x64xf32, #tpu.memory_space<vmem_shared>> -> memref<128x64xf32, #tpu.memory_space<vmem_shared>>
      tpu.wait_dma2 semaphore(%run_scoped3A : memref<!tpu.dma_semaphore, #tpu.memory_space<semaphore_mem>>) src(%arg14 : memref<128x64xf32, #tpu.memory_space<vmem>>) dst(%dma_wait3A_425 : memref<128x64xf32, #tpu.memory_space<vmem_shared>>)
      tpu.yield
    }) : () -> ()
    %mul3A_17 = arith.constant 640 : i32
    %mul3A_18 = arith.muli %arg1, %mul3A_17 : i32
    %add3A_19 = arith.constant 128 : i32
    %add3A_20 = arith.addi %mul3A_18, %add3A_19 : i32
    "tpu.region"() ({
      %run_scoped3A = tpu.sem_alloc : memref<!tpu.dma_semaphore, #tpu.memory_space<semaphore_mem>>
      %dma_start3A_418 = arith.constant 0 : i32
      %dma_start3A_419 = tpu.memref_slice %arg24[%add3A_20, %dma_start3A_418] : memref<10240x64xf32, #tpu.memory_space<vmem_shared>> -> memref<128x64xf32, #tpu.memory_space<vmem_shared>>
      %dma_start3A_420 = arith.constant 0 : i32
      %dma_start3A_421 = tpu.memref_slice %arg24[%add3A_20, %dma_start3A_420] : memref<10240x64xf32, #tpu.memory_space<vmem_shared>> -> memref<128x64xf32, #tpu.memory_space<vmem_shared>>
      tpu.enqueue_dma source(%arg14 : memref<128x64xf32, #tpu.memory_space<vmem>>) target(%dma_start3A_421 : memref<128x64xf32, #tpu.memory_space<vmem_shared>>) target_semaphore(%run_scoped3A : memref<!tpu.dma_semaphore, #tpu.memory_space<semaphore_mem>>)
      %dma_wait3A_422 = arith.constant 0 : i32
      %dma_wait3A_423 = tpu.memref_slice %arg24[%add3A_20, %dma_wait3A_422] : memref<10240x64xf32, #tpu.memory_space<vmem_shared>> -> memref<128x64xf32, #tpu.memory_space<vmem_shared>>
      %dma_wait3A_424 = arith.constant 0 : i32
      %dma_wait3A_425 = tpu.memref_slice %arg24[%add3A_20, %dma_wait3A_424] : memref<10240x64xf32, #tpu.memory_space<vmem_shared>> -> memref<128x64xf32, #tpu.memory_space<vmem_shared>>
      tpu.wait_dma2 semaphore(%run_scoped3A : memref<!tpu.dma_semaphore, #tpu.memory_space<semaphore_mem>>) src(%arg14 : memref<128x64xf32, #tpu.memory_space<vmem>>) dst(%dma_wait3A_425 : memref<128x64xf32, #tpu.memory_space<vmem_shared>>)
      tpu.yield
    }) : () -> ()
    %mul3A_21 = arith.constant 640 : i32
    %mul3A_22 = arith.muli %arg1, %mul3A_21 : i32
    %add3A_23 = arith.constant 256 : i32
    %add3A_24 = arith.addi %mul3A_22, %add3A_23 : i32
    "tpu.region"() ({
      %run_scoped3A = tpu.sem_alloc : memref<!tpu.dma_semaphore, #tpu.memory_space<semaphore_mem>>
      %dma_start3A_418 = arith.constant 0 : i32
      %dma_start3A_419 = tpu.memref_slice %arg24[%add3A_24, %dma_start3A_418] : memref<10240x64xf32, #tpu.memory_space<vmem_shared>> -> memref<128x64xf32, #tpu.memory_space<vmem_shared>>
      %dma_start3A_420 = arith.constant 0 : i32
      %dma_start3A_421 = tpu.memref_slice %arg24[%add3A_24, %dma_start3A_420] : memref<10240x64xf32, #tpu.memory_space<vmem_shared>> -> memref<128x64xf32, #tpu.memory_space<vmem_shared>>
      tpu.enqueue_dma source(%arg14 : memref<128x64xf32, #tpu.memory_space<vmem>>) target(%dma_start3A_421 : memref<128x64xf32, #tpu.memory_space<vmem_shared>>) target_semaphore(%run_scoped3A : memref<!tpu.dma_semaphore, #tpu.memory_space<semaphore_mem>>)
      %dma_wait3A_422 = arith.constant 0 : i32
      %dma_wait3A_423 = tpu.memref_slice %arg24[%add3A_24, %dma_wait3A_422] : memref<10240x64xf32, #tpu.memory_space<vmem_shared>> -> memref<128x64xf32, #tpu.memory_space<vmem_shared>>
      %dma_wait3A_424 = arith.constant 0 : i32
      %dma_wait3A_425 = tpu.memref_slice %arg24[%add3A_24, %dma_wait3A_424] : memref<10240x64xf32, #tpu.memory_space<vmem_shared>> -> memref<128x64xf32, #tpu.memory_space<vmem_shared>>
      tpu.wait_dma2 semaphore(%run_scoped3A : memref<!tpu.dma_semaphore, #tpu.memory_space<semaphore_mem>>) src(%arg14 : memref<128x64xf32, #tpu.memory_space<vmem>>) dst(%dma_wait3A_425 : memref<128x64xf32, #tpu.memory_space<vmem_shared>>)
      tpu.yield
    }) : () -> ()
    %mul3A_25 = arith.constant 640 : i32
    %mul3A_26 = arith.muli %arg1, %mul3A_25 : i32
    %add3A_27 = arith.constant 384 : i32
    %add3A_28 = arith.addi %mul3A_26, %add3A_27 : i32
    "tpu.region"() ({
      %run_scoped3A = tpu.sem_alloc : memref<!tpu.dma_semaphore, #tpu.memory_space<semaphore_mem>>
      %dma_start3A_418 = arith.constant 0 : i32
      %dma_start3A_419 = tpu.memref_slice %arg24[%add3A_28, %dma_start3A_418] : memref<10240x64xf32, #tpu.memory_space<vmem_shared>> -> memref<128x64xf32, #tpu.memory_space<vmem_shared>>
      %dma_start3A_420 = arith.constant 0 : i32
      %dma_start3A_421 = tpu.memref_slice %arg24[%add3A_28, %dma_start3A_420] : memref<10240x64xf32, #tpu.memory_space<vmem_shared>> -> memref<128x64xf32, #tpu.memory_space<vmem_shared>>
      tpu.enqueue_dma source(%arg14 : memref<128x64xf32, #tpu.memory_space<vmem>>) target(%dma_start3A_421 : memref<128x64xf32, #tpu.memory_space<vmem_shared>>) target_semaphore(%run_scoped3A : memref<!tpu.dma_semaphore, #tpu.memory_space<semaphore_mem>>)
      %dma_wait3A_422 = arith.constant 0 : i32
      %dma_wait3A_423 = tpu.memref_slice %arg24[%add3A_28, %dma_wait3A_422] : memref<10240x64xf32, #tpu.memory_space<vmem_shared>> -> memref<128x64xf32, #tpu.memory_space<vmem_shared>>
      %dma_wait3A_424 = arith.constant 0 : i32
      %dma_wait3A_425 = tpu.memref_slice %arg24[%add3A_28, %dma_wait3A_424] : memref<10240x64xf32, #tpu.memory_space<vmem_shared>> -> memref<128x64xf32, #tpu.memory_space<vmem_shared>>
      tpu.wait_dma2 semaphore(%run_scoped3A : memref<!tpu.dma_semaphore, #tpu.memory_space<semaphore_mem>>) src(%arg14 : memref<128x64xf32, #tpu.memory_space<vmem>>) dst(%dma_wait3A_425 : memref<128x64xf32, #tpu.memory_space<vmem_shared>>)
      tpu.yield
    }) : () -> ()
    %mul3A_29 = arith.constant 640 : i32
    %mul3A_30 = arith.muli %arg1, %mul3A_29 : i32
    %add3A_31 = arith.constant 512 : i32
    %add3A_32 = arith.addi %mul3A_30, %add3A_31 : i32
    "tpu.region"() ({
      %run_scoped3A = tpu.sem_alloc : memref<!tpu.dma_semaphore, #tpu.memory_space<semaphore_mem>>
      %dma_start3A_418 = arith.constant 0 : i32
      %dma_start3A_419 = tpu.memref_slice %arg24[%add3A_32, %dma_start3A_418] : memref<10240x64xf32, #tpu.memory_space<vmem_shared>> -> memref<128x64xf32, #tpu.memory_space<vmem_shared>>
      %dma_start3A_420 = arith.constant 0 : i32
      %dma_start3A_421 = tpu.memref_slice %arg24[%add3A_32, %dma_start3A_420] : memref<10240x64xf32, #tpu.memory_space<vmem_shared>> -> memref<128x64xf32, #tpu.memory_space<vmem_shared>>
      tpu.enqueue_dma source(%arg14 : memref<128x64xf32, #tpu.memory_space<vmem>>) target(%dma_start3A_421 : memref<128x64xf32, #tpu.memory_space<vmem_shared>>) target_semaphore(%run_scoped3A : memref<!tpu.dma_semaphore, #tpu.memory_space<semaphore_mem>>)
      %dma_wait3A_422 = arith.constant 0 : i32
      %dma_wait3A_423 = tpu.memref_slice %arg24[%add3A_32, %dma_wait3A_422] : memref<10240x64xf32, #tpu.memory_space<vmem_shared>> -> memref<128x64xf32, #tpu.memory_space<vmem_shared>>
      %dma_wait3A_424 = arith.constant 0 : i32
      %dma_wait3A_425 = tpu.memref_slice %arg24[%add3A_32, %dma_wait3A_424] : memref<10240x64xf32, #tpu.memory_space<vmem_shared>> -> memref<128x64xf32, #tpu.memory_space<vmem_shared>>
      tpu.wait_dma2 semaphore(%run_scoped3A : memref<!tpu.dma_semaphore, #tpu.memory_space<semaphore_mem>>) src(%arg14 : memref<128x64xf32, #tpu.memory_space<vmem>>) dst(%dma_wait3A_425 : memref<128x64xf32, #tpu.memory_space<vmem_shared>>)
      tpu.yield
    }) : () -> ()
    %mul3A_33 = arith.constant 640 : i32
    %mul3A_34 = arith.muli %arg1, %mul3A_33 : i32
    %add3A_35 = arith.constant 0 : i32
    %add3A_36 = arith.addi %mul3A_34, %add3A_35 : i32
    "tpu.region"() ({
      %run_scoped3A = tpu.sem_alloc : memref<!tpu.dma_semaphore, #tpu.memory_space<semaphore_mem>>
      %dma_start3A_418 = arith.constant 0 : i32
      %dma_start3A_419 = arith.constant 0 : i32
      %dma_start3A_420 = tpu.memref_slice %arg23[%dma_start3A_418, %dma_start3A_419] : memref<128x16xf32, #tpu.memory_space<vmem>> -> memref<128x8xf32, #tpu.memory_space<vmem>>
      %dma_start3A_421 = arith.constant 0 : i32
      %dma_start3A_422 = tpu.memref_slice %arg25[%add3A_36, %dma_start3A_421] : memref<10240x8xf32, #tpu.memory_space<vmem_shared>> -> memref<128x8xf32, #tpu.memory_space<vmem_shared>>
      %dma_start3A_423 = arith.constant 0 : i32
      %dma_start3A_424 = tpu.memref_slice %arg25[%add3A_36, %dma_start3A_423] : memref<10240x8xf32, #tpu.memory_space<vmem_shared>> -> memref<128x8xf32, #tpu.memory_space<vmem_shared>>
      %dma_start3A_425 = arith.constant 0 : i32
      %dma_start3A_426 = arith.constant 0 : i32
      %dma_start3A_427 = tpu.memref_slice %arg23[%dma_start3A_425, %dma_start3A_426] : memref<128x16xf32, #tpu.memory_space<vmem>> -> memref<128x8xf32, #tpu.memory_space<vmem>>
      tpu.enqueue_dma source(%dma_start3A_427 : memref<128x8xf32, #tpu.memory_space<vmem>>) target(%dma_start3A_424 : memref<128x8xf32, #tpu.memory_space<vmem_shared>>) target_semaphore(%run_scoped3A : memref<!tpu.dma_semaphore, #tpu.memory_space<semaphore_mem>>)
      %dma_wait3A_428 = arith.constant 0 : i32
      %dma_wait3A_429 = arith.constant 0 : i32
      %dma_wait3A_430 = tpu.memref_slice %arg23[%dma_wait3A_428, %dma_wait3A_429] : memref<128x16xf32, #tpu.memory_space<vmem>> -> memref<128x8xf32, #tpu.memory_space<vmem>>
      %dma_wait3A_431 = arith.constant 0 : i32
      %dma_wait3A_432 = tpu.memref_slice %arg25[%add3A_36, %dma_wait3A_431] : memref<10240x8xf32, #tpu.memory_space<vmem_shared>> -> memref<128x8xf32, #tpu.memory_space<vmem_shared>>
      %dma_wait3A_433 = arith.constant 0 : i32
      %dma_wait3A_434 = tpu.memref_slice %arg25[%add3A_36, %dma_wait3A_433] : memref<10240x8xf32, #tpu.memory_space<vmem_shared>> -> memref<128x8xf32, #tpu.memory_space<vmem_shared>>
      %dma_wait3A_435 = arith.constant 0 : i32
      %dma_wait3A_436 = arith.constant 0 : i32
      %dma_wait3A_437 = tpu.memref_slice %arg23[%dma_wait3A_435, %dma_wait3A_436] : memref<128x16xf32, #tpu.memory_space<vmem>> -> memref<128x8xf32, #tpu.memory_space<vmem>>
      tpu.wait_dma2 semaphore(%run_scoped3A : memref<!tpu.dma_semaphore, #tpu.memory_space<semaphore_mem>>) src(%dma_wait3A_437 : memref<128x8xf32, #tpu.memory_space<vmem>>) dst(%dma_wait3A_434 : memref<128x8xf32, #tpu.memory_space<vmem_shared>>)
      tpu.yield
    }) : () -> ()
    %mul3A_37 = arith.constant 640 : i32
    %mul3A_38 = arith.muli %arg1, %mul3A_37 : i32
    %add3A_39 = arith.constant 128 : i32
    %add3A_40 = arith.addi %mul3A_38, %add3A_39 : i32
    "tpu.region"() ({
      %run_scoped3A = tpu.sem_alloc : memref<!tpu.dma_semaphore, #tpu.memory_space<semaphore_mem>>
      %dma_start3A_418 = arith.constant 0 : i32
      %dma_start3A_419 = arith.constant 0 : i32
      %dma_start3A_420 = tpu.memref_slice %arg23[%dma_start3A_418, %dma_start3A_419] : memref<128x16xf32, #tpu.memory_space<vmem>> -> memref<128x8xf32, #tpu.memory_space<vmem>>
      %dma_start3A_421 = arith.constant 0 : i32
      %dma_start3A_422 = tpu.memref_slice %arg25[%add3A_40, %dma_start3A_421] : memref<10240x8xf32, #tpu.memory_space<vmem_shared>> -> memref<128x8xf32, #tpu.memory_space<vmem_shared>>
      %dma_start3A_423 = arith.constant 0 : i32
      %dma_start3A_424 = tpu.memref_slice %arg25[%add3A_40, %dma_start3A_423] : memref<10240x8xf32, #tpu.memory_space<vmem_shared>> -> memref<128x8xf32, #tpu.memory_space<vmem_shared>>
      %dma_start3A_425 = arith.constant 0 : i32
      %dma_start3A_426 = arith.constant 0 : i32
      %dma_start3A_427 = tpu.memref_slice %arg23[%dma_start3A_425, %dma_start3A_426] : memref<128x16xf32, #tpu.memory_space<vmem>> -> memref<128x8xf32, #tpu.memory_space<vmem>>
      tpu.enqueue_dma source(%dma_start3A_427 : memref<128x8xf32, #tpu.memory_space<vmem>>) target(%dma_start3A_424 : memref<128x8xf32, #tpu.memory_space<vmem_shared>>) target_semaphore(%run_scoped3A : memref<!tpu.dma_semaphore, #tpu.memory_space<semaphore_mem>>)
      %dma_wait3A_428 = arith.constant 0 : i32
      %dma_wait3A_429 = arith.constant 0 : i32
      %dma_wait3A_430 = tpu.memref_slice %arg23[%dma_wait3A_428, %dma_wait3A_429] : memref<128x16xf32, #tpu.memory_space<vmem>> -> memref<128x8xf32, #tpu.memory_space<vmem>>
      %dma_wait3A_431 = arith.constant 0 : i32
      %dma_wait3A_432 = tpu.memref_slice %arg25[%add3A_40, %dma_wait3A_431] : memref<10240x8xf32, #tpu.memory_space<vmem_shared>> -> memref<128x8xf32, #tpu.memory_space<vmem_shared>>
      %dma_wait3A_433 = arith.constant 0 : i32
      %dma_wait3A_434 = tpu.memref_slice %arg25[%add3A_40, %dma_wait3A_433] : memref<10240x8xf32, #tpu.memory_space<vmem_shared>> -> memref<128x8xf32, #tpu.memory_space<vmem_shared>>
      %dma_wait3A_435 = arith.constant 0 : i32
      %dma_wait3A_436 = arith.constant 0 : i32
      %dma_wait3A_437 = tpu.memref_slice %arg23[%dma_wait3A_435, %dma_wait3A_436] : memref<128x16xf32, #tpu.memory_space<vmem>> -> memref<128x8xf32, #tpu.memory_space<vmem>>
      tpu.wait_dma2 semaphore(%run_scoped3A : memref<!tpu.dma_semaphore, #tpu.memory_space<semaphore_mem>>) src(%dma_wait3A_437 : memref<128x8xf32, #tpu.memory_space<vmem>>) dst(%dma_wait3A_434 : memref<128x8xf32, #tpu.memory_space<vmem_shared>>)
      tpu.yield
    }) : () -> ()
    %mul3A_41 = arith.constant 640 : i32
    %mul3A_42 = arith.muli %arg1, %mul3A_41 : i32
    %add3A_43 = arith.constant 256 : i32
    %add3A_44 = arith.addi %mul3A_42, %add3A_43 : i32
    "tpu.region"() ({
      %run_scoped3A = tpu.sem_alloc : memref<!tpu.dma_semaphore, #tpu.memory_space<semaphore_mem>>
      %dma_start3A_418 = arith.constant 0 : i32
      %dma_start3A_419 = arith.constant 0 : i32
      %dma_start3A_420 = tpu.memref_slice %arg23[%dma_start3A_418, %dma_start3A_419] : memref<128x16xf32, #tpu.memory_space<vmem>> -> memref<128x8xf32, #tpu.memory_space<vmem>>
      %dma_start3A_421 = arith.constant 0 : i32
      %dma_start3A_422 = tpu.memref_slice %arg25[%add3A_44, %dma_start3A_421] : memref<10240x8xf32, #tpu.memory_space<vmem_shared>> -> memref<128x8xf32, #tpu.memory_space<vmem_shared>>
      %dma_start3A_423 = arith.constant 0 : i32
      %dma_start3A_424 = tpu.memref_slice %arg25[%add3A_44, %dma_start3A_423] : memref<10240x8xf32, #tpu.memory_space<vmem_shared>> -> memref<128x8xf32, #tpu.memory_space<vmem_shared>>
      %dma_start3A_425 = arith.constant 0 : i32
      %dma_start3A_426 = arith.constant 0 : i32
      %dma_start3A_427 = tpu.memref_slice %arg23[%dma_start3A_425, %dma_start3A_426] : memref<128x16xf32, #tpu.memory_space<vmem>> -> memref<128x8xf32, #tpu.memory_space<vmem>>
      tpu.enqueue_dma source(%dma_start3A_427 : memref<128x8xf32, #tpu.memory_space<vmem>>) target(%dma_start3A_424 : memref<128x8xf32, #tpu.memory_space<vmem_shared>>) target_semaphore(%run_scoped3A : memref<!tpu.dma_semaphore, #tpu.memory_space<semaphore_mem>>)
      %dma_wait3A_428 = arith.constant 0 : i32
      %dma_wait3A_429 = arith.constant 0 : i32
      %dma_wait3A_430 = tpu.memref_slice %arg23[%dma_wait3A_428, %dma_wait3A_429] : memref<128x16xf32, #tpu.memory_space<vmem>> -> memref<128x8xf32, #tpu.memory_space<vmem>>
      %dma_wait3A_431 = arith.constant 0 : i32
      %dma_wait3A_432 = tpu.memref_slice %arg25[%add3A_44, %dma_wait3A_431] : memref<10240x8xf32, #tpu.memory_space<vmem_shared>> -> memref<128x8xf32, #tpu.memory_space<vmem_shared>>
      %dma_wait3A_433 = arith.constant 0 : i32
      %dma_wait3A_434 = tpu.memref_slice %arg25[%add3A_44, %dma_wait3A_433] : memref<10240x8xf32, #tpu.memory_space<vmem_shared>> -> memref<128x8xf32, #tpu.memory_space<vmem_shared>>
      %dma_wait3A_435 = arith.constant 0 : i32
      %dma_wait3A_436 = arith.constant 0 : i32
      %dma_wait3A_437 = tpu.memref_slice %arg23[%dma_wait3A_435, %dma_wait3A_436] : memref<128x16xf32, #tpu.memory_space<vmem>> -> memref<128x8xf32, #tpu.memory_space<vmem>>
      tpu.wait_dma2 semaphore(%run_scoped3A : memref<!tpu.dma_semaphore, #tpu.memory_space<semaphore_mem>>) src(%dma_wait3A_437 : memref<128x8xf32, #tpu.memory_space<vmem>>) dst(%dma_wait3A_434 : memref<128x8xf32, #tpu.memory_space<vmem_shared>>)
      tpu.yield
    }) : () -> ()
    %mul3A_45 = arith.constant 640 : i32
    %mul3A_46 = arith.muli %arg1, %mul3A_45 : i32
    %add3A_47 = arith.constant 384 : i32
    %add3A_48 = arith.addi %mul3A_46, %add3A_47 : i32
    "tpu.region"() ({
      %run_scoped3A = tpu.sem_alloc : memref<!tpu.dma_semaphore, #tpu.memory_space<semaphore_mem>>
      %dma_start3A_418 = arith.constant 0 : i32
      %dma_start3A_419 = arith.constant 0 : i32
      %dma_start3A_420 = tpu.memref_slice %arg23[%dma_start3A_418, %dma_start3A_419] : memref<128x16xf32, #tpu.memory_space<vmem>> -> memref<128x8xf32, #tpu.memory_space<vmem>>
      %dma_start3A_421 = arith.constant 0 : i32
      %dma_start3A_422 = tpu.memref_slice %arg25[%add3A_48, %dma_start3A_421] : memref<10240x8xf32, #tpu.memory_space<vmem_shared>> -> memref<128x8xf32, #tpu.memory_space<vmem_shared>>
      %dma_start3A_423 = arith.constant 0 : i32
      %dma_start3A_424 = tpu.memref_slice %arg25[%add3A_48, %dma_start3A_423] : memref<10240x8xf32, #tpu.memory_space<vmem_shared>> -> memref<128x8xf32, #tpu.memory_space<vmem_shared>>
      %dma_start3A_425 = arith.constant 0 : i32
      %dma_start3A_426 = arith.constant 0 : i32
      %dma_start3A_427 = tpu.memref_slice %arg23[%dma_start3A_425, %dma_start3A_426] : memref<128x16xf32, #tpu.memory_space<vmem>> -> memref<128x8xf32, #tpu.memory_space<vmem>>
      tpu.enqueue_dma source(%dma_start3A_427 : memref<128x8xf32, #tpu.memory_space<vmem>>) target(%dma_start3A_424 : memref<128x8xf32, #tpu.memory_space<vmem_shared>>) target_semaphore(%run_scoped3A : memref<!tpu.dma_semaphore, #tpu.memory_space<semaphore_mem>>)
      %dma_wait3A_428 = arith.constant 0 : i32
      %dma_wait3A_429 = arith.constant 0 : i32
      %dma_wait3A_430 = tpu.memref_slice %arg23[%dma_wait3A_428, %dma_wait3A_429] : memref<128x16xf32, #tpu.memory_space<vmem>> -> memref<128x8xf32, #tpu.memory_space<vmem>>
      %dma_wait3A_431 = arith.constant 0 : i32
      %dma_wait3A_432 = tpu.memref_slice %arg25[%add3A_48, %dma_wait3A_431] : memref<10240x8xf32, #tpu.memory_space<vmem_shared>> -> memref<128x8xf32, #tpu.memory_space<vmem_shared>>
      %dma_wait3A_433 = arith.constant 0 : i32
      %dma_wait3A_434 = tpu.memref_slice %arg25[%add3A_48, %dma_wait3A_433] : memref<10240x8xf32, #tpu.memory_space<vmem_shared>> -> memref<128x8xf32, #tpu.memory_space<vmem_shared>>
      %dma_wait3A_435 = arith.constant 0 : i32
      %dma_wait3A_436 = arith.constant 0 : i32
      %dma_wait3A_437 = tpu.memref_slice %arg23[%dma_wait3A_435, %dma_wait3A_436] : memref<128x16xf32, #tpu.memory_space<vmem>> -> memref<128x8xf32, #tpu.memory_space<vmem>>
      tpu.wait_dma2 semaphore(%run_scoped3A : memref<!tpu.dma_semaphore, #tpu.memory_space<semaphore_mem>>) src(%dma_wait3A_437 : memref<128x8xf32, #tpu.memory_space<vmem>>) dst(%dma_wait3A_434 : memref<128x8xf32, #tpu.memory_space<vmem_shared>>)
      tpu.yield
    }) : () -> ()
    %mul3A_49 = arith.constant 640 : i32
    %mul3A_50 = arith.muli %arg1, %mul3A_49 : i32
    %add3A_51 = arith.constant 512 : i32
    %add3A_52 = arith.addi %mul3A_50, %add3A_51 : i32
    "tpu.region"() ({
      %run_scoped3A = tpu.sem_alloc : memref<!tpu.dma_semaphore, #tpu.memory_space<semaphore_mem>>
      %dma_start3A_418 = arith.constant 0 : i32
      %dma_start3A_419 = arith.constant 0 : i32
      %dma_start3A_420 = tpu.memref_slice %arg23[%dma_start3A_418, %dma_start3A_419] : memref<128x16xf32, #tpu.memory_space<vmem>> -> memref<128x8xf32, #tpu.memory_space<vmem>>
      %dma_start3A_421 = arith.constant 0 : i32
      %dma_start3A_422 = tpu.memref_slice %arg25[%add3A_52, %dma_start3A_421] : memref<10240x8xf32, #tpu.memory_space<vmem_shared>> -> memref<128x8xf32, #tpu.memory_space<vmem_shared>>
      %dma_start3A_423 = arith.constant 0 : i32
      %dma_start3A_424 = tpu.memref_slice %arg25[%add3A_52, %dma_start3A_423] : memref<10240x8xf32, #tpu.memory_space<vmem_shared>> -> memref<128x8xf32, #tpu.memory_space<vmem_shared>>
      %dma_start3A_425 = arith.constant 0 : i32
      %dma_start3A_426 = arith.constant 0 : i32
      %dma_start3A_427 = tpu.memref_slice %arg23[%dma_start3A_425, %dma_start3A_426] : memref<128x16xf32, #tpu.memory_space<vmem>> -> memref<128x8xf32, #tpu.memory_space<vmem>>
      tpu.enqueue_dma source(%dma_start3A_427 : memref<128x8xf32, #tpu.memory_space<vmem>>) target(%dma_start3A_424 : memref<128x8xf32, #tpu.memory_space<vmem_shared>>) target_semaphore(%run_scoped3A : memref<!tpu.dma_semaphore, #tpu.memory_space<semaphore_mem>>)
      %dma_wait3A_428 = arith.constant 0 : i32
      %dma_wait3A_429 = arith.constant 0 : i32
      %dma_wait3A_430 = tpu.memref_slice %arg23[%dma_wait3A_428, %dma_wait3A_429] : memref<128x16xf32, #tpu.memory_space<vmem>> -> memref<128x8xf32, #tpu.memory_space<vmem>>
      %dma_wait3A_431 = arith.constant 0 : i32
      %dma_wait3A_432 = tpu.memref_slice %arg25[%add3A_52, %dma_wait3A_431] : memref<10240x8xf32, #tpu.memory_space<vmem_shared>> -> memref<128x8xf32, #tpu.memory_space<vmem_shared>>
      %dma_wait3A_433 = arith.constant 0 : i32
      %dma_wait3A_434 = tpu.memref_slice %arg25[%add3A_52, %dma_wait3A_433] : memref<10240x8xf32, #tpu.memory_space<vmem_shared>> -> memref<128x8xf32, #tpu.memory_space<vmem_shared>>
      %dma_wait3A_435 = arith.constant 0 : i32
      %dma_wait3A_436 = arith.constant 0 : i32
      %dma_wait3A_437 = tpu.memref_slice %arg23[%dma_wait3A_435, %dma_wait3A_436] : memref<128x16xf32, #tpu.memory_space<vmem>> -> memref<128x8xf32, #tpu.memory_space<vmem>>
      tpu.wait_dma2 semaphore(%run_scoped3A : memref<!tpu.dma_semaphore, #tpu.memory_space<semaphore_mem>>) src(%dma_wait3A_437 : memref<128x8xf32, #tpu.memory_space<vmem>>) dst(%dma_wait3A_434 : memref<128x8xf32, #tpu.memory_space<vmem_shared>>)
      tpu.yield
    }) : () -> ()
    %barrier3A = arith.constant 0 : index
    tpu.barrier barrier_id(%barrier3A)
    %eq3A = arith.constant 0 : i32
    %eq3A_53 = arith.cmpi eq, %arg0, %eq3A : i32
    %convert_element_type3A = arith.extui %eq3A_53 : i1 to i32
    %cond3A = arith.constant 0 : i32
    %cond3A_54 = arith.cmpi ne, %convert_element_type3A, %cond3A : i32
    scf.if %cond3A_54 {
      %run_scoped3A = arith.constant 1 : i32
      "tpu.region"() ({
        %run_scoped3A_419 = tpu.sem_alloc : memref<!tpu.dma_semaphore, #tpu.memory_space<semaphore_mem>>
        %dma_start3A_420 = arith.constant 0 : i32
        %dma_start3A_421 = arith.constant 0 : i32
        %dma_start3A_422 = tpu.memref_slice %arg6[%run_scoped3A, %arg1, %dma_start3A_420, %dma_start3A_421] : memref<2x16x80x125xi32, #tpu.memory_space<hbm>> -> memref<1x1x80x125xi32, #tpu.memory_space<hbm>>
        %dma_start3A_423 = tpu.memref_squeeze %dma_start3A_422 : memref<1x1x80x125xi32, #tpu.memory_space<hbm>> -> memref<80x125xi32, #tpu.memory_space<hbm>>
        %dma_start3A_424 = arith.constant 0 : i32
        %dma_start3A_425 = arith.constant 0 : i32
        %dma_start3A_426 = tpu.memref_slice %arg6[%run_scoped3A, %arg1, %dma_start3A_424, %dma_start3A_425] : memref<2x16x80x125xi32, #tpu.memory_space<hbm>> -> memref<1x1x80x125xi32, #tpu.memory_space<hbm>>
        %dma_start3A_427 = tpu.memref_squeeze %dma_start3A_426 : memref<1x1x80x125xi32, #tpu.memory_space<hbm>> -> memref<80x125xi32, #tpu.memory_space<hbm>>
        tpu.enqueue_dma source(%dma_start3A_427 : memref<80x125xi32, #tpu.memory_space<hbm>>) target(%arg12 : memref<80x125xi32, #tpu.memory_space<vmem>>) target_semaphore(%run_scoped3A_419 : memref<!tpu.dma_semaphore, #tpu.memory_space<semaphore_mem>>)
        %dma_wait3A_428 = arith.constant 0 : i32
        %dma_wait3A_429 = arith.constant 0 : i32
        %dma_wait3A_430 = tpu.memref_slice %arg6[%run_scoped3A, %arg1, %dma_wait3A_428, %dma_wait3A_429] : memref<2x16x80x125xi32, #tpu.memory_space<hbm>> -> memref<1x1x80x125xi32, #tpu.memory_space<hbm>>
        %dma_wait3A_431 = tpu.memref_squeeze %dma_wait3A_430 : memref<1x1x80x125xi32, #tpu.memory_space<hbm>> -> memref<80x125xi32, #tpu.memory_space<hbm>>
        %dma_wait3A_432 = arith.constant 0 : i32
        %dma_wait3A_433 = arith.constant 0 : i32
        %dma_wait3A_434 = tpu.memref_slice %arg6[%run_scoped3A, %arg1, %dma_wait3A_432, %dma_wait3A_433] : memref<2x16x80x125xi32, #tpu.memory_space<hbm>> -> memref<1x1x80x125xi32, #tpu.memory_space<hbm>>
        %dma_wait3A_435 = tpu.memref_squeeze %dma_wait3A_434 : memref<1x1x80x125xi32, #tpu.memory_space<hbm>> -> memref<80x125xi32, #tpu.memory_space<hbm>>
        tpu.wait_dma2 semaphore(%run_scoped3A_419 : memref<!tpu.dma_semaphore, #tpu.memory_space<semaphore_mem>>) src(%dma_wait3A_435 : memref<80x125xi32, #tpu.memory_space<hbm>>) dst(%arg12 : memref<80x125xi32, #tpu.memory_space<vmem>>)
        tpu.yield
      }) : () -> ()
      %run_scoped3A_418 = arith.constant 0 : i32
      "tpu.region"() ({
        %run_scoped3A_419 = tpu.sem_alloc : memref<!tpu.dma_semaphore, #tpu.memory_space<semaphore_mem>>
        %dma_start3A_420 = arith.constant 0 : i32
        %dma_start3A_421 = arith.constant 0 : i32
        %dma_start3A_422 = tpu.memref_slice %arg6[%run_scoped3A_418, %arg1, %dma_start3A_420, %dma_start3A_421] : memref<2x16x80x125xi32, #tpu.memory_space<hbm>> -> memref<1x1x80x125xi32, #tpu.memory_space<hbm>>
        %dma_start3A_423 = tpu.memref_squeeze %dma_start3A_422 : memref<1x1x80x125xi32, #tpu.memory_space<hbm>> -> memref<80x125xi32, #tpu.memory_space<hbm>>
        %dma_start3A_424 = arith.constant 0 : i32
        %dma_start3A_425 = arith.constant 0 : i32
        %dma_start3A_426 = tpu.memref_slice %arg6[%run_scoped3A_418, %arg1, %dma_start3A_424, %dma_start3A_425] : memref<2x16x80x125xi32, #tpu.memory_space<hbm>> -> memref<1x1x80x125xi32, #tpu.memory_space<hbm>>
        %dma_start3A_427 = tpu.memref_squeeze %dma_start3A_426 : memref<1x1x80x125xi32, #tpu.memory_space<hbm>> -> memref<80x125xi32, #tpu.memory_space<hbm>>
        tpu.enqueue_dma source(%dma_start3A_427 : memref<80x125xi32, #tpu.memory_space<hbm>>) target(%arg13 : memref<80x125xi32, #tpu.memory_space<vmem>>) target_semaphore(%run_scoped3A_419 : memref<!tpu.dma_semaphore, #tpu.memory_space<semaphore_mem>>)
        %dma_wait3A_428 = arith.constant 0 : i32
        %dma_wait3A_429 = arith.constant 0 : i32
        %dma_wait3A_430 = tpu.memref_slice %arg6[%run_scoped3A_418, %arg1, %dma_wait3A_428, %dma_wait3A_429] : memref<2x16x80x125xi32, #tpu.memory_space<hbm>> -> memref<1x1x80x125xi32, #tpu.memory_space<hbm>>
        %dma_wait3A_431 = tpu.memref_squeeze %dma_wait3A_430 : memref<1x1x80x125xi32, #tpu.memory_space<hbm>> -> memref<80x125xi32, #tpu.memory_space<hbm>>
        %dma_wait3A_432 = arith.constant 0 : i32
        %dma_wait3A_433 = arith.constant 0 : i32
        %dma_wait3A_434 = tpu.memref_slice %arg6[%run_scoped3A_418, %arg1, %dma_wait3A_432, %dma_wait3A_433] : memref<2x16x80x125xi32, #tpu.memory_space<hbm>> -> memref<1x1x80x125xi32, #tpu.memory_space<hbm>>
        %dma_wait3A_435 = tpu.memref_squeeze %dma_wait3A_434 : memref<1x1x80x125xi32, #tpu.memory_space<hbm>> -> memref<80x125xi32, #tpu.memory_space<hbm>>
        tpu.wait_dma2 semaphore(%run_scoped3A_419 : memref<!tpu.dma_semaphore, #tpu.memory_space<semaphore_mem>>) src(%dma_wait3A_435 : memref<80x125xi32, #tpu.memory_space<hbm>>) dst(%arg13 : memref<80x125xi32, #tpu.memory_space<vmem>>)
        tpu.yield
      }) : () -> ()
    } else {
    }
    %eq3A_55 = arith.constant 1 : i32
    %eq3A_56 = arith.cmpi eq, %arg0, %eq3A_55 : i32
    %convert_element_type3A_57 = arith.extui %eq3A_56 : i1 to i32
    %cond3A_58 = arith.constant 0 : i32
    %cond3A_59 = arith.cmpi ne, %convert_element_type3A_57, %cond3A_58 : i32
    scf.if %cond3A_59 {
      %run_scoped3A = arith.constant 1 : i32
      "tpu.region"() ({
        %run_scoped3A_419 = tpu.sem_alloc : memref<!tpu.dma_semaphore, #tpu.memory_space<semaphore_mem>>
        %dma_start3A_420 = arith.constant 0 : i32
        %dma_start3A_421 = arith.constant 0 : i32
        %dma_start3A_422 = tpu.memref_slice %arg7[%run_scoped3A, %arg1, %dma_start3A_420, %dma_start3A_421] : memref<2x16x80x125xi32, #tpu.memory_space<hbm>> -> memref<1x1x80x125xi32, #tpu.memory_space<hbm>>
        %dma_start3A_423 = tpu.memref_squeeze %dma_start3A_422 : memref<1x1x80x125xi32, #tpu.memory_space<hbm>> -> memref<80x125xi32, #tpu.memory_space<hbm>>
        %dma_start3A_424 = arith.constant 0 : i32
        %dma_start3A_425 = arith.constant 0 : i32
        %dma_start3A_426 = tpu.memref_slice %arg7[%run_scoped3A, %arg1, %dma_start3A_424, %dma_start3A_425] : memref<2x16x80x125xi32, #tpu.memory_space<hbm>> -> memref<1x1x80x125xi32, #tpu.memory_space<hbm>>
        %dma_start3A_427 = tpu.memref_squeeze %dma_start3A_426 : memref<1x1x80x125xi32, #tpu.memory_space<hbm>> -> memref<80x125xi32, #tpu.memory_space<hbm>>
        tpu.enqueue_dma source(%dma_start3A_427 : memref<80x125xi32, #tpu.memory_space<hbm>>) target(%arg12 : memref<80x125xi32, #tpu.memory_space<vmem>>) target_semaphore(%run_scoped3A_419 : memref<!tpu.dma_semaphore, #tpu.memory_space<semaphore_mem>>)
        %dma_wait3A_428 = arith.constant 0 : i32
        %dma_wait3A_429 = arith.constant 0 : i32
        %dma_wait3A_430 = tpu.memref_slice %arg7[%run_scoped3A, %arg1, %dma_wait3A_428, %dma_wait3A_429] : memref<2x16x80x125xi32, #tpu.memory_space<hbm>> -> memref<1x1x80x125xi32, #tpu.memory_space<hbm>>
        %dma_wait3A_431 = tpu.memref_squeeze %dma_wait3A_430 : memref<1x1x80x125xi32, #tpu.memory_space<hbm>> -> memref<80x125xi32, #tpu.memory_space<hbm>>
        %dma_wait3A_432 = arith.constant 0 : i32
        %dma_wait3A_433 = arith.constant 0 : i32
        %dma_wait3A_434 = tpu.memref_slice %arg7[%run_scoped3A, %arg1, %dma_wait3A_432, %dma_wait3A_433] : memref<2x16x80x125xi32, #tpu.memory_space<hbm>> -> memref<1x1x80x125xi32, #tpu.memory_space<hbm>>
        %dma_wait3A_435 = tpu.memref_squeeze %dma_wait3A_434 : memref<1x1x80x125xi32, #tpu.memory_space<hbm>> -> memref<80x125xi32, #tpu.memory_space<hbm>>
        tpu.wait_dma2 semaphore(%run_scoped3A_419 : memref<!tpu.dma_semaphore, #tpu.memory_space<semaphore_mem>>) src(%dma_wait3A_435 : memref<80x125xi32, #tpu.memory_space<hbm>>) dst(%arg12 : memref<80x125xi32, #tpu.memory_space<vmem>>)
        tpu.yield
      }) : () -> ()
      %run_scoped3A_418 = arith.constant 0 : i32
      "tpu.region"() ({
        %run_scoped3A_419 = tpu.sem_alloc : memref<!tpu.dma_semaphore, #tpu.memory_space<semaphore_mem>>
        %dma_start3A_420 = arith.constant 0 : i32
        %dma_start3A_421 = arith.constant 0 : i32
        %dma_start3A_422 = tpu.memref_slice %arg7[%run_scoped3A_418, %arg1, %dma_start3A_420, %dma_start3A_421] : memref<2x16x80x125xi32, #tpu.memory_space<hbm>> -> memref<1x1x80x125xi32, #tpu.memory_space<hbm>>
        %dma_start3A_423 = tpu.memref_squeeze %dma_start3A_422 : memref<1x1x80x125xi32, #tpu.memory_space<hbm>> -> memref<80x125xi32, #tpu.memory_space<hbm>>
        %dma_start3A_424 = arith.constant 0 : i32
        %dma_start3A_425 = arith.constant 0 : i32
        %dma_start3A_426 = tpu.memref_slice %arg7[%run_scoped3A_418, %arg1, %dma_start3A_424, %dma_start3A_425] : memref<2x16x80x125xi32, #tpu.memory_space<hbm>> -> memref<1x1x80x125xi32, #tpu.memory_space<hbm>>
        %dma_start3A_427 = tpu.memref_squeeze %dma_start3A_426 : memref<1x1x80x125xi32, #tpu.memory_space<hbm>> -> memref<80x125xi32, #tpu.memory_space<hbm>>
        tpu.enqueue_dma source(%dma_start3A_427 : memref<80x125xi32, #tpu.memory_space<hbm>>) target(%arg13 : memref<80x125xi32, #tpu.memory_space<vmem>>) target_semaphore(%run_scoped3A_419 : memref<!tpu.dma_semaphore, #tpu.memory_space<semaphore_mem>>)
        %dma_wait3A_428 = arith.constant 0 : i32
        %dma_wait3A_429 = arith.constant 0 : i32
        %dma_wait3A_430 = tpu.memref_slice %arg7[%run_scoped3A_418, %arg1, %dma_wait3A_428, %dma_wait3A_429] : memref<2x16x80x125xi32, #tpu.memory_space<hbm>> -> memref<1x1x80x125xi32, #tpu.memory_space<hbm>>
        %dma_wait3A_431 = tpu.memref_squeeze %dma_wait3A_430 : memref<1x1x80x125xi32, #tpu.memory_space<hbm>> -> memref<80x125xi32, #tpu.memory_space<hbm>>
        %dma_wait3A_432 = arith.constant 0 : i32
        %dma_wait3A_433 = arith.constant 0 : i32
        %dma_wait3A_434 = tpu.memref_slice %arg7[%run_scoped3A_418, %arg1, %dma_wait3A_432, %dma_wait3A_433] : memref<2x16x80x125xi32, #tpu.memory_space<hbm>> -> memref<1x1x80x125xi32, #tpu.memory_space<hbm>>
        %dma_wait3A_435 = tpu.memref_squeeze %dma_wait3A_434 : memref<1x1x80x125xi32, #tpu.memory_space<hbm>> -> memref<80x125xi32, #tpu.memory_space<hbm>>
        tpu.wait_dma2 semaphore(%run_scoped3A_419 : memref<!tpu.dma_semaphore, #tpu.memory_space<semaphore_mem>>) src(%dma_wait3A_435 : memref<80x125xi32, #tpu.memory_space<hbm>>) dst(%arg13 : memref<80x125xi32, #tpu.memory_space<vmem>>)
        tpu.yield
      }) : () -> ()
    } else {
    }
    %dma_start3A = arith.constant 0 : i32
    %dma_start3A_60 = arith.constant 0 : i32
    %dma_start3A_61 = arith.constant 0 : i32
    %dma_start3A_62 = tpu.memref_slice %arg14[%dma_start3A_60, %dma_start3A_61] : memref<128x64xf32, #tpu.memory_space<vmem>> -> memref<125x64xf32, #tpu.memory_space<vmem>>
    %dma_start3A_63 = arith.constant 0 : i32
    %dma_start3A_64 = tpu.memref_slice %arg12[%dma_start3A, %dma_start3A_63] : memref<80x125xi32, #tpu.memory_space<vmem>> -> memref<1x125xi32, #tpu.memory_space<vmem>>
    %dma_start3A_65 = tpu.memref_squeeze %dma_start3A_64 : memref<1x125xi32, #tpu.memory_space<vmem>> -> memref<125xi32, #tpu.memory_space<vmem>>
    %dma_start3A_66 = arith.constant 0 : i32
    %dma_start3A_67 = arith.constant 0 : i32
    %dma_start3A_68 = tpu.memref_slice %arg3[%dma_start3A_66, %dma_start3A_67] : memref<10000x64xf32, #tpu.memory_space<hbm>> -> memref<10000x64xf32, #tpu.memory_space<hbm>>
    tpu.enqueue_indirect_dma source(%dma_start3A_68 : memref<10000x64xf32, #tpu.memory_space<hbm>>) target(%dma_start3A_62 : memref<125x64xf32, #tpu.memory_space<vmem>>) offsets(%dma_start3A_65 : memref<125xi32, #tpu.memory_space<vmem>>) semaphore(%arg26 : memref<!tpu.dma_semaphore, #tpu.memory_space<semaphore_mem>>)
    %dma_start3A_69 = arith.constant 1 : i32
    %dma_start3A_70 = arith.constant 0 : i32
    %dma_start3A_71 = arith.constant 0 : i32
    %dma_start3A_72 = tpu.memref_slice %arg15[%dma_start3A_70, %dma_start3A_71] : memref<128x64xf32, #tpu.memory_space<vmem>> -> memref<125x64xf32, #tpu.memory_space<vmem>>
    %dma_start3A_73 = arith.constant 0 : i32
    %dma_start3A_74 = tpu.memref_slice %arg12[%dma_start3A_69, %dma_start3A_73] : memref<80x125xi32, #tpu.memory_space<vmem>> -> memref<1x125xi32, #tpu.memory_space<vmem>>
    %dma_start3A_75 = tpu.memref_squeeze %dma_start3A_74 : memref<1x125xi32, #tpu.memory_space<vmem>> -> memref<125xi32, #tpu.memory_space<vmem>>
    %dma_start3A_76 = arith.constant 0 : i32
    %dma_start3A_77 = arith.constant 0 : i32
    %dma_start3A_78 = tpu.memref_slice %arg3[%dma_start3A_76, %dma_start3A_77] : memref<10000x64xf32, #tpu.memory_space<hbm>> -> memref<10000x64xf32, #tpu.memory_space<hbm>>
    tpu.enqueue_indirect_dma source(%dma_start3A_78 : memref<10000x64xf32, #tpu.memory_space<hbm>>) target(%dma_start3A_72 : memref<125x64xf32, #tpu.memory_space<vmem>>) offsets(%dma_start3A_75 : memref<125xi32, #tpu.memory_space<vmem>>) semaphore(%arg27 : memref<!tpu.dma_semaphore, #tpu.memory_space<semaphore_mem>>)
    %dma_start3A_79 = arith.constant 2 : i32
    %dma_start3A_80 = arith.constant 0 : i32
    %dma_start3A_81 = arith.constant 0 : i32
    %dma_start3A_82 = tpu.memref_slice %arg16[%dma_start3A_80, %dma_start3A_81] : memref<128x64xf32, #tpu.memory_space<vmem>> -> memref<125x64xf32, #tpu.memory_space<vmem>>
    %dma_start3A_83 = arith.constant 0 : i32
    %dma_start3A_84 = tpu.memref_slice %arg12[%dma_start3A_79, %dma_start3A_83] : memref<80x125xi32, #tpu.memory_space<vmem>> -> memref<1x125xi32, #tpu.memory_space<vmem>>
    %dma_start3A_85 = tpu.memref_squeeze %dma_start3A_84 : memref<1x125xi32, #tpu.memory_space<vmem>> -> memref<125xi32, #tpu.memory_space<vmem>>
    %dma_start3A_86 = arith.constant 0 : i32
    %dma_start3A_87 = arith.constant 0 : i32
    %dma_start3A_88 = tpu.memref_slice %arg3[%dma_start3A_86, %dma_start3A_87] : memref<10000x64xf32, #tpu.memory_space<hbm>> -> memref<10000x64xf32, #tpu.memory_space<hbm>>
    tpu.enqueue_indirect_dma source(%dma_start3A_88 : memref<10000x64xf32, #tpu.memory_space<hbm>>) target(%dma_start3A_82 : memref<125x64xf32, #tpu.memory_space<vmem>>) offsets(%dma_start3A_85 : memref<125xi32, #tpu.memory_space<vmem>>) semaphore(%arg28 : memref<!tpu.dma_semaphore, #tpu.memory_space<semaphore_mem>>)
    %scan3A_89 = arith.constant 0 : i32
    %scan3A_90 = arith.constant 0 : i32
    %scan3A_91 = arith.constant 13 : i32
    %scan3A_92 = arith.addi %scan3A_90, %scan3A_91 : i32
    %scan3A_93 = arith.constant 1 : i32
    scf.for %scan3A_418 = %scan3A_90 to %scan3A_92 step %scan3A_93  : i32 {
      %mul3A_419 = arith.constant 6 : i32
      %mul3A_420 = arith.muli %mul3A_419, %scan3A_418 : i32
      %add3A_421 = arith.constant 0 : i32
      %add3A_422 = arith.addi %mul3A_420, %add3A_421 : i32
      %dma_wait3A_423 = arith.constant 0 : i32
      %dma_wait3A_424 = arith.constant 0 : i32
      %dma_wait3A_425 = tpu.memref_slice %arg14[%dma_wait3A_423, %dma_wait3A_424] : memref<128x64xf32, #tpu.memory_space<vmem>> -> memref<125x64xf32, #tpu.memory_space<vmem>>
      %dma_wait3A_426 = arith.constant 0 : i32
      %dma_wait3A_427 = tpu.memref_slice %arg12[%add3A_422, %dma_wait3A_426] : memref<80x125xi32, #tpu.memory_space<vmem>> -> memref<1x125xi32, #tpu.memory_space<vmem>>
      %dma_wait3A_428 = tpu.memref_squeeze %dma_wait3A_427 : memref<1x125xi32, #tpu.memory_space<vmem>> -> memref<125xi32, #tpu.memory_space<vmem>>
      %dma_wait3A_429 = arith.constant 0 : i32
      %dma_wait3A_430 = arith.constant 0 : i32
      %dma_wait3A_431 = tpu.memref_slice %arg3[%dma_wait3A_429, %dma_wait3A_430] : memref<10000x64xf32, #tpu.memory_space<hbm>> -> memref<10000x64xf32, #tpu.memory_space<hbm>>
      tpu.wait_indirect_dma semaphore(%arg26 : memref<!tpu.dma_semaphore, #tpu.memory_space<semaphore_mem>>) src(%dma_wait3A_431 : memref<10000x64xf32, #tpu.memory_space<hbm>>) dst(%dma_wait3A_425 : memref<125x64xf32, #tpu.memory_space<vmem>>)
      %dma_start3A_432 = arith.constant 0 : i32
      %dma_start3A_433 = arith.constant 0 : i32
      %dma_start3A_434 = tpu.memref_slice %arg14[%dma_start3A_432, %dma_start3A_433] : memref<128x64xf32, #tpu.memory_space<vmem>> -> memref<125x64xf32, #tpu.memory_space<vmem>>
      %dma_start3A_435 = arith.constant 0 : i32
      %dma_start3A_436 = tpu.memref_slice %arg13[%add3A_422, %dma_start3A_435] : memref<80x125xi32, #tpu.memory_space<vmem>> -> memref<1x125xi32, #tpu.memory_space<vmem>>
      %dma_start3A_437 = tpu.memref_squeeze %dma_start3A_436 : memref<1x125xi32, #tpu.memory_space<vmem>> -> memref<125xi32, #tpu.memory_space<vmem>>
      %dma_start3A_438 = arith.constant 0 : i32
      %dma_start3A_439 = arith.constant 0 : i32
      %dma_start3A_440 = tpu.memref_slice %arg24[%dma_start3A_438, %dma_start3A_439] : memref<10240x64xf32, #tpu.memory_space<vmem_shared>> -> memref<10240x64xf32, #tpu.memory_space<vmem_shared>>
      tpu.enqueue_indirect_dma source(%dma_start3A_434 : memref<125x64xf32, #tpu.memory_space<vmem>>) target(%dma_start3A_440 : memref<10240x64xf32, #tpu.memory_space<vmem_shared>>) offsets(%dma_start3A_437 : memref<125xi32, #tpu.memory_space<vmem>>) semaphore(%arg32 : memref<!tpu.dma_semaphore, #tpu.memory_space<semaphore_mem>>) {add = true}
      %ge3A = arith.constant 0 : i32
      %ge3A_441 = arith.cmpi sge, %add3A_422, %ge3A : i32
      %lt3A_442 = arith.constant 40 : i32
      %lt3A_443 = arith.cmpi slt, %add3A_422, %lt3A_442 : i32
      %and3A_444 = arith.andi %ge3A_441, %lt3A_443 : i1
      %convert_element_type3A_445 = arith.extui %and3A_444 : i1 to i32
      %cond3A_446 = arith.constant 0 : i32
      %cond3A_447 = arith.cmpi ne, %convert_element_type3A_445, %cond3A_446 : i32
      scf.if %cond3A_447 {
        %dma_start3A_670 = arith.constant 0 : i32
        %dma_start3A_671 = tpu.memref_slice %arg13[%add3A_422, %dma_start3A_670] : memref<80x125xi32, #tpu.memory_space<vmem>> -> memref<1x125xi32, #tpu.memory_space<vmem>>
        %dma_start3A_672 = tpu.memref_squeeze %dma_start3A_671 : memref<1x125xi32, #tpu.memory_space<vmem>> -> memref<125xi32, #tpu.memory_space<vmem>>
        %dma_start3A_673 = arith.constant 0 : i32
        %dma_start3A_674 = arith.constant 0 : i32
        %dma_start3A_675 = tpu.memref_slice %arg25[%dma_start3A_673, %dma_start3A_674] : memref<10240x8xf32, #tpu.memory_space<vmem_shared>> -> memref<10240x8xf32, #tpu.memory_space<vmem_shared>>
        tpu.enqueue_indirect_dma source(%arg20 : memref<125x8xf32, #tpu.memory_space<vmem>>) target(%dma_start3A_675 : memref<10240x8xf32, #tpu.memory_space<vmem_shared>>) offsets(%dma_start3A_672 : memref<125xi32, #tpu.memory_space<vmem>>) semaphore(%arg38 : memref<!tpu.dma_semaphore, #tpu.memory_space<semaphore_mem>>) {add = true}
      } else {
      }
      %ge3A_448 = arith.constant 3 : i32
      %ge3A_449 = arith.cmpi sge, %add3A_422, %ge3A_448 : i32
      %convert_element_type3A_450 = arith.extui %ge3A_449 : i1 to i32
      %cond3A_451 = arith.constant 0 : i32
      %cond3A_452 = arith.cmpi ne, %convert_element_type3A_450, %cond3A_451 : i32
      scf.if %cond3A_452 {
        %sub3A = arith.constant 3 : i32
        %sub3A_670 = arith.subi %add3A_422, %sub3A : i32
        %dma_wait3A_671 = arith.constant 0 : i32
        %dma_wait3A_672 = arith.constant 0 : i32
        %dma_wait3A_673 = tpu.memref_slice %arg17[%dma_wait3A_671, %dma_wait3A_672] : memref<128x64xf32, #tpu.memory_space<vmem>> -> memref<125x64xf32, #tpu.memory_space<vmem>>
        %dma_wait3A_674 = arith.constant 0 : i32
        %dma_wait3A_675 = tpu.memref_slice %arg13[%sub3A_670, %dma_wait3A_674] : memref<80x125xi32, #tpu.memory_space<vmem>> -> memref<1x125xi32, #tpu.memory_space<vmem>>
        %dma_wait3A_676 = tpu.memref_squeeze %dma_wait3A_675 : memref<1x125xi32, #tpu.memory_space<vmem>> -> memref<125xi32, #tpu.memory_space<vmem>>
        %dma_wait3A_677 = arith.constant 0 : i32
        %dma_wait3A_678 = arith.constant 0 : i32
        %dma_wait3A_679 = tpu.memref_slice %arg24[%dma_wait3A_677, %dma_wait3A_678] : memref<10240x64xf32, #tpu.memory_space<vmem_shared>> -> memref<10240x64xf32, #tpu.memory_space<vmem_shared>>
        tpu.wait_indirect_dma semaphore(%arg35 : memref<!tpu.dma_semaphore, #tpu.memory_space<semaphore_mem>>) src(%dma_wait3A_673 : memref<125x64xf32, #tpu.memory_space<vmem>>) dst(%dma_wait3A_679 : memref<10240x64xf32, #tpu.memory_space<vmem_shared>>)
      } else {
      }
      %add3A_453 = arith.constant 3 : i32
      %add3A_454 = arith.addi %add3A_422, %add3A_453 : i32
      %lt3A_455 = arith.constant 80 : i32
      %lt3A_456 = arith.cmpi slt, %add3A_454, %lt3A_455 : i32
      %convert_element_type3A_457 = arith.extui %lt3A_456 : i1 to i32
      %cond3A_458 = arith.constant 0 : i32
      %cond3A_459 = arith.cmpi ne, %convert_element_type3A_457, %cond3A_458 : i32
      scf.if %cond3A_459 {
        %add3A_670 = arith.constant 3 : i32
        %add3A_671 = arith.addi %add3A_422, %add3A_670 : i32
        %dma_start3A_672 = arith.constant 0 : i32
        %dma_start3A_673 = arith.constant 0 : i32
        %dma_start3A_674 = tpu.memref_slice %arg17[%dma_start3A_672, %dma_start3A_673] : memref<128x64xf32, #tpu.memory_space<vmem>> -> memref<125x64xf32, #tpu.memory_space<vmem>>
        %dma_start3A_675 = arith.constant 0 : i32
        %dma_start3A_676 = tpu.memref_slice %arg12[%add3A_671, %dma_start3A_675] : memref<80x125xi32, #tpu.memory_space<vmem>> -> memref<1x125xi32, #tpu.memory_space<vmem>>
        %dma_start3A_677 = tpu.memref_squeeze %dma_start3A_676 : memref<1x125xi32, #tpu.memory_space<vmem>> -> memref<125xi32, #tpu.memory_space<vmem>>
        %dma_start3A_678 = arith.constant 0 : i32
        %dma_start3A_679 = arith.constant 0 : i32
        %dma_start3A_680 = tpu.memref_slice %arg3[%dma_start3A_678, %dma_start3A_679] : memref<10000x64xf32, #tpu.memory_space<hbm>> -> memref<10000x64xf32, #tpu.memory_space<hbm>>
        tpu.enqueue_indirect_dma source(%dma_start3A_680 : memref<10000x64xf32, #tpu.memory_space<hbm>>) target(%dma_start3A_674 : memref<125x64xf32, #tpu.memory_space<vmem>>) offsets(%dma_start3A_677 : memref<125xi32, #tpu.memory_space<vmem>>) semaphore(%arg29 : memref<!tpu.dma_semaphore, #tpu.memory_space<semaphore_mem>>)
      } else {
      }
      %mul3A_460 = arith.constant 6 : i32
      %mul3A_461 = arith.muli %mul3A_460, %scan3A_418 : i32
      %add3A_462 = arith.constant 1 : i32
      %add3A_463 = arith.addi %mul3A_461, %add3A_462 : i32
      %dma_wait3A_464 = arith.constant 0 : i32
      %dma_wait3A_465 = arith.constant 0 : i32
      %dma_wait3A_466 = tpu.memref_slice %arg15[%dma_wait3A_464, %dma_wait3A_465] : memref<128x64xf32, #tpu.memory_space<vmem>> -> memref<125x64xf32, #tpu.memory_space<vmem>>
      %dma_wait3A_467 = arith.constant 0 : i32
      %dma_wait3A_468 = tpu.memref_slice %arg12[%add3A_463, %dma_wait3A_467] : memref<80x125xi32, #tpu.memory_space<vmem>> -> memref<1x125xi32, #tpu.memory_space<vmem>>
      %dma_wait3A_469 = tpu.memref_squeeze %dma_wait3A_468 : memref<1x125xi32, #tpu.memory_space<vmem>> -> memref<125xi32, #tpu.memory_space<vmem>>
      %dma_wait3A_470 = arith.constant 0 : i32
      %dma_wait3A_471 = arith.constant 0 : i32
      %dma_wait3A_472 = tpu.memref_slice %arg3[%dma_wait3A_470, %dma_wait3A_471] : memref<10000x64xf32, #tpu.memory_space<hbm>> -> memref<10000x64xf32, #tpu.memory_space<hbm>>
      tpu.wait_indirect_dma semaphore(%arg27 : memref<!tpu.dma_semaphore, #tpu.memory_space<semaphore_mem>>) src(%dma_wait3A_472 : memref<10000x64xf32, #tpu.memory_space<hbm>>) dst(%dma_wait3A_466 : memref<125x64xf32, #tpu.memory_space<vmem>>)
      %dma_start3A_473 = arith.constant 0 : i32
      %dma_start3A_474 = arith.constant 0 : i32
      %dma_start3A_475 = tpu.memref_slice %arg15[%dma_start3A_473, %dma_start3A_474] : memref<128x64xf32, #tpu.memory_space<vmem>> -> memref<125x64xf32, #tpu.memory_space<vmem>>
      %dma_start3A_476 = arith.constant 0 : i32
      %dma_start3A_477 = tpu.memref_slice %arg13[%add3A_463, %dma_start3A_476] : memref<80x125xi32, #tpu.memory_space<vmem>> -> memref<1x125xi32, #tpu.memory_space<vmem>>
      %dma_start3A_478 = tpu.memref_squeeze %dma_start3A_477 : memref<1x125xi32, #tpu.memory_space<vmem>> -> memref<125xi32, #tpu.memory_space<vmem>>
      %dma_start3A_479 = arith.constant 0 : i32
      %dma_start3A_480 = arith.constant 0 : i32
      %dma_start3A_481 = tpu.memref_slice %arg24[%dma_start3A_479, %dma_start3A_480] : memref<10240x64xf32, #tpu.memory_space<vmem_shared>> -> memref<10240x64xf32, #tpu.memory_space<vmem_shared>>
      tpu.enqueue_indirect_dma source(%dma_start3A_475 : memref<125x64xf32, #tpu.memory_space<vmem>>) target(%dma_start3A_481 : memref<10240x64xf32, #tpu.memory_space<vmem_shared>>) offsets(%dma_start3A_478 : memref<125xi32, #tpu.memory_space<vmem>>) semaphore(%arg33 : memref<!tpu.dma_semaphore, #tpu.memory_space<semaphore_mem>>) {add = true}
      %ge3A_482 = arith.constant 0 : i32
      %ge3A_483 = arith.cmpi sge, %add3A_463, %ge3A_482 : i32
      %lt3A_484 = arith.constant 40 : i32
      %lt3A_485 = arith.cmpi slt, %add3A_463, %lt3A_484 : i32
      %and3A_486 = arith.andi %ge3A_483, %lt3A_485 : i1
      %convert_element_type3A_487 = arith.extui %and3A_486 : i1 to i32
      %cond3A_488 = arith.constant 0 : i32
      %cond3A_489 = arith.cmpi ne, %convert_element_type3A_487, %cond3A_488 : i32
      scf.if %cond3A_489 {
        %dma_start3A_670 = arith.constant 0 : i32
        %dma_start3A_671 = tpu.memref_slice %arg13[%add3A_463, %dma_start3A_670] : memref<80x125xi32, #tpu.memory_space<vmem>> -> memref<1x125xi32, #tpu.memory_space<vmem>>
        %dma_start3A_672 = tpu.memref_squeeze %dma_start3A_671 : memref<1x125xi32, #tpu.memory_space<vmem>> -> memref<125xi32, #tpu.memory_space<vmem>>
        %dma_start3A_673 = arith.constant 0 : i32
        %dma_start3A_674 = arith.constant 0 : i32
        %dma_start3A_675 = tpu.memref_slice %arg25[%dma_start3A_673, %dma_start3A_674] : memref<10240x8xf32, #tpu.memory_space<vmem_shared>> -> memref<10240x8xf32, #tpu.memory_space<vmem_shared>>
        tpu.enqueue_indirect_dma source(%arg20 : memref<125x8xf32, #tpu.memory_space<vmem>>) target(%dma_start3A_675 : memref<10240x8xf32, #tpu.memory_space<vmem_shared>>) offsets(%dma_start3A_672 : memref<125xi32, #tpu.memory_space<vmem>>) semaphore(%arg38 : memref<!tpu.dma_semaphore, #tpu.memory_space<semaphore_mem>>) {add = true}
      } else {
      }
      %ge3A_490 = arith.constant 3 : i32
      %ge3A_491 = arith.cmpi sge, %add3A_463, %ge3A_490 : i32
      %convert_element_type3A_492 = arith.extui %ge3A_491 : i1 to i32
      %cond3A_493 = arith.constant 0 : i32
      %cond3A_494 = arith.cmpi ne, %convert_element_type3A_492, %cond3A_493 : i32
      scf.if %cond3A_494 {
        %sub3A = arith.constant 3 : i32
        %sub3A_670 = arith.subi %add3A_463, %sub3A : i32
        %dma_wait3A_671 = arith.constant 0 : i32
        %dma_wait3A_672 = arith.constant 0 : i32
        %dma_wait3A_673 = tpu.memref_slice %arg18[%dma_wait3A_671, %dma_wait3A_672] : memref<128x64xf32, #tpu.memory_space<vmem>> -> memref<125x64xf32, #tpu.memory_space<vmem>>
        %dma_wait3A_674 = arith.constant 0 : i32
        %dma_wait3A_675 = tpu.memref_slice %arg13[%sub3A_670, %dma_wait3A_674] : memref<80x125xi32, #tpu.memory_space<vmem>> -> memref<1x125xi32, #tpu.memory_space<vmem>>
        %dma_wait3A_676 = tpu.memref_squeeze %dma_wait3A_675 : memref<1x125xi32, #tpu.memory_space<vmem>> -> memref<125xi32, #tpu.memory_space<vmem>>
        %dma_wait3A_677 = arith.constant 0 : i32
        %dma_wait3A_678 = arith.constant 0 : i32
        %dma_wait3A_679 = tpu.memref_slice %arg24[%dma_wait3A_677, %dma_wait3A_678] : memref<10240x64xf32, #tpu.memory_space<vmem_shared>> -> memref<10240x64xf32, #tpu.memory_space<vmem_shared>>
        tpu.wait_indirect_dma semaphore(%arg36 : memref<!tpu.dma_semaphore, #tpu.memory_space<semaphore_mem>>) src(%dma_wait3A_673 : memref<125x64xf32, #tpu.memory_space<vmem>>) dst(%dma_wait3A_679 : memref<10240x64xf32, #tpu.memory_space<vmem_shared>>)
      } else {
      }
      %add3A_495 = arith.constant 3 : i32
      %add3A_496 = arith.addi %add3A_463, %add3A_495 : i32
      %lt3A_497 = arith.constant 80 : i32
      %lt3A_498 = arith.cmpi slt, %add3A_496, %lt3A_497 : i32
      %convert_element_type3A_499 = arith.extui %lt3A_498 : i1 to i32
      %cond3A_500 = arith.constant 0 : i32
      %cond3A_501 = arith.cmpi ne, %convert_element_type3A_499, %cond3A_500 : i32
      scf.if %cond3A_501 {
        %add3A_670 = arith.constant 3 : i32
        %add3A_671 = arith.addi %add3A_463, %add3A_670 : i32
        %dma_start3A_672 = arith.constant 0 : i32
        %dma_start3A_673 = arith.constant 0 : i32
        %dma_start3A_674 = tpu.memref_slice %arg18[%dma_start3A_672, %dma_start3A_673] : memref<128x64xf32, #tpu.memory_space<vmem>> -> memref<125x64xf32, #tpu.memory_space<vmem>>
        %dma_start3A_675 = arith.constant 0 : i32
        %dma_start3A_676 = tpu.memref_slice %arg12[%add3A_671, %dma_start3A_675] : memref<80x125xi32, #tpu.memory_space<vmem>> -> memref<1x125xi32, #tpu.memory_space<vmem>>
        %dma_start3A_677 = tpu.memref_squeeze %dma_start3A_676 : memref<1x125xi32, #tpu.memory_space<vmem>> -> memref<125xi32, #tpu.memory_space<vmem>>
        %dma_start3A_678 = arith.constant 0 : i32
        %dma_start3A_679 = arith.constant 0 : i32
        %dma_start3A_680 = tpu.memref_slice %arg3[%dma_start3A_678, %dma_start3A_679] : memref<10000x64xf32, #tpu.memory_space<hbm>> -> memref<10000x64xf32, #tpu.memory_space<hbm>>
        tpu.enqueue_indirect_dma source(%dma_start3A_680 : memref<10000x64xf32, #tpu.memory_space<hbm>>) target(%dma_start3A_674 : memref<125x64xf32, #tpu.memory_space<vmem>>) offsets(%dma_start3A_677 : memref<125xi32, #tpu.memory_space<vmem>>) semaphore(%arg30 : memref<!tpu.dma_semaphore, #tpu.memory_space<semaphore_mem>>)
      } else {
      }
      %mul3A_502 = arith.constant 6 : i32
      %mul3A_503 = arith.muli %mul3A_502, %scan3A_418 : i32
      %add3A_504 = arith.constant 2 : i32
      %add3A_505 = arith.addi %mul3A_503, %add3A_504 : i32
      %dma_wait3A_506 = arith.constant 0 : i32
      %dma_wait3A_507 = arith.constant 0 : i32
      %dma_wait3A_508 = tpu.memref_slice %arg16[%dma_wait3A_506, %dma_wait3A_507] : memref<128x64xf32, #tpu.memory_space<vmem>> -> memref<125x64xf32, #tpu.memory_space<vmem>>
      %dma_wait3A_509 = arith.constant 0 : i32
      %dma_wait3A_510 = tpu.memref_slice %arg12[%add3A_505, %dma_wait3A_509] : memref<80x125xi32, #tpu.memory_space<vmem>> -> memref<1x125xi32, #tpu.memory_space<vmem>>
      %dma_wait3A_511 = tpu.memref_squeeze %dma_wait3A_510 : memref<1x125xi32, #tpu.memory_space<vmem>> -> memref<125xi32, #tpu.memory_space<vmem>>
      %dma_wait3A_512 = arith.constant 0 : i32
      %dma_wait3A_513 = arith.constant 0 : i32
      %dma_wait3A_514 = tpu.memref_slice %arg3[%dma_wait3A_512, %dma_wait3A_513] : memref<10000x64xf32, #tpu.memory_space<hbm>> -> memref<10000x64xf32, #tpu.memory_space<hbm>>
      tpu.wait_indirect_dma semaphore(%arg28 : memref<!tpu.dma_semaphore, #tpu.memory_space<semaphore_mem>>) src(%dma_wait3A_514 : memref<10000x64xf32, #tpu.memory_space<hbm>>) dst(%dma_wait3A_508 : memref<125x64xf32, #tpu.memory_space<vmem>>)
      %dma_start3A_515 = arith.constant 0 : i32
      %dma_start3A_516 = arith.constant 0 : i32
      %dma_start3A_517 = tpu.memref_slice %arg16[%dma_start3A_515, %dma_start3A_516] : memref<128x64xf32, #tpu.memory_space<vmem>> -> memref<125x64xf32, #tpu.memory_space<vmem>>
      %dma_start3A_518 = arith.constant 0 : i32
      %dma_start3A_519 = tpu.memref_slice %arg13[%add3A_505, %dma_start3A_518] : memref<80x125xi32, #tpu.memory_space<vmem>> -> memref<1x125xi32, #tpu.memory_space<vmem>>
      %dma_start3A_520 = tpu.memref_squeeze %dma_start3A_519 : memref<1x125xi32, #tpu.memory_space<vmem>> -> memref<125xi32, #tpu.memory_space<vmem>>
      %dma_start3A_521 = arith.constant 0 : i32
      %dma_start3A_522 = arith.constant 0 : i32
      %dma_start3A_523 = tpu.memref_slice %arg24[%dma_start3A_521, %dma_start3A_522] : memref<10240x64xf32, #tpu.memory_space<vmem_shared>> -> memref<10240x64xf32, #tpu.memory_space<vmem_shared>>
      tpu.enqueue_indirect_dma source(%dma_start3A_517 : memref<125x64xf32, #tpu.memory_space<vmem>>) target(%dma_start3A_523 : memref<10240x64xf32, #tpu.memory_space<vmem_shared>>) offsets(%dma_start3A_520 : memref<125xi32, #tpu.memory_space<vmem>>) semaphore(%arg34 : memref<!tpu.dma_semaphore, #tpu.memory_space<semaphore_mem>>) {add = true}
      %ge3A_524 = arith.constant 0 : i32
      %ge3A_525 = arith.cmpi sge, %add3A_505, %ge3A_524 : i32
      %lt3A_526 = arith.constant 40 : i32
      %lt3A_527 = arith.cmpi slt, %add3A_505, %lt3A_526 : i32
      %and3A_528 = arith.andi %ge3A_525, %lt3A_527 : i1
      %convert_element_type3A_529 = arith.extui %and3A_528 : i1 to i32
      %cond3A_530 = arith.constant 0 : i32
      %cond3A_531 = arith.cmpi ne, %convert_element_type3A_529, %cond3A_530 : i32
      scf.if %cond3A_531 {
        %dma_start3A_670 = arith.constant 0 : i32
        %dma_start3A_671 = tpu.memref_slice %arg13[%add3A_505, %dma_start3A_670] : memref<80x125xi32, #tpu.memory_space<vmem>> -> memref<1x125xi32, #tpu.memory_space<vmem>>
        %dma_start3A_672 = tpu.memref_squeeze %dma_start3A_671 : memref<1x125xi32, #tpu.memory_space<vmem>> -> memref<125xi32, #tpu.memory_space<vmem>>
        %dma_start3A_673 = arith.constant 0 : i32
        %dma_start3A_674 = arith.constant 0 : i32
        %dma_start3A_675 = tpu.memref_slice %arg25[%dma_start3A_673, %dma_start3A_674] : memref<10240x8xf32, #tpu.memory_space<vmem_shared>> -> memref<10240x8xf32, #tpu.memory_space<vmem_shared>>
        tpu.enqueue_indirect_dma source(%arg20 : memref<125x8xf32, #tpu.memory_space<vmem>>) target(%dma_start3A_675 : memref<10240x8xf32, #tpu.memory_space<vmem_shared>>) offsets(%dma_start3A_672 : memref<125xi32, #tpu.memory_space<vmem>>) semaphore(%arg38 : memref<!tpu.dma_semaphore, #tpu.memory_space<semaphore_mem>>) {add = true}
      } else {
      }
      %ge3A_532 = arith.constant 3 : i32
      %ge3A_533 = arith.cmpi sge, %add3A_505, %ge3A_532 : i32
      %convert_element_type3A_534 = arith.extui %ge3A_533 : i1 to i32
      %cond3A_535 = arith.constant 0 : i32
      %cond3A_536 = arith.cmpi ne, %convert_element_type3A_534, %cond3A_535 : i32
      scf.if %cond3A_536 {
        %sub3A = arith.constant 3 : i32
        %sub3A_670 = arith.subi %add3A_505, %sub3A : i32
        %dma_wait3A_671 = arith.constant 0 : i32
        %dma_wait3A_672 = arith.constant 0 : i32
        %dma_wait3A_673 = tpu.memref_slice %arg19[%dma_wait3A_671, %dma_wait3A_672] : memref<128x64xf32, #tpu.memory_space<vmem>> -> memref<125x64xf32, #tpu.memory_space<vmem>>
        %dma_wait3A_674 = arith.constant 0 : i32
        %dma_wait3A_675 = tpu.memref_slice %arg13[%sub3A_670, %dma_wait3A_674] : memref<80x125xi32, #tpu.memory_space<vmem>> -> memref<1x125xi32, #tpu.memory_space<vmem>>
        %dma_wait3A_676 = tpu.memref_squeeze %dma_wait3A_675 : memref<1x125xi32, #tpu.memory_space<vmem>> -> memref<125xi32, #tpu.memory_space<vmem>>
        %dma_wait3A_677 = arith.constant 0 : i32
        %dma_wait3A_678 = arith.constant 0 : i32
        %dma_wait3A_679 = tpu.memref_slice %arg24[%dma_wait3A_677, %dma_wait3A_678] : memref<10240x64xf32, #tpu.memory_space<vmem_shared>> -> memref<10240x64xf32, #tpu.memory_space<vmem_shared>>
        tpu.wait_indirect_dma semaphore(%arg37 : memref<!tpu.dma_semaphore, #tpu.memory_space<semaphore_mem>>) src(%dma_wait3A_673 : memref<125x64xf32, #tpu.memory_space<vmem>>) dst(%dma_wait3A_679 : memref<10240x64xf32, #tpu.memory_space<vmem_shared>>)
      } else {
      }
      %add3A_537 = arith.constant 3 : i32
      %add3A_538 = arith.addi %add3A_505, %add3A_537 : i32
      %lt3A_539 = arith.constant 80 : i32
      %lt3A_540 = arith.cmpi slt, %add3A_538, %lt3A_539 : i32
      %convert_element_type3A_541 = arith.extui %lt3A_540 : i1 to i32
      %cond3A_542 = arith.constant 0 : i32
      %cond3A_543 = arith.cmpi ne, %convert_element_type3A_541, %cond3A_542 : i32
      scf.if %cond3A_543 {
        %add3A_670 = arith.constant 3 : i32
        %add3A_671 = arith.addi %add3A_505, %add3A_670 : i32
        %dma_start3A_672 = arith.constant 0 : i32
        %dma_start3A_673 = arith.constant 0 : i32
        %dma_start3A_674 = tpu.memref_slice %arg19[%dma_start3A_672, %dma_start3A_673] : memref<128x64xf32, #tpu.memory_space<vmem>> -> memref<125x64xf32, #tpu.memory_space<vmem>>
        %dma_start3A_675 = arith.constant 0 : i32
        %dma_start3A_676 = tpu.memref_slice %arg12[%add3A_671, %dma_start3A_675] : memref<80x125xi32, #tpu.memory_space<vmem>> -> memref<1x125xi32, #tpu.memory_space<vmem>>
        %dma_start3A_677 = tpu.memref_squeeze %dma_start3A_676 : memref<1x125xi32, #tpu.memory_space<vmem>> -> memref<125xi32, #tpu.memory_space<vmem>>
        %dma_start3A_678 = arith.constant 0 : i32
        %dma_start3A_679 = arith.constant 0 : i32
        %dma_start3A_680 = tpu.memref_slice %arg3[%dma_start3A_678, %dma_start3A_679] : memref<10000x64xf32, #tpu.memory_space<hbm>> -> memref<10000x64xf32, #tpu.memory_space<hbm>>
        tpu.enqueue_indirect_dma source(%dma_start3A_680 : memref<10000x64xf32, #tpu.memory_space<hbm>>) target(%dma_start3A_674 : memref<125x64xf32, #tpu.memory_space<vmem>>) offsets(%dma_start3A_677 : memref<125xi32, #tpu.memory_space<vmem>>) semaphore(%arg31 : memref<!tpu.dma_semaphore, #tpu.memory_space<semaphore_mem>>)
      } else {
      }
      %mul3A_544 = arith.constant 6 : i32
      %mul3A_545 = arith.muli %mul3A_544, %scan3A_418 : i32
      %add3A_546 = arith.constant 3 : i32
      %add3A_547 = arith.addi %mul3A_545, %add3A_546 : i32
      %dma_wait3A_548 = arith.constant 0 : i32
      %dma_wait3A_549 = arith.constant 0 : i32
      %dma_wait3A_550 = tpu.memref_slice %arg17[%dma_wait3A_548, %dma_wait3A_549] : memref<128x64xf32, #tpu.memory_space<vmem>> -> memref<125x64xf32, #tpu.memory_space<vmem>>
      %dma_wait3A_551 = arith.constant 0 : i32
      %dma_wait3A_552 = tpu.memref_slice %arg12[%add3A_547, %dma_wait3A_551] : memref<80x125xi32, #tpu.memory_space<vmem>> -> memref<1x125xi32, #tpu.memory_space<vmem>>
      %dma_wait3A_553 = tpu.memref_squeeze %dma_wait3A_552 : memref<1x125xi32, #tpu.memory_space<vmem>> -> memref<125xi32, #tpu.memory_space<vmem>>
      %dma_wait3A_554 = arith.constant 0 : i32
      %dma_wait3A_555 = arith.constant 0 : i32
      %dma_wait3A_556 = tpu.memref_slice %arg3[%dma_wait3A_554, %dma_wait3A_555] : memref<10000x64xf32, #tpu.memory_space<hbm>> -> memref<10000x64xf32, #tpu.memory_space<hbm>>
      tpu.wait_indirect_dma semaphore(%arg29 : memref<!tpu.dma_semaphore, #tpu.memory_space<semaphore_mem>>) src(%dma_wait3A_556 : memref<10000x64xf32, #tpu.memory_space<hbm>>) dst(%dma_wait3A_550 : memref<125x64xf32, #tpu.memory_space<vmem>>)
      %dma_start3A_557 = arith.constant 0 : i32
      %dma_start3A_558 = arith.constant 0 : i32
      %dma_start3A_559 = tpu.memref_slice %arg17[%dma_start3A_557, %dma_start3A_558] : memref<128x64xf32, #tpu.memory_space<vmem>> -> memref<125x64xf32, #tpu.memory_space<vmem>>
      %dma_start3A_560 = arith.constant 0 : i32
      %dma_start3A_561 = tpu.memref_slice %arg13[%add3A_547, %dma_start3A_560] : memref<80x125xi32, #tpu.memory_space<vmem>> -> memref<1x125xi32, #tpu.memory_space<vmem>>
      %dma_start3A_562 = tpu.memref_squeeze %dma_start3A_561 : memref<1x125xi32, #tpu.memory_space<vmem>> -> memref<125xi32, #tpu.memory_space<vmem>>
      %dma_start3A_563 = arith.constant 0 : i32
      %dma_start3A_564 = arith.constant 0 : i32
      %dma_start3A_565 = tpu.memref_slice %arg24[%dma_start3A_563, %dma_start3A_564] : memref<10240x64xf32, #tpu.memory_space<vmem_shared>> -> memref<10240x64xf32, #tpu.memory_space<vmem_shared>>
      tpu.enqueue_indirect_dma source(%dma_start3A_559 : memref<125x64xf32, #tpu.memory_space<vmem>>) target(%dma_start3A_565 : memref<10240x64xf32, #tpu.memory_space<vmem_shared>>) offsets(%dma_start3A_562 : memref<125xi32, #tpu.memory_space<vmem>>) semaphore(%arg35 : memref<!tpu.dma_semaphore, #tpu.memory_space<semaphore_mem>>) {add = true}
      %ge3A_566 = arith.constant 0 : i32
      %ge3A_567 = arith.cmpi sge, %add3A_547, %ge3A_566 : i32
      %lt3A_568 = arith.constant 40 : i32
      %lt3A_569 = arith.cmpi slt, %add3A_547, %lt3A_568 : i32
      %and3A_570 = arith.andi %ge3A_567, %lt3A_569 : i1
      %convert_element_type3A_571 = arith.extui %and3A_570 : i1 to i32
      %cond3A_572 = arith.constant 0 : i32
      %cond3A_573 = arith.cmpi ne, %convert_element_type3A_571, %cond3A_572 : i32
      scf.if %cond3A_573 {
        %dma_start3A_670 = arith.constant 0 : i32
        %dma_start3A_671 = tpu.memref_slice %arg13[%add3A_547, %dma_start3A_670] : memref<80x125xi32, #tpu.memory_space<vmem>> -> memref<1x125xi32, #tpu.memory_space<vmem>>
        %dma_start3A_672 = tpu.memref_squeeze %dma_start3A_671 : memref<1x125xi32, #tpu.memory_space<vmem>> -> memref<125xi32, #tpu.memory_space<vmem>>
        %dma_start3A_673 = arith.constant 0 : i32
        %dma_start3A_674 = arith.constant 0 : i32
        %dma_start3A_675 = tpu.memref_slice %arg25[%dma_start3A_673, %dma_start3A_674] : memref<10240x8xf32, #tpu.memory_space<vmem_shared>> -> memref<10240x8xf32, #tpu.memory_space<vmem_shared>>
        tpu.enqueue_indirect_dma source(%arg20 : memref<125x8xf32, #tpu.memory_space<vmem>>) target(%dma_start3A_675 : memref<10240x8xf32, #tpu.memory_space<vmem_shared>>) offsets(%dma_start3A_672 : memref<125xi32, #tpu.memory_space<vmem>>) semaphore(%arg38 : memref<!tpu.dma_semaphore, #tpu.memory_space<semaphore_mem>>) {add = true}
      } else {
      }
      %ge3A_574 = arith.constant 3 : i32
      %ge3A_575 = arith.cmpi sge, %add3A_547, %ge3A_574 : i32
      %convert_element_type3A_576 = arith.extui %ge3A_575 : i1 to i32
      %cond3A_577 = arith.constant 0 : i32
      %cond3A_578 = arith.cmpi ne, %convert_element_type3A_576, %cond3A_577 : i32
      scf.if %cond3A_578 {
        %sub3A = arith.constant 3 : i32
        %sub3A_670 = arith.subi %add3A_547, %sub3A : i32
        %dma_wait3A_671 = arith.constant 0 : i32
        %dma_wait3A_672 = arith.constant 0 : i32
        %dma_wait3A_673 = tpu.memref_slice %arg14[%dma_wait3A_671, %dma_wait3A_672] : memref<128x64xf32, #tpu.memory_space<vmem>> -> memref<125x64xf32, #tpu.memory_space<vmem>>
        %dma_wait3A_674 = arith.constant 0 : i32
        %dma_wait3A_675 = tpu.memref_slice %arg13[%sub3A_670, %dma_wait3A_674] : memref<80x125xi32, #tpu.memory_space<vmem>> -> memref<1x125xi32, #tpu.memory_space<vmem>>
        %dma_wait3A_676 = tpu.memref_squeeze %dma_wait3A_675 : memref<1x125xi32, #tpu.memory_space<vmem>> -> memref<125xi32, #tpu.memory_space<vmem>>
        %dma_wait3A_677 = arith.constant 0 : i32
        %dma_wait3A_678 = arith.constant 0 : i32
        %dma_wait3A_679 = tpu.memref_slice %arg24[%dma_wait3A_677, %dma_wait3A_678] : memref<10240x64xf32, #tpu.memory_space<vmem_shared>> -> memref<10240x64xf32, #tpu.memory_space<vmem_shared>>
        tpu.wait_indirect_dma semaphore(%arg32 : memref<!tpu.dma_semaphore, #tpu.memory_space<semaphore_mem>>) src(%dma_wait3A_673 : memref<125x64xf32, #tpu.memory_space<vmem>>) dst(%dma_wait3A_679 : memref<10240x64xf32, #tpu.memory_space<vmem_shared>>)
      } else {
      }
      %add3A_579 = arith.constant 3 : i32
      %add3A_580 = arith.addi %add3A_547, %add3A_579 : i32
      %lt3A_581 = arith.constant 80 : i32
      %lt3A_582 = arith.cmpi slt, %add3A_580, %lt3A_581 : i32
      %convert_element_type3A_583 = arith.extui %lt3A_582 : i1 to i32
      %cond3A_584 = arith.constant 0 : i32
      %cond3A_585 = arith.cmpi ne, %convert_element_type3A_583, %cond3A_584 : i32
      scf.if %cond3A_585 {
        %add3A_670 = arith.constant 3 : i32
        %add3A_671 = arith.addi %add3A_547, %add3A_670 : i32
        %dma_start3A_672 = arith.constant 0 : i32
        %dma_start3A_673 = arith.constant 0 : i32
        %dma_start3A_674 = tpu.memref_slice %arg14[%dma_start3A_672, %dma_start3A_673] : memref<128x64xf32, #tpu.memory_space<vmem>> -> memref<125x64xf32, #tpu.memory_space<vmem>>
        %dma_start3A_675 = arith.constant 0 : i32
        %dma_start3A_676 = tpu.memref_slice %arg12[%add3A_671, %dma_start3A_675] : memref<80x125xi32, #tpu.memory_space<vmem>> -> memref<1x125xi32, #tpu.memory_space<vmem>>
        %dma_start3A_677 = tpu.memref_squeeze %dma_start3A_676 : memref<1x125xi32, #tpu.memory_space<vmem>> -> memref<125xi32, #tpu.memory_space<vmem>>
        %dma_start3A_678 = arith.constant 0 : i32
        %dma_start3A_679 = arith.constant 0 : i32
        %dma_start3A_680 = tpu.memref_slice %arg3[%dma_start3A_678, %dma_start3A_679] : memref<10000x64xf32, #tpu.memory_space<hbm>> -> memref<10000x64xf32, #tpu.memory_space<hbm>>
        tpu.enqueue_indirect_dma source(%dma_start3A_680 : memref<10000x64xf32, #tpu.memory_space<hbm>>) target(%dma_start3A_674 : memref<125x64xf32, #tpu.memory_space<vmem>>) offsets(%dma_start3A_677 : memref<125xi32, #tpu.memory_space<vmem>>) semaphore(%arg26 : memref<!tpu.dma_semaphore, #tpu.memory_space<semaphore_mem>>)
      } else {
      }
      %mul3A_586 = arith.constant 6 : i32
      %mul3A_587 = arith.muli %mul3A_586, %scan3A_418 : i32
      %add3A_588 = arith.constant 4 : i32
      %add3A_589 = arith.addi %mul3A_587, %add3A_588 : i32
      %dma_wait3A_590 = arith.constant 0 : i32
      %dma_wait3A_591 = arith.constant 0 : i32
      %dma_wait3A_592 = tpu.memref_slice %arg18[%dma_wait3A_590, %dma_wait3A_591] : memref<128x64xf32, #tpu.memory_space<vmem>> -> memref<125x64xf32, #tpu.memory_space<vmem>>
      %dma_wait3A_593 = arith.constant 0 : i32
      %dma_wait3A_594 = tpu.memref_slice %arg12[%add3A_589, %dma_wait3A_593] : memref<80x125xi32, #tpu.memory_space<vmem>> -> memref<1x125xi32, #tpu.memory_space<vmem>>
      %dma_wait3A_595 = tpu.memref_squeeze %dma_wait3A_594 : memref<1x125xi32, #tpu.memory_space<vmem>> -> memref<125xi32, #tpu.memory_space<vmem>>
      %dma_wait3A_596 = arith.constant 0 : i32
      %dma_wait3A_597 = arith.constant 0 : i32
      %dma_wait3A_598 = tpu.memref_slice %arg3[%dma_wait3A_596, %dma_wait3A_597] : memref<10000x64xf32, #tpu.memory_space<hbm>> -> memref<10000x64xf32, #tpu.memory_space<hbm>>
      tpu.wait_indirect_dma semaphore(%arg30 : memref<!tpu.dma_semaphore, #tpu.memory_space<semaphore_mem>>) src(%dma_wait3A_598 : memref<10000x64xf32, #tpu.memory_space<hbm>>) dst(%dma_wait3A_592 : memref<125x64xf32, #tpu.memory_space<vmem>>)
      %dma_start3A_599 = arith.constant 0 : i32
      %dma_start3A_600 = arith.constant 0 : i32
      %dma_start3A_601 = tpu.memref_slice %arg18[%dma_start3A_599, %dma_start3A_600] : memref<128x64xf32, #tpu.memory_space<vmem>> -> memref<125x64xf32, #tpu.memory_space<vmem>>
      %dma_start3A_602 = arith.constant 0 : i32
      %dma_start3A_603 = tpu.memref_slice %arg13[%add3A_589, %dma_start3A_602] : memref<80x125xi32, #tpu.memory_space<vmem>> -> memref<1x125xi32, #tpu.memory_space<vmem>>
      %dma_start3A_604 = tpu.memref_squeeze %dma_start3A_603 : memref<1x125xi32, #tpu.memory_space<vmem>> -> memref<125xi32, #tpu.memory_space<vmem>>
      %dma_start3A_605 = arith.constant 0 : i32
      %dma_start3A_606 = arith.constant 0 : i32
      %dma_start3A_607 = tpu.memref_slice %arg24[%dma_start3A_605, %dma_start3A_606] : memref<10240x64xf32, #tpu.memory_space<vmem_shared>> -> memref<10240x64xf32, #tpu.memory_space<vmem_shared>>
      tpu.enqueue_indirect_dma source(%dma_start3A_601 : memref<125x64xf32, #tpu.memory_space<vmem>>) target(%dma_start3A_607 : memref<10240x64xf32, #tpu.memory_space<vmem_shared>>) offsets(%dma_start3A_604 : memref<125xi32, #tpu.memory_space<vmem>>) semaphore(%arg36 : memref<!tpu.dma_semaphore, #tpu.memory_space<semaphore_mem>>) {add = true}
      %ge3A_608 = arith.constant 0 : i32
      %ge3A_609 = arith.cmpi sge, %add3A_589, %ge3A_608 : i32
      %lt3A_610 = arith.constant 40 : i32
      %lt3A_611 = arith.cmpi slt, %add3A_589, %lt3A_610 : i32
      %and3A_612 = arith.andi %ge3A_609, %lt3A_611 : i1
      %convert_element_type3A_613 = arith.extui %and3A_612 : i1 to i32
      %cond3A_614 = arith.constant 0 : i32
      %cond3A_615 = arith.cmpi ne, %convert_element_type3A_613, %cond3A_614 : i32
      scf.if %cond3A_615 {
        %dma_start3A_670 = arith.constant 0 : i32
        %dma_start3A_671 = tpu.memref_slice %arg13[%add3A_589, %dma_start3A_670] : memref<80x125xi32, #tpu.memory_space<vmem>> -> memref<1x125xi32, #tpu.memory_space<vmem>>
        %dma_start3A_672 = tpu.memref_squeeze %dma_start3A_671 : memref<1x125xi32, #tpu.memory_space<vmem>> -> memref<125xi32, #tpu.memory_space<vmem>>
        %dma_start3A_673 = arith.constant 0 : i32
        %dma_start3A_674 = arith.constant 0 : i32
        %dma_start3A_675 = tpu.memref_slice %arg25[%dma_start3A_673, %dma_start3A_674] : memref<10240x8xf32, #tpu.memory_space<vmem_shared>> -> memref<10240x8xf32, #tpu.memory_space<vmem_shared>>
        tpu.enqueue_indirect_dma source(%arg20 : memref<125x8xf32, #tpu.memory_space<vmem>>) target(%dma_start3A_675 : memref<10240x8xf32, #tpu.memory_space<vmem_shared>>) offsets(%dma_start3A_672 : memref<125xi32, #tpu.memory_space<vmem>>) semaphore(%arg38 : memref<!tpu.dma_semaphore, #tpu.memory_space<semaphore_mem>>) {add = true}
      } else {
      }
      %ge3A_616 = arith.constant 3 : i32
      %ge3A_617 = arith.cmpi sge, %add3A_589, %ge3A_616 : i32
      %convert_element_type3A_618 = arith.extui %ge3A_617 : i1 to i32
      %cond3A_619 = arith.constant 0 : i32
      %cond3A_620 = arith.cmpi ne, %convert_element_type3A_618, %cond3A_619 : i32
      scf.if %cond3A_620 {
        %sub3A = arith.constant 3 : i32
        %sub3A_670 = arith.subi %add3A_589, %sub3A : i32
        %dma_wait3A_671 = arith.constant 0 : i32
        %dma_wait3A_672 = arith.constant 0 : i32
        %dma_wait3A_673 = tpu.memref_slice %arg15[%dma_wait3A_671, %dma_wait3A_672] : memref<128x64xf32, #tpu.memory_space<vmem>> -> memref<125x64xf32, #tpu.memory_space<vmem>>
        %dma_wait3A_674 = arith.constant 0 : i32
        %dma_wait3A_675 = tpu.memref_slice %arg13[%sub3A_670, %dma_wait3A_674] : memref<80x125xi32, #tpu.memory_space<vmem>> -> memref<1x125xi32, #tpu.memory_space<vmem>>
        %dma_wait3A_676 = tpu.memref_squeeze %dma_wait3A_675 : memref<1x125xi32, #tpu.memory_space<vmem>> -> memref<125xi32, #tpu.memory_space<vmem>>
        %dma_wait3A_677 = arith.constant 0 : i32
        %dma_wait3A_678 = arith.constant 0 : i32
        %dma_wait3A_679 = tpu.memref_slice %arg24[%dma_wait3A_677, %dma_wait3A_678] : memref<10240x64xf32, #tpu.memory_space<vmem_shared>> -> memref<10240x64xf32, #tpu.memory_space<vmem_shared>>
        tpu.wait_indirect_dma semaphore(%arg33 : memref<!tpu.dma_semaphore, #tpu.memory_space<semaphore_mem>>) src(%dma_wait3A_673 : memref<125x64xf32, #tpu.memory_space<vmem>>) dst(%dma_wait3A_679 : memref<10240x64xf32, #tpu.memory_space<vmem_shared>>)
      } else {
      }
      %add3A_621 = arith.constant 3 : i32
      %add3A_622 = arith.addi %add3A_589, %add3A_621 : i32
      %lt3A_623 = arith.constant 80 : i32
      %lt3A_624 = arith.cmpi slt, %add3A_622, %lt3A_623 : i32
      %convert_element_type3A_625 = arith.extui %lt3A_624 : i1 to i32
      %cond3A_626 = arith.constant 0 : i32
      %cond3A_627 = arith.cmpi ne, %convert_element_type3A_625, %cond3A_626 : i32
      scf.if %cond3A_627 {
        %add3A_670 = arith.constant 3 : i32
        %add3A_671 = arith.addi %add3A_589, %add3A_670 : i32
        %dma_start3A_672 = arith.constant 0 : i32
        %dma_start3A_673 = arith.constant 0 : i32
        %dma_start3A_674 = tpu.memref_slice %arg15[%dma_start3A_672, %dma_start3A_673] : memref<128x64xf32, #tpu.memory_space<vmem>> -> memref<125x64xf32, #tpu.memory_space<vmem>>
        %dma_start3A_675 = arith.constant 0 : i32
        %dma_start3A_676 = tpu.memref_slice %arg12[%add3A_671, %dma_start3A_675] : memref<80x125xi32, #tpu.memory_space<vmem>> -> memref<1x125xi32, #tpu.memory_space<vmem>>
        %dma_start3A_677 = tpu.memref_squeeze %dma_start3A_676 : memref<1x125xi32, #tpu.memory_space<vmem>> -> memref<125xi32, #tpu.memory_space<vmem>>
        %dma_start3A_678 = arith.constant 0 : i32
        %dma_start3A_679 = arith.constant 0 : i32
        %dma_start3A_680 = tpu.memref_slice %arg3[%dma_start3A_678, %dma_start3A_679] : memref<10000x64xf32, #tpu.memory_space<hbm>> -> memref<10000x64xf32, #tpu.memory_space<hbm>>
        tpu.enqueue_indirect_dma source(%dma_start3A_680 : memref<10000x64xf32, #tpu.memory_space<hbm>>) target(%dma_start3A_674 : memref<125x64xf32, #tpu.memory_space<vmem>>) offsets(%dma_start3A_677 : memref<125xi32, #tpu.memory_space<vmem>>) semaphore(%arg27 : memref<!tpu.dma_semaphore, #tpu.memory_space<semaphore_mem>>)
      } else {
      }
      %mul3A_628 = arith.constant 6 : i32
      %mul3A_629 = arith.muli %mul3A_628, %scan3A_418 : i32
      %add3A_630 = arith.constant 5 : i32
      %add3A_631 = arith.addi %mul3A_629, %add3A_630 : i32
      %dma_wait3A_632 = arith.constant 0 : i32
      %dma_wait3A_633 = arith.constant 0 : i32
      %dma_wait3A_634 = tpu.memref_slice %arg19[%dma_wait3A_632, %dma_wait3A_633] : memref<128x64xf32, #tpu.memory_space<vmem>> -> memref<125x64xf32, #tpu.memory_space<vmem>>
      %dma_wait3A_635 = arith.constant 0 : i32
      %dma_wait3A_636 = tpu.memref_slice %arg12[%add3A_631, %dma_wait3A_635] : memref<80x125xi32, #tpu.memory_space<vmem>> -> memref<1x125xi32, #tpu.memory_space<vmem>>
      %dma_wait3A_637 = tpu.memref_squeeze %dma_wait3A_636 : memref<1x125xi32, #tpu.memory_space<vmem>> -> memref<125xi32, #tpu.memory_space<vmem>>
      %dma_wait3A_638 = arith.constant 0 : i32
      %dma_wait3A_639 = arith.constant 0 : i32
      %dma_wait3A_640 = tpu.memref_slice %arg3[%dma_wait3A_638, %dma_wait3A_639] : memref<10000x64xf32, #tpu.memory_space<hbm>> -> memref<10000x64xf32, #tpu.memory_space<hbm>>
      tpu.wait_indirect_dma semaphore(%arg31 : memref<!tpu.dma_semaphore, #tpu.memory_space<semaphore_mem>>) src(%dma_wait3A_640 : memref<10000x64xf32, #tpu.memory_space<hbm>>) dst(%dma_wait3A_634 : memref<125x64xf32, #tpu.memory_space<vmem>>)
      %dma_start3A_641 = arith.constant 0 : i32
      %dma_start3A_642 = arith.constant 0 : i32
      %dma_start3A_643 = tpu.memref_slice %arg19[%dma_start3A_641, %dma_start3A_642] : memref<128x64xf32, #tpu.memory_space<vmem>> -> memref<125x64xf32, #tpu.memory_space<vmem>>
      %dma_start3A_644 = arith.constant 0 : i32
      %dma_start3A_645 = tpu.memref_slice %arg13[%add3A_631, %dma_start3A_644] : memref<80x125xi32, #tpu.memory_space<vmem>> -> memref<1x125xi32, #tpu.memory_space<vmem>>
      %dma_start3A_646 = tpu.memref_squeeze %dma_start3A_645 : memref<1x125xi32, #tpu.memory_space<vmem>> -> memref<125xi32, #tpu.memory_space<vmem>>
      %dma_start3A_647 = arith.constant 0 : i32
      %dma_start3A_648 = arith.constant 0 : i32
      %dma_start3A_649 = tpu.memref_slice %arg24[%dma_start3A_647, %dma_start3A_648] : memref<10240x64xf32, #tpu.memory_space<vmem_shared>> -> memref<10240x64xf32, #tpu.memory_space<vmem_shared>>
      tpu.enqueue_indirect_dma source(%dma_start3A_643 : memref<125x64xf32, #tpu.memory_space<vmem>>) target(%dma_start3A_649 : memref<10240x64xf32, #tpu.memory_space<vmem_shared>>) offsets(%dma_start3A_646 : memref<125xi32, #tpu.memory_space<vmem>>) semaphore(%arg37 : memref<!tpu.dma_semaphore, #tpu.memory_space<semaphore_mem>>) {add = true}
      %ge3A_650 = arith.constant 0 : i32
      %ge3A_651 = arith.cmpi sge, %add3A_631, %ge3A_650 : i32
      %lt3A_652 = arith.constant 40 : i32
      %lt3A_653 = arith.cmpi slt, %add3A_631, %lt3A_652 : i32
      %and3A_654 = arith.andi %ge3A_651, %lt3A_653 : i1
      %convert_element_type3A_655 = arith.extui %and3A_654 : i1 to i32
      %cond3A_656 = arith.constant 0 : i32
      %cond3A_657 = arith.cmpi ne, %convert_element_type3A_655, %cond3A_656 : i32
      scf.if %cond3A_657 {
        %dma_start3A_670 = arith.constant 0 : i32
        %dma_start3A_671 = tpu.memref_slice %arg13[%add3A_631, %dma_start3A_670] : memref<80x125xi32, #tpu.memory_space<vmem>> -> memref<1x125xi32, #tpu.memory_space<vmem>>
        %dma_start3A_672 = tpu.memref_squeeze %dma_start3A_671 : memref<1x125xi32, #tpu.memory_space<vmem>> -> memref<125xi32, #tpu.memory_space<vmem>>
        %dma_start3A_673 = arith.constant 0 : i32
        %dma_start3A_674 = arith.constant 0 : i32
        %dma_start3A_675 = tpu.memref_slice %arg25[%dma_start3A_673, %dma_start3A_674] : memref<10240x8xf32, #tpu.memory_space<vmem_shared>> -> memref<10240x8xf32, #tpu.memory_space<vmem_shared>>
        tpu.enqueue_indirect_dma source(%arg20 : memref<125x8xf32, #tpu.memory_space<vmem>>) target(%dma_start3A_675 : memref<10240x8xf32, #tpu.memory_space<vmem_shared>>) offsets(%dma_start3A_672 : memref<125xi32, #tpu.memory_space<vmem>>) semaphore(%arg38 : memref<!tpu.dma_semaphore, #tpu.memory_space<semaphore_mem>>) {add = true}
      } else {
      }
      %ge3A_658 = arith.constant 3 : i32
      %ge3A_659 = arith.cmpi sge, %add3A_631, %ge3A_658 : i32
      %convert_element_type3A_660 = arith.extui %ge3A_659 : i1 to i32
      %cond3A_661 = arith.constant 0 : i32
      %cond3A_662 = arith.cmpi ne, %convert_element_type3A_660, %cond3A_661 : i32
      scf.if %cond3A_662 {
        %sub3A = arith.constant 3 : i32
        %sub3A_670 = arith.subi %add3A_631, %sub3A : i32
        %dma_wait3A_671 = arith.constant 0 : i32
        %dma_wait3A_672 = arith.constant 0 : i32
        %dma_wait3A_673 = tpu.memref_slice %arg16[%dma_wait3A_671, %dma_wait3A_672] : memref<128x64xf32, #tpu.memory_space<vmem>> -> memref<125x64xf32, #tpu.memory_space<vmem>>
        %dma_wait3A_674 = arith.constant 0 : i32
        %dma_wait3A_675 = tpu.memref_slice %arg13[%sub3A_670, %dma_wait3A_674] : memref<80x125xi32, #tpu.memory_space<vmem>> -> memref<1x125xi32, #tpu.memory_space<vmem>>
        %dma_wait3A_676 = tpu.memref_squeeze %dma_wait3A_675 : memref<1x125xi32, #tpu.memory_space<vmem>> -> memref<125xi32, #tpu.memory_space<vmem>>
        %dma_wait3A_677 = arith.constant 0 : i32
        %dma_wait3A_678 = arith.constant 0 : i32
        %dma_wait3A_679 = tpu.memref_slice %arg24[%dma_wait3A_677, %dma_wait3A_678] : memref<10240x64xf32, #tpu.memory_space<vmem_shared>> -> memref<10240x64xf32, #tpu.memory_space<vmem_shared>>
        tpu.wait_indirect_dma semaphore(%arg34 : memref<!tpu.dma_semaphore, #tpu.memory_space<semaphore_mem>>) src(%dma_wait3A_673 : memref<125x64xf32, #tpu.memory_space<vmem>>) dst(%dma_wait3A_679 : memref<10240x64xf32, #tpu.memory_space<vmem_shared>>)
      } else {
      }
      %add3A_663 = arith.constant 3 : i32
      %add3A_664 = arith.addi %add3A_631, %add3A_663 : i32
      %lt3A_665 = arith.constant 80 : i32
      %lt3A_666 = arith.cmpi slt, %add3A_664, %lt3A_665 : i32
      %convert_element_type3A_667 = arith.extui %lt3A_666 : i1 to i32
      %cond3A_668 = arith.constant 0 : i32
      %cond3A_669 = arith.cmpi ne, %convert_element_type3A_667, %cond3A_668 : i32
      scf.if %cond3A_669 {
        %add3A_670 = arith.constant 3 : i32
        %add3A_671 = arith.addi %add3A_631, %add3A_670 : i32
        %dma_start3A_672 = arith.constant 0 : i32
        %dma_start3A_673 = arith.constant 0 : i32
        %dma_start3A_674 = tpu.memref_slice %arg16[%dma_start3A_672, %dma_start3A_673] : memref<128x64xf32, #tpu.memory_space<vmem>> -> memref<125x64xf32, #tpu.memory_space<vmem>>
        %dma_start3A_675 = arith.constant 0 : i32
        %dma_start3A_676 = tpu.memref_slice %arg12[%add3A_671, %dma_start3A_675] : memref<80x125xi32, #tpu.memory_space<vmem>> -> memref<1x125xi32, #tpu.memory_space<vmem>>
        %dma_start3A_677 = tpu.memref_squeeze %dma_start3A_676 : memref<1x125xi32, #tpu.memory_space<vmem>> -> memref<125xi32, #tpu.memory_space<vmem>>
        %dma_start3A_678 = arith.constant 0 : i32
        %dma_start3A_679 = arith.constant 0 : i32
        %dma_start3A_680 = tpu.memref_slice %arg3[%dma_start3A_678, %dma_start3A_679] : memref<10000x64xf32, #tpu.memory_space<hbm>> -> memref<10000x64xf32, #tpu.memory_space<hbm>>
        tpu.enqueue_indirect_dma source(%dma_start3A_680 : memref<10000x64xf32, #tpu.memory_space<hbm>>) target(%dma_start3A_674 : memref<125x64xf32, #tpu.memory_space<vmem>>) offsets(%dma_start3A_677 : memref<125xi32, #tpu.memory_space<vmem>>) semaphore(%arg28 : memref<!tpu.dma_semaphore, #tpu.memory_space<semaphore_mem>>)
      } else {
      }
    }
    %scan3A_94 = arith.constant 13 : i32
    %dma_wait3A = arith.constant 78 : i32
    %dma_wait3A_95 = arith.constant 0 : i32
    %dma_wait3A_96 = arith.constant 0 : i32
    %dma_wait3A_97 = tpu.memref_slice %arg14[%dma_wait3A_95, %dma_wait3A_96] : memref<128x64xf32, #tpu.memory_space<vmem>> -> memref<125x64xf32, #tpu.memory_space<vmem>>
    %dma_wait3A_98 = arith.constant 0 : i32
    %dma_wait3A_99 = tpu.memref_slice %arg12[%dma_wait3A, %dma_wait3A_98] : memref<80x125xi32, #tpu.memory_space<vmem>> -> memref<1x125xi32, #tpu.memory_space<vmem>>
    %dma_wait3A_100 = tpu.memref_squeeze %dma_wait3A_99 : memref<1x125xi32, #tpu.memory_space<vmem>> -> memref<125xi32, #tpu.memory_space<vmem>>
    %dma_wait3A_101 = arith.constant 0 : i32
    %dma_wait3A_102 = arith.constant 0 : i32
    %dma_wait3A_103 = tpu.memref_slice %arg3[%dma_wait3A_101, %dma_wait3A_102] : memref<10000x64xf32, #tpu.memory_space<hbm>> -> memref<10000x64xf32, #tpu.memory_space<hbm>>
    tpu.wait_indirect_dma semaphore(%arg26 : memref<!tpu.dma_semaphore, #tpu.memory_space<semaphore_mem>>) src(%dma_wait3A_103 : memref<10000x64xf32, #tpu.memory_space<hbm>>) dst(%dma_wait3A_97 : memref<125x64xf32, #tpu.memory_space<vmem>>)
    %dma_start3A_104 = arith.constant 78 : i32
    %dma_start3A_105 = arith.constant 0 : i32
    %dma_start3A_106 = arith.constant 0 : i32
    %dma_start3A_107 = tpu.memref_slice %arg14[%dma_start3A_105, %dma_start3A_106] : memref<128x64xf32, #tpu.memory_space<vmem>> -> memref<125x64xf32, #tpu.memory_space<vmem>>
    %dma_start3A_108 = arith.constant 0 : i32
    %dma_start3A_109 = tpu.memref_slice %arg13[%dma_start3A_104, %dma_start3A_108] : memref<80x125xi32, #tpu.memory_space<vmem>> -> memref<1x125xi32, #tpu.memory_space<vmem>>
    %dma_start3A_110 = tpu.memref_squeeze %dma_start3A_109 : memref<1x125xi32, #tpu.memory_space<vmem>> -> memref<125xi32, #tpu.memory_space<vmem>>
    %dma_start3A_111 = arith.constant 0 : i32
    %dma_start3A_112 = arith.constant 0 : i32
    %dma_start3A_113 = tpu.memref_slice %arg24[%dma_start3A_111, %dma_start3A_112] : memref<10240x64xf32, #tpu.memory_space<vmem_shared>> -> memref<10240x64xf32, #tpu.memory_space<vmem_shared>>
    tpu.enqueue_indirect_dma source(%dma_start3A_107 : memref<125x64xf32, #tpu.memory_space<vmem>>) target(%dma_start3A_113 : memref<10240x64xf32, #tpu.memory_space<vmem_shared>>) offsets(%dma_start3A_110 : memref<125xi32, #tpu.memory_space<vmem>>) semaphore(%arg32 : memref<!tpu.dma_semaphore, #tpu.memory_space<semaphore_mem>>) {add = true}
    %and3A = arith.constant true
    %and3A_114 = arith.constant false
    %and3A_115 = arith.andi %and3A, %and3A_114 : i1
    %convert_element_type3A_116 = arith.extui %and3A_115 : i1 to i32
    %cond3A_117 = arith.constant 0 : i32
    %cond3A_118 = arith.cmpi ne, %convert_element_type3A_116, %cond3A_117 : i32
    scf.if %cond3A_118 {
      %dma_start3A_418 = arith.constant 78 : i32
      %dma_start3A_419 = arith.constant 0 : i32
      %dma_start3A_420 = tpu.memref_slice %arg13[%dma_start3A_418, %dma_start3A_419] : memref<80x125xi32, #tpu.memory_space<vmem>> -> memref<1x125xi32, #tpu.memory_space<vmem>>
      %dma_start3A_421 = tpu.memref_squeeze %dma_start3A_420 : memref<1x125xi32, #tpu.memory_space<vmem>> -> memref<125xi32, #tpu.memory_space<vmem>>
      %dma_start3A_422 = arith.constant 0 : i32
      %dma_start3A_423 = arith.constant 0 : i32
      %dma_start3A_424 = tpu.memref_slice %arg25[%dma_start3A_422, %dma_start3A_423] : memref<10240x8xf32, #tpu.memory_space<vmem_shared>> -> memref<10240x8xf32, #tpu.memory_space<vmem_shared>>
      tpu.enqueue_indirect_dma source(%arg20 : memref<125x8xf32, #tpu.memory_space<vmem>>) target(%dma_start3A_424 : memref<10240x8xf32, #tpu.memory_space<vmem_shared>>) offsets(%dma_start3A_421 : memref<125xi32, #tpu.memory_space<vmem>>) semaphore(%arg38 : memref<!tpu.dma_semaphore, #tpu.memory_space<semaphore_mem>>) {add = true}
    } else {
    }
    %dma_wait3A_119 = arith.constant 75 : i32
    %dma_wait3A_120 = arith.constant 0 : i32
    %dma_wait3A_121 = arith.constant 0 : i32
    %dma_wait3A_122 = tpu.memref_slice %arg17[%dma_wait3A_120, %dma_wait3A_121] : memref<128x64xf32, #tpu.memory_space<vmem>> -> memref<125x64xf32, #tpu.memory_space<vmem>>
    %dma_wait3A_123 = arith.constant 0 : i32
    %dma_wait3A_124 = tpu.memref_slice %arg13[%dma_wait3A_119, %dma_wait3A_123] : memref<80x125xi32, #tpu.memory_space<vmem>> -> memref<1x125xi32, #tpu.memory_space<vmem>>
    %dma_wait3A_125 = tpu.memref_squeeze %dma_wait3A_124 : memref<1x125xi32, #tpu.memory_space<vmem>> -> memref<125xi32, #tpu.memory_space<vmem>>
    %dma_wait3A_126 = arith.constant 0 : i32
    %dma_wait3A_127 = arith.constant 0 : i32
    %dma_wait3A_128 = tpu.memref_slice %arg24[%dma_wait3A_126, %dma_wait3A_127] : memref<10240x64xf32, #tpu.memory_space<vmem_shared>> -> memref<10240x64xf32, #tpu.memory_space<vmem_shared>>
    tpu.wait_indirect_dma semaphore(%arg35 : memref<!tpu.dma_semaphore, #tpu.memory_space<semaphore_mem>>) src(%dma_wait3A_122 : memref<125x64xf32, #tpu.memory_space<vmem>>) dst(%dma_wait3A_128 : memref<10240x64xf32, #tpu.memory_space<vmem_shared>>)
    %dma_wait3A_129 = arith.constant 79 : i32
    %dma_wait3A_130 = arith.constant 0 : i32
    %dma_wait3A_131 = arith.constant 0 : i32
    %dma_wait3A_132 = tpu.memref_slice %arg15[%dma_wait3A_130, %dma_wait3A_131] : memref<128x64xf32, #tpu.memory_space<vmem>> -> memref<125x64xf32, #tpu.memory_space<vmem>>
    %dma_wait3A_133 = arith.constant 0 : i32
    %dma_wait3A_134 = tpu.memref_slice %arg12[%dma_wait3A_129, %dma_wait3A_133] : memref<80x125xi32, #tpu.memory_space<vmem>> -> memref<1x125xi32, #tpu.memory_space<vmem>>
    %dma_wait3A_135 = tpu.memref_squeeze %dma_wait3A_134 : memref<1x125xi32, #tpu.memory_space<vmem>> -> memref<125xi32, #tpu.memory_space<vmem>>
    %dma_wait3A_136 = arith.constant 0 : i32
    %dma_wait3A_137 = arith.constant 0 : i32
    %dma_wait3A_138 = tpu.memref_slice %arg3[%dma_wait3A_136, %dma_wait3A_137] : memref<10000x64xf32, #tpu.memory_space<hbm>> -> memref<10000x64xf32, #tpu.memory_space<hbm>>
    tpu.wait_indirect_dma semaphore(%arg27 : memref<!tpu.dma_semaphore, #tpu.memory_space<semaphore_mem>>) src(%dma_wait3A_138 : memref<10000x64xf32, #tpu.memory_space<hbm>>) dst(%dma_wait3A_132 : memref<125x64xf32, #tpu.memory_space<vmem>>)
    %dma_start3A_139 = arith.constant 79 : i32
    %dma_start3A_140 = arith.constant 0 : i32
    %dma_start3A_141 = arith.constant 0 : i32
    %dma_start3A_142 = tpu.memref_slice %arg15[%dma_start3A_140, %dma_start3A_141] : memref<128x64xf32, #tpu.memory_space<vmem>> -> memref<125x64xf32, #tpu.memory_space<vmem>>
    %dma_start3A_143 = arith.constant 0 : i32
    %dma_start3A_144 = tpu.memref_slice %arg13[%dma_start3A_139, %dma_start3A_143] : memref<80x125xi32, #tpu.memory_space<vmem>> -> memref<1x125xi32, #tpu.memory_space<vmem>>
    %dma_start3A_145 = tpu.memref_squeeze %dma_start3A_144 : memref<1x125xi32, #tpu.memory_space<vmem>> -> memref<125xi32, #tpu.memory_space<vmem>>
    %dma_start3A_146 = arith.constant 0 : i32
    %dma_start3A_147 = arith.constant 0 : i32
    %dma_start3A_148 = tpu.memref_slice %arg24[%dma_start3A_146, %dma_start3A_147] : memref<10240x64xf32, #tpu.memory_space<vmem_shared>> -> memref<10240x64xf32, #tpu.memory_space<vmem_shared>>
    tpu.enqueue_indirect_dma source(%dma_start3A_142 : memref<125x64xf32, #tpu.memory_space<vmem>>) target(%dma_start3A_148 : memref<10240x64xf32, #tpu.memory_space<vmem_shared>>) offsets(%dma_start3A_145 : memref<125xi32, #tpu.memory_space<vmem>>) semaphore(%arg33 : memref<!tpu.dma_semaphore, #tpu.memory_space<semaphore_mem>>) {add = true}
    %and3A_149 = arith.constant true
    %and3A_150 = arith.constant false
    %and3A_151 = arith.andi %and3A_149, %and3A_150 : i1
    %convert_element_type3A_152 = arith.extui %and3A_151 : i1 to i32
    %cond3A_153 = arith.constant 0 : i32
    %cond3A_154 = arith.cmpi ne, %convert_element_type3A_152, %cond3A_153 : i32
    scf.if %cond3A_154 {
      %dma_start3A_418 = arith.constant 79 : i32
      %dma_start3A_419 = arith.constant 0 : i32
      %dma_start3A_420 = tpu.memref_slice %arg13[%dma_start3A_418, %dma_start3A_419] : memref<80x125xi32, #tpu.memory_space<vmem>> -> memref<1x125xi32, #tpu.memory_space<vmem>>
      %dma_start3A_421 = tpu.memref_squeeze %dma_start3A_420 : memref<1x125xi32, #tpu.memory_space<vmem>> -> memref<125xi32, #tpu.memory_space<vmem>>
      %dma_start3A_422 = arith.constant 0 : i32
      %dma_start3A_423 = arith.constant 0 : i32
      %dma_start3A_424 = tpu.memref_slice %arg25[%dma_start3A_422, %dma_start3A_423] : memref<10240x8xf32, #tpu.memory_space<vmem_shared>> -> memref<10240x8xf32, #tpu.memory_space<vmem_shared>>
      tpu.enqueue_indirect_dma source(%arg20 : memref<125x8xf32, #tpu.memory_space<vmem>>) target(%dma_start3A_424 : memref<10240x8xf32, #tpu.memory_space<vmem_shared>>) offsets(%dma_start3A_421 : memref<125xi32, #tpu.memory_space<vmem>>) semaphore(%arg38 : memref<!tpu.dma_semaphore, #tpu.memory_space<semaphore_mem>>) {add = true}
    } else {
    }
    %dma_wait3A_155 = arith.constant 76 : i32
    %dma_wait3A_156 = arith.constant 0 : i32
    %dma_wait3A_157 = arith.constant 0 : i32
    %dma_wait3A_158 = tpu.memref_slice %arg18[%dma_wait3A_156, %dma_wait3A_157] : memref<128x64xf32, #tpu.memory_space<vmem>> -> memref<125x64xf32, #tpu.memory_space<vmem>>
    %dma_wait3A_159 = arith.constant 0 : i32
    %dma_wait3A_160 = tpu.memref_slice %arg13[%dma_wait3A_155, %dma_wait3A_159] : memref<80x125xi32, #tpu.memory_space<vmem>> -> memref<1x125xi32, #tpu.memory_space<vmem>>
    %dma_wait3A_161 = tpu.memref_squeeze %dma_wait3A_160 : memref<1x125xi32, #tpu.memory_space<vmem>> -> memref<125xi32, #tpu.memory_space<vmem>>
    %dma_wait3A_162 = arith.constant 0 : i32
    %dma_wait3A_163 = arith.constant 0 : i32
    %dma_wait3A_164 = tpu.memref_slice %arg24[%dma_wait3A_162, %dma_wait3A_163] : memref<10240x64xf32, #tpu.memory_space<vmem_shared>> -> memref<10240x64xf32, #tpu.memory_space<vmem_shared>>
    tpu.wait_indirect_dma semaphore(%arg36 : memref<!tpu.dma_semaphore, #tpu.memory_space<semaphore_mem>>) src(%dma_wait3A_158 : memref<125x64xf32, #tpu.memory_space<vmem>>) dst(%dma_wait3A_164 : memref<10240x64xf32, #tpu.memory_space<vmem_shared>>)
    %dma_wait3A_165 = arith.constant 77 : i32
    %dma_wait3A_166 = arith.constant 0 : i32
    %dma_wait3A_167 = arith.constant 0 : i32
    %dma_wait3A_168 = tpu.memref_slice %arg19[%dma_wait3A_166, %dma_wait3A_167] : memref<128x64xf32, #tpu.memory_space<vmem>> -> memref<125x64xf32, #tpu.memory_space<vmem>>
    %dma_wait3A_169 = arith.constant 0 : i32
    %dma_wait3A_170 = tpu.memref_slice %arg13[%dma_wait3A_165, %dma_wait3A_169] : memref<80x125xi32, #tpu.memory_space<vmem>> -> memref<1x125xi32, #tpu.memory_space<vmem>>
    %dma_wait3A_171 = tpu.memref_squeeze %dma_wait3A_170 : memref<1x125xi32, #tpu.memory_space<vmem>> -> memref<125xi32, #tpu.memory_space<vmem>>
    %dma_wait3A_172 = arith.constant 0 : i32
    %dma_wait3A_173 = arith.constant 0 : i32
    %dma_wait3A_174 = tpu.memref_slice %arg24[%dma_wait3A_172, %dma_wait3A_173] : memref<10240x64xf32, #tpu.memory_space<vmem_shared>> -> memref<10240x64xf32, #tpu.memory_space<vmem_shared>>
    tpu.wait_indirect_dma semaphore(%arg37 : memref<!tpu.dma_semaphore, #tpu.memory_space<semaphore_mem>>) src(%dma_wait3A_168 : memref<125x64xf32, #tpu.memory_space<vmem>>) dst(%dma_wait3A_174 : memref<10240x64xf32, #tpu.memory_space<vmem_shared>>)
    %dma_wait3A_175 = arith.constant 78 : i32
    %dma_wait3A_176 = arith.constant 0 : i32
    %dma_wait3A_177 = arith.constant 0 : i32
    %dma_wait3A_178 = tpu.memref_slice %arg14[%dma_wait3A_176, %dma_wait3A_177] : memref<128x64xf32, #tpu.memory_space<vmem>> -> memref<125x64xf32, #tpu.memory_space<vmem>>
    %dma_wait3A_179 = arith.constant 0 : i32
    %dma_wait3A_180 = tpu.memref_slice %arg13[%dma_wait3A_175, %dma_wait3A_179] : memref<80x125xi32, #tpu.memory_space<vmem>> -> memref<1x125xi32, #tpu.memory_space<vmem>>
    %dma_wait3A_181 = tpu.memref_squeeze %dma_wait3A_180 : memref<1x125xi32, #tpu.memory_space<vmem>> -> memref<125xi32, #tpu.memory_space<vmem>>
    %dma_wait3A_182 = arith.constant 0 : i32
    %dma_wait3A_183 = arith.constant 0 : i32
    %dma_wait3A_184 = tpu.memref_slice %arg24[%dma_wait3A_182, %dma_wait3A_183] : memref<10240x64xf32, #tpu.memory_space<vmem_shared>> -> memref<10240x64xf32, #tpu.memory_space<vmem_shared>>
    tpu.wait_indirect_dma semaphore(%arg32 : memref<!tpu.dma_semaphore, #tpu.memory_space<semaphore_mem>>) src(%dma_wait3A_178 : memref<125x64xf32, #tpu.memory_space<vmem>>) dst(%dma_wait3A_184 : memref<10240x64xf32, #tpu.memory_space<vmem_shared>>)
    %dma_wait3A_185 = arith.constant 79 : i32
    %dma_wait3A_186 = arith.constant 0 : i32
    %dma_wait3A_187 = arith.constant 0 : i32
    %dma_wait3A_188 = tpu.memref_slice %arg15[%dma_wait3A_186, %dma_wait3A_187] : memref<128x64xf32, #tpu.memory_space<vmem>> -> memref<125x64xf32, #tpu.memory_space<vmem>>
    %dma_wait3A_189 = arith.constant 0 : i32
    %dma_wait3A_190 = tpu.memref_slice %arg13[%dma_wait3A_185, %dma_wait3A_189] : memref<80x125xi32, #tpu.memory_space<vmem>> -> memref<1x125xi32, #tpu.memory_space<vmem>>
    %dma_wait3A_191 = tpu.memref_squeeze %dma_wait3A_190 : memref<1x125xi32, #tpu.memory_space<vmem>> -> memref<125xi32, #tpu.memory_space<vmem>>
    %dma_wait3A_192 = arith.constant 0 : i32
    %dma_wait3A_193 = arith.constant 0 : i32
    %dma_wait3A_194 = tpu.memref_slice %arg24[%dma_wait3A_192, %dma_wait3A_193] : memref<10240x64xf32, #tpu.memory_space<vmem_shared>> -> memref<10240x64xf32, #tpu.memory_space<vmem_shared>>
    tpu.wait_indirect_dma semaphore(%arg33 : memref<!tpu.dma_semaphore, #tpu.memory_space<semaphore_mem>>) src(%dma_wait3A_188 : memref<125x64xf32, #tpu.memory_space<vmem>>) dst(%dma_wait3A_194 : memref<10240x64xf32, #tpu.memory_space<vmem_shared>>)
    %scan3A_195 = arith.constant 0 : i32
    %scan3A_196 = arith.constant 0 : i32
    %scan3A_197 = arith.constant 80 : i32
    %scan3A_198 = arith.addi %scan3A_196, %scan3A_197 : i32
    %scan3A_199 = arith.constant 1 : i32
    scf.for %scan3A_418 = %scan3A_196 to %scan3A_198 step %scan3A_199  : i32 {
      %ge3A = arith.constant 0 : i32
      %ge3A_419 = arith.cmpi sge, %scan3A_418, %ge3A : i32
      %lt3A_420 = arith.constant 40 : i32
      %lt3A_421 = arith.cmpi slt, %scan3A_418, %lt3A_420 : i32
      %and3A_422 = arith.andi %ge3A_419, %lt3A_421 : i1
      %convert_element_type3A_423 = arith.extui %and3A_422 : i1 to i32
      %cond3A_424 = arith.constant 0 : i32
      %cond3A_425 = arith.cmpi ne, %convert_element_type3A_423, %cond3A_424 : i32
      scf.if %cond3A_425 {
        %dma_wait3A_426 = arith.constant 0 : i32
        %dma_wait3A_427 = tpu.memref_slice %arg13[%scan3A_418, %dma_wait3A_426] : memref<80x125xi32, #tpu.memory_space<vmem>> -> memref<1x125xi32, #tpu.memory_space<vmem>>
        %dma_wait3A_428 = tpu.memref_squeeze %dma_wait3A_427 : memref<1x125xi32, #tpu.memory_space<vmem>> -> memref<125xi32, #tpu.memory_space<vmem>>
        %dma_wait3A_429 = arith.constant 0 : i32
        %dma_wait3A_430 = arith.constant 0 : i32
        %dma_wait3A_431 = tpu.memref_slice %arg25[%dma_wait3A_429, %dma_wait3A_430] : memref<10240x8xf32, #tpu.memory_space<vmem_shared>> -> memref<10240x8xf32, #tpu.memory_space<vmem_shared>>
        tpu.wait_indirect_dma semaphore(%arg38 : memref<!tpu.dma_semaphore, #tpu.memory_space<semaphore_mem>>) src(%arg20 : memref<125x8xf32, #tpu.memory_space<vmem>>) dst(%dma_wait3A_431 : memref<10240x8xf32, #tpu.memory_space<vmem_shared>>)
      } else {
      }
    }
    %scan3A_200 = arith.constant 80 : i32
    %barrier3A_201 = arith.constant 0 : index
    tpu.barrier barrier_id(%barrier3A_201)
    %mul3A_202 = arith.constant 640 : i32
    %mul3A_203 = arith.muli %arg1, %mul3A_202 : i32
    %add3A_204 = arith.constant 0 : i32
    %add3A_205 = arith.addi %mul3A_203, %add3A_204 : i32
    "tpu.region"() ({
      %run_scoped3A = tpu.sem_alloc : memref<!tpu.dma_semaphore, #tpu.memory_space<semaphore_mem>>
      %dma_start3A_418 = arith.constant 0 : i32
      %dma_start3A_419 = tpu.memref_slice %arg10[%arg0, %add3A_205, %dma_start3A_418] : memref<2x10240x128xf32, #tpu.memory_space<hbm>> -> memref<1x128x64xf32, #tpu.memory_space<hbm>>
      %dma_start3A_420 = tpu.memref_squeeze %dma_start3A_419 : memref<1x128x64xf32, #tpu.memory_space<hbm>> -> memref<128x64xf32, #tpu.memory_space<hbm>>
      %dma_start3A_421 = arith.constant 0 : i32
      %dma_start3A_422 = tpu.memref_slice %arg24[%add3A_205, %dma_start3A_421] : memref<10240x64xf32, #tpu.memory_space<vmem_shared>> -> memref<128x64xf32, #tpu.memory_space<vmem_shared>>
      tpu.enqueue_dma source(%dma_start3A_422 : memref<128x64xf32, #tpu.memory_space<vmem_shared>>) target(%dma_start3A_420 : memref<128x64xf32, #tpu.memory_space<hbm>>) target_semaphore(%run_scoped3A : memref<!tpu.dma_semaphore, #tpu.memory_space<semaphore_mem>>)
      %dma_wait3A_423 = arith.constant 0 : i32
      %dma_wait3A_424 = tpu.memref_slice %arg10[%arg0, %add3A_205, %dma_wait3A_423] : memref<2x10240x128xf32, #tpu.memory_space<hbm>> -> memref<1x128x64xf32, #tpu.memory_space<hbm>>
      %dma_wait3A_425 = tpu.memref_squeeze %dma_wait3A_424 : memref<1x128x64xf32, #tpu.memory_space<hbm>> -> memref<128x64xf32, #tpu.memory_space<hbm>>
      %dma_wait3A_426 = arith.constant 0 : i32
      %dma_wait3A_427 = tpu.memref_slice %arg24[%add3A_205, %dma_wait3A_426] : memref<10240x64xf32, #tpu.memory_space<vmem_shared>> -> memref<128x64xf32, #tpu.memory_space<vmem_shared>>
      tpu.wait_dma2 semaphore(%run_scoped3A : memref<!tpu.dma_semaphore, #tpu.memory_space<semaphore_mem>>) src(%dma_wait3A_427 : memref<128x64xf32, #tpu.memory_space<vmem_shared>>) dst(%dma_wait3A_425 : memref<128x64xf32, #tpu.memory_space<hbm>>)
      tpu.yield
    }) : () -> ()
    %mul3A_206 = arith.constant 640 : i32
    %mul3A_207 = arith.muli %arg1, %mul3A_206 : i32
    %add3A_208 = arith.constant 128 : i32
    %add3A_209 = arith.addi %mul3A_207, %add3A_208 : i32
    "tpu.region"() ({
      %run_scoped3A = tpu.sem_alloc : memref<!tpu.dma_semaphore, #tpu.memory_space<semaphore_mem>>
      %dma_start3A_418 = arith.constant 0 : i32
      %dma_start3A_419 = tpu.memref_slice %arg10[%arg0, %add3A_209, %dma_start3A_418] : memref<2x10240x128xf32, #tpu.memory_space<hbm>> -> memref<1x128x64xf32, #tpu.memory_space<hbm>>
      %dma_start3A_420 = tpu.memref_squeeze %dma_start3A_419 : memref<1x128x64xf32, #tpu.memory_space<hbm>> -> memref<128x64xf32, #tpu.memory_space<hbm>>
      %dma_start3A_421 = arith.constant 0 : i32
      %dma_start3A_422 = tpu.memref_slice %arg24[%add3A_209, %dma_start3A_421] : memref<10240x64xf32, #tpu.memory_space<vmem_shared>> -> memref<128x64xf32, #tpu.memory_space<vmem_shared>>
      tpu.enqueue_dma source(%dma_start3A_422 : memref<128x64xf32, #tpu.memory_space<vmem_shared>>) target(%dma_start3A_420 : memref<128x64xf32, #tpu.memory_space<hbm>>) target_semaphore(%run_scoped3A : memref<!tpu.dma_semaphore, #tpu.memory_space<semaphore_mem>>)
      %dma_wait3A_423 = arith.constant 0 : i32
      %dma_wait3A_424 = tpu.memref_slice %arg10[%arg0, %add3A_209, %dma_wait3A_423] : memref<2x10240x128xf32, #tpu.memory_space<hbm>> -> memref<1x128x64xf32, #tpu.memory_space<hbm>>
      %dma_wait3A_425 = tpu.memref_squeeze %dma_wait3A_424 : memref<1x128x64xf32, #tpu.memory_space<hbm>> -> memref<128x64xf32, #tpu.memory_space<hbm>>
      %dma_wait3A_426 = arith.constant 0 : i32
      %dma_wait3A_427 = tpu.memref_slice %arg24[%add3A_209, %dma_wait3A_426] : memref<10240x64xf32, #tpu.memory_space<vmem_shared>> -> memref<128x64xf32, #tpu.memory_space<vmem_shared>>
      tpu.wait_dma2 semaphore(%run_scoped3A : memref<!tpu.dma_semaphore, #tpu.memory_space<semaphore_mem>>) src(%dma_wait3A_427 : memref<128x64xf32, #tpu.memory_space<vmem_shared>>) dst(%dma_wait3A_425 : memref<128x64xf32, #tpu.memory_space<hbm>>)
      tpu.yield
    }) : () -> ()
    %mul3A_210 = arith.constant 640 : i32
    %mul3A_211 = arith.muli %arg1, %mul3A_210 : i32
    %add3A_212 = arith.constant 256 : i32
    %add3A_213 = arith.addi %mul3A_211, %add3A_212 : i32
    "tpu.region"() ({
      %run_scoped3A = tpu.sem_alloc : memref<!tpu.dma_semaphore, #tpu.memory_space<semaphore_mem>>
      %dma_start3A_418 = arith.constant 0 : i32
      %dma_start3A_419 = tpu.memref_slice %arg10[%arg0, %add3A_213, %dma_start3A_418] : memref<2x10240x128xf32, #tpu.memory_space<hbm>> -> memref<1x128x64xf32, #tpu.memory_space<hbm>>
      %dma_start3A_420 = tpu.memref_squeeze %dma_start3A_419 : memref<1x128x64xf32, #tpu.memory_space<hbm>> -> memref<128x64xf32, #tpu.memory_space<hbm>>
      %dma_start3A_421 = arith.constant 0 : i32
      %dma_start3A_422 = tpu.memref_slice %arg24[%add3A_213, %dma_start3A_421] : memref<10240x64xf32, #tpu.memory_space<vmem_shared>> -> memref<128x64xf32, #tpu.memory_space<vmem_shared>>
      tpu.enqueue_dma source(%dma_start3A_422 : memref<128x64xf32, #tpu.memory_space<vmem_shared>>) target(%dma_start3A_420 : memref<128x64xf32, #tpu.memory_space<hbm>>) target_semaphore(%run_scoped3A : memref<!tpu.dma_semaphore, #tpu.memory_space<semaphore_mem>>)
      %dma_wait3A_423 = arith.constant 0 : i32
      %dma_wait3A_424 = tpu.memref_slice %arg10[%arg0, %add3A_213, %dma_wait3A_423] : memref<2x10240x128xf32, #tpu.memory_space<hbm>> -> memref<1x128x64xf32, #tpu.memory_space<hbm>>
      %dma_wait3A_425 = tpu.memref_squeeze %dma_wait3A_424 : memref<1x128x64xf32, #tpu.memory_space<hbm>> -> memref<128x64xf32, #tpu.memory_space<hbm>>
      %dma_wait3A_426 = arith.constant 0 : i32
      %dma_wait3A_427 = tpu.memref_slice %arg24[%add3A_213, %dma_wait3A_426] : memref<10240x64xf32, #tpu.memory_space<vmem_shared>> -> memref<128x64xf32, #tpu.memory_space<vmem_shared>>
      tpu.wait_dma2 semaphore(%run_scoped3A : memref<!tpu.dma_semaphore, #tpu.memory_space<semaphore_mem>>) src(%dma_wait3A_427 : memref<128x64xf32, #tpu.memory_space<vmem_shared>>) dst(%dma_wait3A_425 : memref<128x64xf32, #tpu.memory_space<hbm>>)
      tpu.yield
    }) : () -> ()
    %mul3A_214 = arith.constant 640 : i32
    %mul3A_215 = arith.muli %arg1, %mul3A_214 : i32
    %add3A_216 = arith.constant 384 : i32
    %add3A_217 = arith.addi %mul3A_215, %add3A_216 : i32
    "tpu.region"() ({
      %run_scoped3A = tpu.sem_alloc : memref<!tpu.dma_semaphore, #tpu.memory_space<semaphore_mem>>
      %dma_start3A_418 = arith.constant 0 : i32
      %dma_start3A_419 = tpu.memref_slice %arg10[%arg0, %add3A_217, %dma_start3A_418] : memref<2x10240x128xf32, #tpu.memory_space<hbm>> -> memref<1x128x64xf32, #tpu.memory_space<hbm>>
      %dma_start3A_420 = tpu.memref_squeeze %dma_start3A_419 : memref<1x128x64xf32, #tpu.memory_space<hbm>> -> memref<128x64xf32, #tpu.memory_space<hbm>>
      %dma_start3A_421 = arith.constant 0 : i32
      %dma_start3A_422 = tpu.memref_slice %arg24[%add3A_217, %dma_start3A_421] : memref<10240x64xf32, #tpu.memory_space<vmem_shared>> -> memref<128x64xf32, #tpu.memory_space<vmem_shared>>
      tpu.enqueue_dma source(%dma_start3A_422 : memref<128x64xf32, #tpu.memory_space<vmem_shared>>) target(%dma_start3A_420 : memref<128x64xf32, #tpu.memory_space<hbm>>) target_semaphore(%run_scoped3A : memref<!tpu.dma_semaphore, #tpu.memory_space<semaphore_mem>>)
      %dma_wait3A_423 = arith.constant 0 : i32
      %dma_wait3A_424 = tpu.memref_slice %arg10[%arg0, %add3A_217, %dma_wait3A_423] : memref<2x10240x128xf32, #tpu.memory_space<hbm>> -> memref<1x128x64xf32, #tpu.memory_space<hbm>>
      %dma_wait3A_425 = tpu.memref_squeeze %dma_wait3A_424 : memref<1x128x64xf32, #tpu.memory_space<hbm>> -> memref<128x64xf32, #tpu.memory_space<hbm>>
      %dma_wait3A_426 = arith.constant 0 : i32
      %dma_wait3A_427 = tpu.memref_slice %arg24[%add3A_217, %dma_wait3A_426] : memref<10240x64xf32, #tpu.memory_space<vmem_shared>> -> memref<128x64xf32, #tpu.memory_space<vmem_shared>>
      tpu.wait_dma2 semaphore(%run_scoped3A : memref<!tpu.dma_semaphore, #tpu.memory_space<semaphore_mem>>) src(%dma_wait3A_427 : memref<128x64xf32, #tpu.memory_space<vmem_shared>>) dst(%dma_wait3A_425 : memref<128x64xf32, #tpu.memory_space<hbm>>)
      tpu.yield
    }) : () -> ()
    %mul3A_218 = arith.constant 640 : i32
    %mul3A_219 = arith.muli %arg1, %mul3A_218 : i32
    %add3A_220 = arith.constant 512 : i32
    %add3A_221 = arith.addi %mul3A_219, %add3A_220 : i32
    "tpu.region"() ({
      %run_scoped3A = tpu.sem_alloc : memref<!tpu.dma_semaphore, #tpu.memory_space<semaphore_mem>>
      %dma_start3A_418 = arith.constant 0 : i32
      %dma_start3A_419 = tpu.memref_slice %arg10[%arg0, %add3A_221, %dma_start3A_418] : memref<2x10240x128xf32, #tpu.memory_space<hbm>> -> memref<1x128x64xf32, #tpu.memory_space<hbm>>
      %dma_start3A_420 = tpu.memref_squeeze %dma_start3A_419 : memref<1x128x64xf32, #tpu.memory_space<hbm>> -> memref<128x64xf32, #tpu.memory_space<hbm>>
      %dma_start3A_421 = arith.constant 0 : i32
      %dma_start3A_422 = tpu.memref_slice %arg24[%add3A_221, %dma_start3A_421] : memref<10240x64xf32, #tpu.memory_space<vmem_shared>> -> memref<128x64xf32, #tpu.memory_space<vmem_shared>>
      tpu.enqueue_dma source(%dma_start3A_422 : memref<128x64xf32, #tpu.memory_space<vmem_shared>>) target(%dma_start3A_420 : memref<128x64xf32, #tpu.memory_space<hbm>>) target_semaphore(%run_scoped3A : memref<!tpu.dma_semaphore, #tpu.memory_space<semaphore_mem>>)
      %dma_wait3A_423 = arith.constant 0 : i32
      %dma_wait3A_424 = tpu.memref_slice %arg10[%arg0, %add3A_221, %dma_wait3A_423] : memref<2x10240x128xf32, #tpu.memory_space<hbm>> -> memref<1x128x64xf32, #tpu.memory_space<hbm>>
      %dma_wait3A_425 = tpu.memref_squeeze %dma_wait3A_424 : memref<1x128x64xf32, #tpu.memory_space<hbm>> -> memref<128x64xf32, #tpu.memory_space<hbm>>
      %dma_wait3A_426 = arith.constant 0 : i32
      %dma_wait3A_427 = tpu.memref_slice %arg24[%add3A_221, %dma_wait3A_426] : memref<10240x64xf32, #tpu.memory_space<vmem_shared>> -> memref<128x64xf32, #tpu.memory_space<vmem_shared>>
      tpu.wait_dma2 semaphore(%run_scoped3A : memref<!tpu.dma_semaphore, #tpu.memory_space<semaphore_mem>>) src(%dma_wait3A_427 : memref<128x64xf32, #tpu.memory_space<vmem_shared>>) dst(%dma_wait3A_425 : memref<128x64xf32, #tpu.memory_space<hbm>>)
      tpu.yield
    }) : () -> ()
    %scan3A_222 = arith.constant 0 : i32
    %scan3A_223 = arith.constant 0 : i32
    %scan3A_224 = arith.constant 128 : i32
    %scan3A_225 = arith.addi %scan3A_223, %scan3A_224 : i32
    %scan3A_226 = arith.constant 1 : i32
    scf.for %scan3A_418 = %scan3A_223 to %scan3A_225 step %scan3A_226  : i32 {
      %swap3A = arith.index_cast %scan3A_418 : i32 to index
      %swap3A_419 = arith.constant 0 : index
      %swap3A_420 = tpu.vector_load %arg14[%swap3A, %swap3A_419] {strides = array<i32>} : memref<128x64xf32, #tpu.memory_space<vmem>>, vector<1x16xf32>,
      %swap3A_421 = vector.shape_cast %swap3A_420 : vector<1x16xf32> to vector<16xf32>
      %swap3A_422 = vector.shape_cast %broadcast_in_dim3A_1 : vector<16xf32> to vector<1x16xf32>
      tpu.vector_store %arg14[%swap3A, %swap3A_419], %swap3A_422 {strides = array<i32>} : memref<128x64xf32, #tpu.memory_space<vmem>>, vector<1x16xf32>,
      %swap3A_423 = arith.index_cast %scan3A_418 : i32 to index
      %swap3A_424 = arith.constant 16 : index
      %swap3A_425 = tpu.vector_load %arg14[%swap3A_423, %swap3A_424] {strides = array<i32>} : memref<128x64xf32, #tpu.memory_space<vmem>>, vector<1x16xf32>,
      %swap3A_426 = vector.shape_cast %swap3A_425 : vector<1x16xf32> to vector<16xf32>
      %swap3A_427 = vector.shape_cast %broadcast_in_dim3A_1 : vector<16xf32> to vector<1x16xf32>
      tpu.vector_store %arg14[%swap3A_423, %swap3A_424], %swap3A_427 {strides = array<i32>} : memref<128x64xf32, #tpu.memory_space<vmem>>, vector<1x16xf32>,
      %swap3A_428 = arith.index_cast %scan3A_418 : i32 to index
      %swap3A_429 = arith.constant 32 : index
      %swap3A_430 = tpu.vector_load %arg14[%swap3A_428, %swap3A_429] {strides = array<i32>} : memref<128x64xf32, #tpu.memory_space<vmem>>, vector<1x16xf32>,
      %swap3A_431 = vector.shape_cast %swap3A_430 : vector<1x16xf32> to vector<16xf32>
      %swap3A_432 = vector.shape_cast %broadcast_in_dim3A_1 : vector<16xf32> to vector<1x16xf32>
      tpu.vector_store %arg14[%swap3A_428, %swap3A_429], %swap3A_432 {strides = array<i32>} : memref<128x64xf32, #tpu.memory_space<vmem>>, vector<1x16xf32>,
      %swap3A_433 = arith.index_cast %scan3A_418 : i32 to index
      %swap3A_434 = arith.constant 48 : index
      %swap3A_435 = tpu.vector_load %arg14[%swap3A_433, %swap3A_434] {strides = array<i32>} : memref<128x64xf32, #tpu.memory_space<vmem>>, vector<1x16xf32>,
      %swap3A_436 = vector.shape_cast %swap3A_435 : vector<1x16xf32> to vector<16xf32>
      %swap3A_437 = vector.shape_cast %broadcast_in_dim3A_1 : vector<16xf32> to vector<1x16xf32>
      tpu.vector_store %arg14[%swap3A_433, %swap3A_434], %swap3A_437 {strides = array<i32>} : memref<128x64xf32, #tpu.memory_space<vmem>>, vector<1x16xf32>,
    }
    %scan3A_227 = arith.constant 128 : i32
    %mul3A_228 = arith.constant 640 : i32
    %mul3A_229 = arith.muli %arg1, %mul3A_228 : i32
    %add3A_230 = arith.constant 0 : i32
    %add3A_231 = arith.addi %mul3A_229, %add3A_230 : i32
    "tpu.region"() ({
      %run_scoped3A = tpu.sem_alloc : memref<!tpu.dma_semaphore, #tpu.memory_space<semaphore_mem>>
      %dma_start3A_418 = arith.constant 0 : i32
      %dma_start3A_419 = tpu.memref_slice %arg24[%add3A_231, %dma_start3A_418] : memref<10240x64xf32, #tpu.memory_space<vmem_shared>> -> memref<128x64xf32, #tpu.memory_space<vmem_shared>>
      %dma_start3A_420 = arith.constant 0 : i32
      %dma_start3A_421 = tpu.memref_slice %arg24[%add3A_231, %dma_start3A_420] : memref<10240x64xf32, #tpu.memory_space<vmem_shared>> -> memref<128x64xf32, #tpu.memory_space<vmem_shared>>
      tpu.enqueue_dma source(%arg14 : memref<128x64xf32, #tpu.memory_space<vmem>>) target(%dma_start3A_421 : memref<128x64xf32, #tpu.memory_space<vmem_shared>>) target_semaphore(%run_scoped3A : memref<!tpu.dma_semaphore, #tpu.memory_space<semaphore_mem>>)
      %dma_wait3A_422 = arith.constant 0 : i32
      %dma_wait3A_423 = tpu.memref_slice %arg24[%add3A_231, %dma_wait3A_422] : memref<10240x64xf32, #tpu.memory_space<vmem_shared>> -> memref<128x64xf32, #tpu.memory_space<vmem_shared>>
      %dma_wait3A_424 = arith.constant 0 : i32
      %dma_wait3A_425 = tpu.memref_slice %arg24[%add3A_231, %dma_wait3A_424] : memref<10240x64xf32, #tpu.memory_space<vmem_shared>> -> memref<128x64xf32, #tpu.memory_space<vmem_shared>>
      tpu.wait_dma2 semaphore(%run_scoped3A : memref<!tpu.dma_semaphore, #tpu.memory_space<semaphore_mem>>) src(%arg14 : memref<128x64xf32, #tpu.memory_space<vmem>>) dst(%dma_wait3A_425 : memref<128x64xf32, #tpu.memory_space<vmem_shared>>)
      tpu.yield
    }) : () -> ()
    %mul3A_232 = arith.constant 640 : i32
    %mul3A_233 = arith.muli %arg1, %mul3A_232 : i32
    %add3A_234 = arith.constant 128 : i32
    %add3A_235 = arith.addi %mul3A_233, %add3A_234 : i32
    "tpu.region"() ({
      %run_scoped3A = tpu.sem_alloc : memref<!tpu.dma_semaphore, #tpu.memory_space<semaphore_mem>>
      %dma_start3A_418 = arith.constant 0 : i32
      %dma_start3A_419 = tpu.memref_slice %arg24[%add3A_235, %dma_start3A_418] : memref<10240x64xf32, #tpu.memory_space<vmem_shared>> -> memref<128x64xf32, #tpu.memory_space<vmem_shared>>
      %dma_start3A_420 = arith.constant 0 : i32
      %dma_start3A_421 = tpu.memref_slice %arg24[%add3A_235, %dma_start3A_420] : memref<10240x64xf32, #tpu.memory_space<vmem_shared>> -> memref<128x64xf32, #tpu.memory_space<vmem_shared>>
      tpu.enqueue_dma source(%arg14 : memref<128x64xf32, #tpu.memory_space<vmem>>) target(%dma_start3A_421 : memref<128x64xf32, #tpu.memory_space<vmem_shared>>) target_semaphore(%run_scoped3A : memref<!tpu.dma_semaphore, #tpu.memory_space<semaphore_mem>>)
      %dma_wait3A_422 = arith.constant 0 : i32
      %dma_wait3A_423 = tpu.memref_slice %arg24[%add3A_235, %dma_wait3A_422] : memref<10240x64xf32, #tpu.memory_space<vmem_shared>> -> memref<128x64xf32, #tpu.memory_space<vmem_shared>>
      %dma_wait3A_424 = arith.constant 0 : i32
      %dma_wait3A_425 = tpu.memref_slice %arg24[%add3A_235, %dma_wait3A_424] : memref<10240x64xf32, #tpu.memory_space<vmem_shared>> -> memref<128x64xf32, #tpu.memory_space<vmem_shared>>
      tpu.wait_dma2 semaphore(%run_scoped3A : memref<!tpu.dma_semaphore, #tpu.memory_space<semaphore_mem>>) src(%arg14 : memref<128x64xf32, #tpu.memory_space<vmem>>) dst(%dma_wait3A_425 : memref<128x64xf32, #tpu.memory_space<vmem_shared>>)
      tpu.yield
    }) : () -> ()
    %mul3A_236 = arith.constant 640 : i32
    %mul3A_237 = arith.muli %arg1, %mul3A_236 : i32
    %add3A_238 = arith.constant 256 : i32
    %add3A_239 = arith.addi %mul3A_237, %add3A_238 : i32
    "tpu.region"() ({
      %run_scoped3A = tpu.sem_alloc : memref<!tpu.dma_semaphore, #tpu.memory_space<semaphore_mem>>
      %dma_start3A_418 = arith.constant 0 : i32
      %dma_start3A_419 = tpu.memref_slice %arg24[%add3A_239, %dma_start3A_418] : memref<10240x64xf32, #tpu.memory_space<vmem_shared>> -> memref<128x64xf32, #tpu.memory_space<vmem_shared>>
      %dma_start3A_420 = arith.constant 0 : i32
      %dma_start3A_421 = tpu.memref_slice %arg24[%add3A_239, %dma_start3A_420] : memref<10240x64xf32, #tpu.memory_space<vmem_shared>> -> memref<128x64xf32, #tpu.memory_space<vmem_shared>>
      tpu.enqueue_dma source(%arg14 : memref<128x64xf32, #tpu.memory_space<vmem>>) target(%dma_start3A_421 : memref<128x64xf32, #tpu.memory_space<vmem_shared>>) target_semaphore(%run_scoped3A : memref<!tpu.dma_semaphore, #tpu.memory_space<semaphore_mem>>)
      %dma_wait3A_422 = arith.constant 0 : i32
      %dma_wait3A_423 = tpu.memref_slice %arg24[%add3A_239, %dma_wait3A_422] : memref<10240x64xf32, #tpu.memory_space<vmem_shared>> -> memref<128x64xf32, #tpu.memory_space<vmem_shared>>
      %dma_wait3A_424 = arith.constant 0 : i32
      %dma_wait3A_425 = tpu.memref_slice %arg24[%add3A_239, %dma_wait3A_424] : memref<10240x64xf32, #tpu.memory_space<vmem_shared>> -> memref<128x64xf32, #tpu.memory_space<vmem_shared>>
      tpu.wait_dma2 semaphore(%run_scoped3A : memref<!tpu.dma_semaphore, #tpu.memory_space<semaphore_mem>>) src(%arg14 : memref<128x64xf32, #tpu.memory_space<vmem>>) dst(%dma_wait3A_425 : memref<128x64xf32, #tpu.memory_space<vmem_shared>>)
      tpu.yield
    }) : () -> ()
    %mul3A_240 = arith.constant 640 : i32
    %mul3A_241 = arith.muli %arg1, %mul3A_240 : i32
    %add3A_242 = arith.constant 384 : i32
    %add3A_243 = arith.addi %mul3A_241, %add3A_242 : i32
    "tpu.region"() ({
      %run_scoped3A = tpu.sem_alloc : memref<!tpu.dma_semaphore, #tpu.memory_space<semaphore_mem>>
      %dma_start3A_418 = arith.constant 0 : i32
      %dma_start3A_419 = tpu.memref_slice %arg24[%add3A_243, %dma_start3A_418] : memref<10240x64xf32, #tpu.memory_space<vmem_shared>> -> memref<128x64xf32, #tpu.memory_space<vmem_shared>>
      %dma_start3A_420 = arith.constant 0 : i32
      %dma_start3A_421 = tpu.memref_slice %arg24[%add3A_243, %dma_start3A_420] : memref<10240x64xf32, #tpu.memory_space<vmem_shared>> -> memref<128x64xf32, #tpu.memory_space<vmem_shared>>
      tpu.enqueue_dma source(%arg14 : memref<128x64xf32, #tpu.memory_space<vmem>>) target(%dma_start3A_421 : memref<128x64xf32, #tpu.memory_space<vmem_shared>>) target_semaphore(%run_scoped3A : memref<!tpu.dma_semaphore, #tpu.memory_space<semaphore_mem>>)
      %dma_wait3A_422 = arith.constant 0 : i32
      %dma_wait3A_423 = tpu.memref_slice %arg24[%add3A_243, %dma_wait3A_422] : memref<10240x64xf32, #tpu.memory_space<vmem_shared>> -> memref<128x64xf32, #tpu.memory_space<vmem_shared>>
      %dma_wait3A_424 = arith.constant 0 : i32
      %dma_wait3A_425 = tpu.memref_slice %arg24[%add3A_243, %dma_wait3A_424] : memref<10240x64xf32, #tpu.memory_space<vmem_shared>> -> memref<128x64xf32, #tpu.memory_space<vmem_shared>>
      tpu.wait_dma2 semaphore(%run_scoped3A : memref<!tpu.dma_semaphore, #tpu.memory_space<semaphore_mem>>) src(%arg14 : memref<128x64xf32, #tpu.memory_space<vmem>>) dst(%dma_wait3A_425 : memref<128x64xf32, #tpu.memory_space<vmem_shared>>)
      tpu.yield
    }) : () -> ()
    %mul3A_244 = arith.constant 640 : i32
    %mul3A_245 = arith.muli %arg1, %mul3A_244 : i32
    %add3A_246 = arith.constant 512 : i32
    %add3A_247 = arith.addi %mul3A_245, %add3A_246 : i32
    "tpu.region"() ({
      %run_scoped3A = tpu.sem_alloc : memref<!tpu.dma_semaphore, #tpu.memory_space<semaphore_mem>>
      %dma_start3A_418 = arith.constant 0 : i32
      %dma_start3A_419 = tpu.memref_slice %arg24[%add3A_247, %dma_start3A_418] : memref<10240x64xf32, #tpu.memory_space<vmem_shared>> -> memref<128x64xf32, #tpu.memory_space<vmem_shared>>
      %dma_start3A_420 = arith.constant 0 : i32
      %dma_start3A_421 = tpu.memref_slice %arg24[%add3A_247, %dma_start3A_420] : memref<10240x64xf32, #tpu.memory_space<vmem_shared>> -> memref<128x64xf32, #tpu.memory_space<vmem_shared>>
      tpu.enqueue_dma source(%arg14 : memref<128x64xf32, #tpu.memory_space<vmem>>) target(%dma_start3A_421 : memref<128x64xf32, #tpu.memory_space<vmem_shared>>) target_semaphore(%run_scoped3A : memref<!tpu.dma_semaphore, #tpu.memory_space<semaphore_mem>>)
      %dma_wait3A_422 = arith.constant 0 : i32
      %dma_wait3A_423 = tpu.memref_slice %arg24[%add3A_247, %dma_wait3A_422] : memref<10240x64xf32, #tpu.memory_space<vmem_shared>> -> memref<128x64xf32, #tpu.memory_space<vmem_shared>>
      %dma_wait3A_424 = arith.constant 0 : i32
      %dma_wait3A_425 = tpu.memref_slice %arg24[%add3A_247, %dma_wait3A_424] : memref<10240x64xf32, #tpu.memory_space<vmem_shared>> -> memref<128x64xf32, #tpu.memory_space<vmem_shared>>
      tpu.wait_dma2 semaphore(%run_scoped3A : memref<!tpu.dma_semaphore, #tpu.memory_space<semaphore_mem>>) src(%arg14 : memref<128x64xf32, #tpu.memory_space<vmem>>) dst(%dma_wait3A_425 : memref<128x64xf32, #tpu.memory_space<vmem_shared>>)
      tpu.yield
    }) : () -> ()
    %barrier3A_248 = arith.constant 0 : index
    tpu.barrier barrier_id(%barrier3A_248)
    %dma_start3A_249 = arith.constant 0 : i32
    %dma_start3A_250 = arith.constant 0 : i32
    %dma_start3A_251 = arith.constant 0 : i32
    %dma_start3A_252 = tpu.memref_slice %arg14[%dma_start3A_250, %dma_start3A_251] : memref<128x64xf32, #tpu.memory_space<vmem>> -> memref<125x64xf32, #tpu.memory_space<vmem>>
    %dma_start3A_253 = arith.constant 0 : i32
    %dma_start3A_254 = tpu.memref_slice %arg12[%dma_start3A_249, %dma_start3A_253] : memref<80x125xi32, #tpu.memory_space<vmem>> -> memref<1x125xi32, #tpu.memory_space<vmem>>
    %dma_start3A_255 = tpu.memref_squeeze %dma_start3A_254 : memref<1x125xi32, #tpu.memory_space<vmem>> -> memref<125xi32, #tpu.memory_space<vmem>>
    %dma_start3A_256 = arith.constant 0 : i32
    %dma_start3A_257 = arith.constant 0 : i32
    %dma_start3A_258 = tpu.memref_slice %arg4[%dma_start3A_256, %dma_start3A_257] : memref<10000x64xf32, #tpu.memory_space<hbm>> -> memref<10000x64xf32, #tpu.memory_space<hbm>>
    tpu.enqueue_indirect_dma source(%dma_start3A_258 : memref<10000x64xf32, #tpu.memory_space<hbm>>) target(%dma_start3A_252 : memref<125x64xf32, #tpu.memory_space<vmem>>) offsets(%dma_start3A_255 : memref<125xi32, #tpu.memory_space<vmem>>) semaphore(%arg26 : memref<!tpu.dma_semaphore, #tpu.memory_space<semaphore_mem>>)
    %dma_start3A_259 = arith.constant 1 : i32
    %dma_start3A_260 = arith.constant 0 : i32
    %dma_start3A_261 = arith.constant 0 : i32
    %dma_start3A_262 = tpu.memref_slice %arg15[%dma_start3A_260, %dma_start3A_261] : memref<128x64xf32, #tpu.memory_space<vmem>> -> memref<125x64xf32, #tpu.memory_space<vmem>>
    %dma_start3A_263 = arith.constant 0 : i32
    %dma_start3A_264 = tpu.memref_slice %arg12[%dma_start3A_259, %dma_start3A_263] : memref<80x125xi32, #tpu.memory_space<vmem>> -> memref<1x125xi32, #tpu.memory_space<vmem>>
    %dma_start3A_265 = tpu.memref_squeeze %dma_start3A_264 : memref<1x125xi32, #tpu.memory_space<vmem>> -> memref<125xi32, #tpu.memory_space<vmem>>
    %dma_start3A_266 = arith.constant 0 : i32
    %dma_start3A_267 = arith.constant 0 : i32
    %dma_start3A_268 = tpu.memref_slice %arg4[%dma_start3A_266, %dma_start3A_267] : memref<10000x64xf32, #tpu.memory_space<hbm>> -> memref<10000x64xf32, #tpu.memory_space<hbm>>
    tpu.enqueue_indirect_dma source(%dma_start3A_268 : memref<10000x64xf32, #tpu.memory_space<hbm>>) target(%dma_start3A_262 : memref<125x64xf32, #tpu.memory_space<vmem>>) offsets(%dma_start3A_265 : memref<125xi32, #tpu.memory_space<vmem>>) semaphore(%arg27 : memref<!tpu.dma_semaphore, #tpu.memory_space<semaphore_mem>>)
    %dma_start3A_269 = arith.constant 2 : i32
    %dma_start3A_270 = arith.constant 0 : i32
    %dma_start3A_271 = arith.constant 0 : i32
    %dma_start3A_272 = tpu.memref_slice %arg16[%dma_start3A_270, %dma_start3A_271] : memref<128x64xf32, #tpu.memory_space<vmem>> -> memref<125x64xf32, #tpu.memory_space<vmem>>
    %dma_start3A_273 = arith.constant 0 : i32
    %dma_start3A_274 = tpu.memref_slice %arg12[%dma_start3A_269, %dma_start3A_273] : memref<80x125xi32, #tpu.memory_space<vmem>> -> memref<1x125xi32, #tpu.memory_space<vmem>>
    %dma_start3A_275 = tpu.memref_squeeze %dma_start3A_274 : memref<1x125xi32, #tpu.memory_space<vmem>> -> memref<125xi32, #tpu.memory_space<vmem>>
    %dma_start3A_276 = arith.constant 0 : i32
    %dma_start3A_277 = arith.constant 0 : i32
    %dma_start3A_278 = tpu.memref_slice %arg4[%dma_start3A_276, %dma_start3A_277] : memref<10000x64xf32, #tpu.memory_space<hbm>> -> memref<10000x64xf32, #tpu.memory_space<hbm>>
    tpu.enqueue_indirect_dma source(%dma_start3A_278 : memref<10000x64xf32, #tpu.memory_space<hbm>>) target(%dma_start3A_272 : memref<125x64xf32, #tpu.memory_space<vmem>>) offsets(%dma_start3A_275 : memref<125xi32, #tpu.memory_space<vmem>>) semaphore(%arg28 : memref<!tpu.dma_semaphore, #tpu.memory_space<semaphore_mem>>)
    %scan3A_279 = arith.constant 0 : i32
    %scan3A_280 = arith.constant 0 : i32
    %scan3A_281 = arith.constant 13 : i32
    %scan3A_282 = arith.addi %scan3A_280, %scan3A_281 : i32
    %scan3A_283 = arith.constant 1 : i32
    scf.for %scan3A_418 = %scan3A_280 to %scan3A_282 step %scan3A_283  : i32 {
      %mul3A_419 = arith.constant 6 : i32
      %mul3A_420 = arith.muli %mul3A_419, %scan3A_418 : i32
      %add3A_421 = arith.constant 0 : i32
      %add3A_422 = arith.addi %mul3A_420, %add3A_421 : i32
      %dma_wait3A_423 = arith.constant 0 : i32
      %dma_wait3A_424 = arith.constant 0 : i32
      %dma_wait3A_425 = tpu.memref_slice %arg14[%dma_wait3A_423, %dma_wait3A_424] : memref<128x64xf32, #tpu.memory_space<vmem>> -> memref<125x64xf32, #tpu.memory_space<vmem>>
      %dma_wait3A_426 = arith.constant 0 : i32
      %dma_wait3A_427 = tpu.memref_slice %arg12[%add3A_422, %dma_wait3A_426] : memref<80x125xi32, #tpu.memory_space<vmem>> -> memref<1x125xi32, #tpu.memory_space<vmem>>
      %dma_wait3A_428 = tpu.memref_squeeze %dma_wait3A_427 : memref<1x125xi32, #tpu.memory_space<vmem>> -> memref<125xi32, #tpu.memory_space<vmem>>
      %dma_wait3A_429 = arith.constant 0 : i32
      %dma_wait3A_430 = arith.constant 0 : i32
      %dma_wait3A_431 = tpu.memref_slice %arg4[%dma_wait3A_429, %dma_wait3A_430] : memref<10000x64xf32, #tpu.memory_space<hbm>> -> memref<10000x64xf32, #tpu.memory_space<hbm>>
      tpu.wait_indirect_dma semaphore(%arg26 : memref<!tpu.dma_semaphore, #tpu.memory_space<semaphore_mem>>) src(%dma_wait3A_431 : memref<10000x64xf32, #tpu.memory_space<hbm>>) dst(%dma_wait3A_425 : memref<125x64xf32, #tpu.memory_space<vmem>>)
      %dma_start3A_432 = arith.constant 0 : i32
      %dma_start3A_433 = arith.constant 0 : i32
      %dma_start3A_434 = tpu.memref_slice %arg14[%dma_start3A_432, %dma_start3A_433] : memref<128x64xf32, #tpu.memory_space<vmem>> -> memref<125x64xf32, #tpu.memory_space<vmem>>
      %dma_start3A_435 = arith.constant 0 : i32
      %dma_start3A_436 = tpu.memref_slice %arg13[%add3A_422, %dma_start3A_435] : memref<80x125xi32, #tpu.memory_space<vmem>> -> memref<1x125xi32, #tpu.memory_space<vmem>>
      %dma_start3A_437 = tpu.memref_squeeze %dma_start3A_436 : memref<1x125xi32, #tpu.memory_space<vmem>> -> memref<125xi32, #tpu.memory_space<vmem>>
      %dma_start3A_438 = arith.constant 0 : i32
      %dma_start3A_439 = arith.constant 0 : i32
      %dma_start3A_440 = tpu.memref_slice %arg24[%dma_start3A_438, %dma_start3A_439] : memref<10240x64xf32, #tpu.memory_space<vmem_shared>> -> memref<10240x64xf32, #tpu.memory_space<vmem_shared>>
      tpu.enqueue_indirect_dma source(%dma_start3A_434 : memref<125x64xf32, #tpu.memory_space<vmem>>) target(%dma_start3A_440 : memref<10240x64xf32, #tpu.memory_space<vmem_shared>>) offsets(%dma_start3A_437 : memref<125xi32, #tpu.memory_space<vmem>>) semaphore(%arg32 : memref<!tpu.dma_semaphore, #tpu.memory_space<semaphore_mem>>) {add = true}
      %ge3A = arith.constant 40 : i32
      %ge3A_441 = arith.cmpi sge, %add3A_422, %ge3A : i32
      %lt3A_442 = arith.constant 80 : i32
      %lt3A_443 = arith.cmpi slt, %add3A_422, %lt3A_442 : i32
      %and3A_444 = arith.andi %ge3A_441, %lt3A_443 : i1
      %convert_element_type3A_445 = arith.extui %and3A_444 : i1 to i32
      %cond3A_446 = arith.constant 0 : i32
      %cond3A_447 = arith.cmpi ne, %convert_element_type3A_445, %cond3A_446 : i32
      scf.if %cond3A_447 {
        %dma_start3A_670 = arith.constant 0 : i32
        %dma_start3A_671 = tpu.memref_slice %arg13[%add3A_422, %dma_start3A_670] : memref<80x125xi32, #tpu.memory_space<vmem>> -> memref<1x125xi32, #tpu.memory_space<vmem>>
        %dma_start3A_672 = tpu.memref_squeeze %dma_start3A_671 : memref<1x125xi32, #tpu.memory_space<vmem>> -> memref<125xi32, #tpu.memory_space<vmem>>
        %dma_start3A_673 = arith.constant 0 : i32
        %dma_start3A_674 = arith.constant 0 : i32
        %dma_start3A_675 = tpu.memref_slice %arg25[%dma_start3A_673, %dma_start3A_674] : memref<10240x8xf32, #tpu.memory_space<vmem_shared>> -> memref<10240x8xf32, #tpu.memory_space<vmem_shared>>
        tpu.enqueue_indirect_dma source(%arg20 : memref<125x8xf32, #tpu.memory_space<vmem>>) target(%dma_start3A_675 : memref<10240x8xf32, #tpu.memory_space<vmem_shared>>) offsets(%dma_start3A_672 : memref<125xi32, #tpu.memory_space<vmem>>) semaphore(%arg38 : memref<!tpu.dma_semaphore, #tpu.memory_space<semaphore_mem>>) {add = true}
      } else {
      }
      %ge3A_448 = arith.constant 3 : i32
      %ge3A_449 = arith.cmpi sge, %add3A_422, %ge3A_448 : i32
      %convert_element_type3A_450 = arith.extui %ge3A_449 : i1 to i32
      %cond3A_451 = arith.constant 0 : i32
      %cond3A_452 = arith.cmpi ne, %convert_element_type3A_450, %cond3A_451 : i32
      scf.if %cond3A_452 {
        %sub3A = arith.constant 3 : i32
        %sub3A_670 = arith.subi %add3A_422, %sub3A : i32
        %dma_wait3A_671 = arith.constant 0 : i32
        %dma_wait3A_672 = arith.constant 0 : i32
        %dma_wait3A_673 = tpu.memref_slice %arg17[%dma_wait3A_671, %dma_wait3A_672] : memref<128x64xf32, #tpu.memory_space<vmem>> -> memref<125x64xf32, #tpu.memory_space<vmem>>
        %dma_wait3A_674 = arith.constant 0 : i32
        %dma_wait3A_675 = tpu.memref_slice %arg13[%sub3A_670, %dma_wait3A_674] : memref<80x125xi32, #tpu.memory_space<vmem>> -> memref<1x125xi32, #tpu.memory_space<vmem>>
        %dma_wait3A_676 = tpu.memref_squeeze %dma_wait3A_675 : memref<1x125xi32, #tpu.memory_space<vmem>> -> memref<125xi32, #tpu.memory_space<vmem>>
        %dma_wait3A_677 = arith.constant 0 : i32
        %dma_wait3A_678 = arith.constant 0 : i32
        %dma_wait3A_679 = tpu.memref_slice %arg24[%dma_wait3A_677, %dma_wait3A_678] : memref<10240x64xf32, #tpu.memory_space<vmem_shared>> -> memref<10240x64xf32, #tpu.memory_space<vmem_shared>>
        tpu.wait_indirect_dma semaphore(%arg35 : memref<!tpu.dma_semaphore, #tpu.memory_space<semaphore_mem>>) src(%dma_wait3A_673 : memref<125x64xf32, #tpu.memory_space<vmem>>) dst(%dma_wait3A_679 : memref<10240x64xf32, #tpu.memory_space<vmem_shared>>)
      } else {
      }
      %add3A_453 = arith.constant 3 : i32
      %add3A_454 = arith.addi %add3A_422, %add3A_453 : i32
      %lt3A_455 = arith.constant 80 : i32
      %lt3A_456 = arith.cmpi slt, %add3A_454, %lt3A_455 : i32
      %convert_element_type3A_457 = arith.extui %lt3A_456 : i1 to i32
      %cond3A_458 = arith.constant 0 : i32
      %cond3A_459 = arith.cmpi ne, %convert_element_type3A_457, %cond3A_458 : i32
      scf.if %cond3A_459 {
        %add3A_670 = arith.constant 3 : i32
        %add3A_671 = arith.addi %add3A_422, %add3A_670 : i32
        %dma_start3A_672 = arith.constant 0 : i32
        %dma_start3A_673 = arith.constant 0 : i32
        %dma_start3A_674 = tpu.memref_slice %arg17[%dma_start3A_672, %dma_start3A_673] : memref<128x64xf32, #tpu.memory_space<vmem>> -> memref<125x64xf32, #tpu.memory_space<vmem>>
        %dma_start3A_675 = arith.constant 0 : i32
        %dma_start3A_676 = tpu.memref_slice %arg12[%add3A_671, %dma_start3A_675] : memref<80x125xi32, #tpu.memory_space<vmem>> -> memref<1x125xi32, #tpu.memory_space<vmem>>
        %dma_start3A_677 = tpu.memref_squeeze %dma_start3A_676 : memref<1x125xi32, #tpu.memory_space<vmem>> -> memref<125xi32, #tpu.memory_space<vmem>>
        %dma_start3A_678 = arith.constant 0 : i32
        %dma_start3A_679 = arith.constant 0 : i32
        %dma_start3A_680 = tpu.memref_slice %arg4[%dma_start3A_678, %dma_start3A_679] : memref<10000x64xf32, #tpu.memory_space<hbm>> -> memref<10000x64xf32, #tpu.memory_space<hbm>>
        tpu.enqueue_indirect_dma source(%dma_start3A_680 : memref<10000x64xf32, #tpu.memory_space<hbm>>) target(%dma_start3A_674 : memref<125x64xf32, #tpu.memory_space<vmem>>) offsets(%dma_start3A_677 : memref<125xi32, #tpu.memory_space<vmem>>) semaphore(%arg29 : memref<!tpu.dma_semaphore, #tpu.memory_space<semaphore_mem>>)
      } else {
      }
      %mul3A_460 = arith.constant 6 : i32
      %mul3A_461 = arith.muli %mul3A_460, %scan3A_418 : i32
      %add3A_462 = arith.constant 1 : i32
      %add3A_463 = arith.addi %mul3A_461, %add3A_462 : i32
      %dma_wait3A_464 = arith.constant 0 : i32
      %dma_wait3A_465 = arith.constant 0 : i32
      %dma_wait3A_466 = tpu.memref_slice %arg15[%dma_wait3A_464, %dma_wait3A_465] : memref<128x64xf32, #tpu.memory_space<vmem>> -> memref<125x64xf32, #tpu.memory_space<vmem>>
      %dma_wait3A_467 = arith.constant 0 : i32
      %dma_wait3A_468 = tpu.memref_slice %arg12[%add3A_463, %dma_wait3A_467] : memref<80x125xi32, #tpu.memory_space<vmem>> -> memref<1x125xi32, #tpu.memory_space<vmem>>
      %dma_wait3A_469 = tpu.memref_squeeze %dma_wait3A_468 : memref<1x125xi32, #tpu.memory_space<vmem>> -> memref<125xi32, #tpu.memory_space<vmem>>
      %dma_wait3A_470 = arith.constant 0 : i32
      %dma_wait3A_471 = arith.constant 0 : i32
      %dma_wait3A_472 = tpu.memref_slice %arg4[%dma_wait3A_470, %dma_wait3A_471] : memref<10000x64xf32, #tpu.memory_space<hbm>> -> memref<10000x64xf32, #tpu.memory_space<hbm>>
      tpu.wait_indirect_dma semaphore(%arg27 : memref<!tpu.dma_semaphore, #tpu.memory_space<semaphore_mem>>) src(%dma_wait3A_472 : memref<10000x64xf32, #tpu.memory_space<hbm>>) dst(%dma_wait3A_466 : memref<125x64xf32, #tpu.memory_space<vmem>>)
      %dma_start3A_473 = arith.constant 0 : i32
      %dma_start3A_474 = arith.constant 0 : i32
      %dma_start3A_475 = tpu.memref_slice %arg15[%dma_start3A_473, %dma_start3A_474] : memref<128x64xf32, #tpu.memory_space<vmem>> -> memref<125x64xf32, #tpu.memory_space<vmem>>
      %dma_start3A_476 = arith.constant 0 : i32
      %dma_start3A_477 = tpu.memref_slice %arg13[%add3A_463, %dma_start3A_476] : memref<80x125xi32, #tpu.memory_space<vmem>> -> memref<1x125xi32, #tpu.memory_space<vmem>>
      %dma_start3A_478 = tpu.memref_squeeze %dma_start3A_477 : memref<1x125xi32, #tpu.memory_space<vmem>> -> memref<125xi32, #tpu.memory_space<vmem>>
      %dma_start3A_479 = arith.constant 0 : i32
      %dma_start3A_480 = arith.constant 0 : i32
      %dma_start3A_481 = tpu.memref_slice %arg24[%dma_start3A_479, %dma_start3A_480] : memref<10240x64xf32, #tpu.memory_space<vmem_shared>> -> memref<10240x64xf32, #tpu.memory_space<vmem_shared>>
      tpu.enqueue_indirect_dma source(%dma_start3A_475 : memref<125x64xf32, #tpu.memory_space<vmem>>) target(%dma_start3A_481 : memref<10240x64xf32, #tpu.memory_space<vmem_shared>>) offsets(%dma_start3A_478 : memref<125xi32, #tpu.memory_space<vmem>>) semaphore(%arg33 : memref<!tpu.dma_semaphore, #tpu.memory_space<semaphore_mem>>) {add = true}
      %ge3A_482 = arith.constant 40 : i32
      %ge3A_483 = arith.cmpi sge, %add3A_463, %ge3A_482 : i32
      %lt3A_484 = arith.constant 80 : i32
      %lt3A_485 = arith.cmpi slt, %add3A_463, %lt3A_484 : i32
      %and3A_486 = arith.andi %ge3A_483, %lt3A_485 : i1
      %convert_element_type3A_487 = arith.extui %and3A_486 : i1 to i32
      %cond3A_488 = arith.constant 0 : i32
      %cond3A_489 = arith.cmpi ne, %convert_element_type3A_487, %cond3A_488 : i32
      scf.if %cond3A_489 {
        %dma_start3A_670 = arith.constant 0 : i32
        %dma_start3A_671 = tpu.memref_slice %arg13[%add3A_463, %dma_start3A_670] : memref<80x125xi32, #tpu.memory_space<vmem>> -> memref<1x125xi32, #tpu.memory_space<vmem>>
        %dma_start3A_672 = tpu.memref_squeeze %dma_start3A_671 : memref<1x125xi32, #tpu.memory_space<vmem>> -> memref<125xi32, #tpu.memory_space<vmem>>
        %dma_start3A_673 = arith.constant 0 : i32
        %dma_start3A_674 = arith.constant 0 : i32
        %dma_start3A_675 = tpu.memref_slice %arg25[%dma_start3A_673, %dma_start3A_674] : memref<10240x8xf32, #tpu.memory_space<vmem_shared>> -> memref<10240x8xf32, #tpu.memory_space<vmem_shared>>
        tpu.enqueue_indirect_dma source(%arg20 : memref<125x8xf32, #tpu.memory_space<vmem>>) target(%dma_start3A_675 : memref<10240x8xf32, #tpu.memory_space<vmem_shared>>) offsets(%dma_start3A_672 : memref<125xi32, #tpu.memory_space<vmem>>) semaphore(%arg38 : memref<!tpu.dma_semaphore, #tpu.memory_space<semaphore_mem>>) {add = true}
      } else {
      }
      %ge3A_490 = arith.constant 3 : i32
      %ge3A_491 = arith.cmpi sge, %add3A_463, %ge3A_490 : i32
      %convert_element_type3A_492 = arith.extui %ge3A_491 : i1 to i32
      %cond3A_493 = arith.constant 0 : i32
      %cond3A_494 = arith.cmpi ne, %convert_element_type3A_492, %cond3A_493 : i32
      scf.if %cond3A_494 {
        %sub3A = arith.constant 3 : i32
        %sub3A_670 = arith.subi %add3A_463, %sub3A : i32
        %dma_wait3A_671 = arith.constant 0 : i32
        %dma_wait3A_672 = arith.constant 0 : i32
        %dma_wait3A_673 = tpu.memref_slice %arg18[%dma_wait3A_671, %dma_wait3A_672] : memref<128x64xf32, #tpu.memory_space<vmem>> -> memref<125x64xf32, #tpu.memory_space<vmem>>
        %dma_wait3A_674 = arith.constant 0 : i32
        %dma_wait3A_675 = tpu.memref_slice %arg13[%sub3A_670, %dma_wait3A_674] : memref<80x125xi32, #tpu.memory_space<vmem>> -> memref<1x125xi32, #tpu.memory_space<vmem>>
        %dma_wait3A_676 = tpu.memref_squeeze %dma_wait3A_675 : memref<1x125xi32, #tpu.memory_space<vmem>> -> memref<125xi32, #tpu.memory_space<vmem>>
        %dma_wait3A_677 = arith.constant 0 : i32
        %dma_wait3A_678 = arith.constant 0 : i32
        %dma_wait3A_679 = tpu.memref_slice %arg24[%dma_wait3A_677, %dma_wait3A_678] : memref<10240x64xf32, #tpu.memory_space<vmem_shared>> -> memref<10240x64xf32, #tpu.memory_space<vmem_shared>>
        tpu.wait_indirect_dma semaphore(%arg36 : memref<!tpu.dma_semaphore, #tpu.memory_space<semaphore_mem>>) src(%dma_wait3A_673 : memref<125x64xf32, #tpu.memory_space<vmem>>) dst(%dma_wait3A_679 : memref<10240x64xf32, #tpu.memory_space<vmem_shared>>)
      } else {
      }
      %add3A_495 = arith.constant 3 : i32
      %add3A_496 = arith.addi %add3A_463, %add3A_495 : i32
      %lt3A_497 = arith.constant 80 : i32
      %lt3A_498 = arith.cmpi slt, %add3A_496, %lt3A_497 : i32
      %convert_element_type3A_499 = arith.extui %lt3A_498 : i1 to i32
      %cond3A_500 = arith.constant 0 : i32
      %cond3A_501 = arith.cmpi ne, %convert_element_type3A_499, %cond3A_500 : i32
      scf.if %cond3A_501 {
        %add3A_670 = arith.constant 3 : i32
        %add3A_671 = arith.addi %add3A_463, %add3A_670 : i32
        %dma_start3A_672 = arith.constant 0 : i32
        %dma_start3A_673 = arith.constant 0 : i32
        %dma_start3A_674 = tpu.memref_slice %arg18[%dma_start3A_672, %dma_start3A_673] : memref<128x64xf32, #tpu.memory_space<vmem>> -> memref<125x64xf32, #tpu.memory_space<vmem>>
        %dma_start3A_675 = arith.constant 0 : i32
        %dma_start3A_676 = tpu.memref_slice %arg12[%add3A_671, %dma_start3A_675] : memref<80x125xi32, #tpu.memory_space<vmem>> -> memref<1x125xi32, #tpu.memory_space<vmem>>
        %dma_start3A_677 = tpu.memref_squeeze %dma_start3A_676 : memref<1x125xi32, #tpu.memory_space<vmem>> -> memref<125xi32, #tpu.memory_space<vmem>>
        %dma_start3A_678 = arith.constant 0 : i32
        %dma_start3A_679 = arith.constant 0 : i32
        %dma_start3A_680 = tpu.memref_slice %arg4[%dma_start3A_678, %dma_start3A_679] : memref<10000x64xf32, #tpu.memory_space<hbm>> -> memref<10000x64xf32, #tpu.memory_space<hbm>>
        tpu.enqueue_indirect_dma source(%dma_start3A_680 : memref<10000x64xf32, #tpu.memory_space<hbm>>) target(%dma_start3A_674 : memref<125x64xf32, #tpu.memory_space<vmem>>) offsets(%dma_start3A_677 : memref<125xi32, #tpu.memory_space<vmem>>) semaphore(%arg30 : memref<!tpu.dma_semaphore, #tpu.memory_space<semaphore_mem>>)
      } else {
      }
      %mul3A_502 = arith.constant 6 : i32
      %mul3A_503 = arith.muli %mul3A_502, %scan3A_418 : i32
      %add3A_504 = arith.constant 2 : i32
      %add3A_505 = arith.addi %mul3A_503, %add3A_504 : i32
      %dma_wait3A_506 = arith.constant 0 : i32
      %dma_wait3A_507 = arith.constant 0 : i32
      %dma_wait3A_508 = tpu.memref_slice %arg16[%dma_wait3A_506, %dma_wait3A_507] : memref<128x64xf32, #tpu.memory_space<vmem>> -> memref<125x64xf32, #tpu.memory_space<vmem>>
      %dma_wait3A_509 = arith.constant 0 : i32
      %dma_wait3A_510 = tpu.memref_slice %arg12[%add3A_505, %dma_wait3A_509] : memref<80x125xi32, #tpu.memory_space<vmem>> -> memref<1x125xi32, #tpu.memory_space<vmem>>
      %dma_wait3A_511 = tpu.memref_squeeze %dma_wait3A_510 : memref<1x125xi32, #tpu.memory_space<vmem>> -> memref<125xi32, #tpu.memory_space<vmem>>
      %dma_wait3A_512 = arith.constant 0 : i32
      %dma_wait3A_513 = arith.constant 0 : i32
      %dma_wait3A_514 = tpu.memref_slice %arg4[%dma_wait3A_512, %dma_wait3A_513] : memref<10000x64xf32, #tpu.memory_space<hbm>> -> memref<10000x64xf32, #tpu.memory_space<hbm>>
      tpu.wait_indirect_dma semaphore(%arg28 : memref<!tpu.dma_semaphore, #tpu.memory_space<semaphore_mem>>) src(%dma_wait3A_514 : memref<10000x64xf32, #tpu.memory_space<hbm>>) dst(%dma_wait3A_508 : memref<125x64xf32, #tpu.memory_space<vmem>>)
      %dma_start3A_515 = arith.constant 0 : i32
      %dma_start3A_516 = arith.constant 0 : i32
      %dma_start3A_517 = tpu.memref_slice %arg16[%dma_start3A_515, %dma_start3A_516] : memref<128x64xf32, #tpu.memory_space<vmem>> -> memref<125x64xf32, #tpu.memory_space<vmem>>
      %dma_start3A_518 = arith.constant 0 : i32
      %dma_start3A_519 = tpu.memref_slice %arg13[%add3A_505, %dma_start3A_518] : memref<80x125xi32, #tpu.memory_space<vmem>> -> memref<1x125xi32, #tpu.memory_space<vmem>>
      %dma_start3A_520 = tpu.memref_squeeze %dma_start3A_519 : memref<1x125xi32, #tpu.memory_space<vmem>> -> memref<125xi32, #tpu.memory_space<vmem>>
      %dma_start3A_521 = arith.constant 0 : i32
      %dma_start3A_522 = arith.constant 0 : i32
      %dma_start3A_523 = tpu.memref_slice %arg24[%dma_start3A_521, %dma_start3A_522] : memref<10240x64xf32, #tpu.memory_space<vmem_shared>> -> memref<10240x64xf32, #tpu.memory_space<vmem_shared>>
      tpu.enqueue_indirect_dma source(%dma_start3A_517 : memref<125x64xf32, #tpu.memory_space<vmem>>) target(%dma_start3A_523 : memref<10240x64xf32, #tpu.memory_space<vmem_shared>>) offsets(%dma_start3A_520 : memref<125xi32, #tpu.memory_space<vmem>>) semaphore(%arg34 : memref<!tpu.dma_semaphore, #tpu.memory_space<semaphore_mem>>) {add = true}
      %ge3A_524 = arith.constant 40 : i32
      %ge3A_525 = arith.cmpi sge, %add3A_505, %ge3A_524 : i32
      %lt3A_526 = arith.constant 80 : i32
      %lt3A_527 = arith.cmpi slt, %add3A_505, %lt3A_526 : i32
      %and3A_528 = arith.andi %ge3A_525, %lt3A_527 : i1
      %convert_element_type3A_529 = arith.extui %and3A_528 : i1 to i32
      %cond3A_530 = arith.constant 0 : i32
      %cond3A_531 = arith.cmpi ne, %convert_element_type3A_529, %cond3A_530 : i32
      scf.if %cond3A_531 {
        %dma_start3A_670 = arith.constant 0 : i32
        %dma_start3A_671 = tpu.memref_slice %arg13[%add3A_505, %dma_start3A_670] : memref<80x125xi32, #tpu.memory_space<vmem>> -> memref<1x125xi32, #tpu.memory_space<vmem>>
        %dma_start3A_672 = tpu.memref_squeeze %dma_start3A_671 : memref<1x125xi32, #tpu.memory_space<vmem>> -> memref<125xi32, #tpu.memory_space<vmem>>
        %dma_start3A_673 = arith.constant 0 : i32
        %dma_start3A_674 = arith.constant 0 : i32
        %dma_start3A_675 = tpu.memref_slice %arg25[%dma_start3A_673, %dma_start3A_674] : memref<10240x8xf32, #tpu.memory_space<vmem_shared>> -> memref<10240x8xf32, #tpu.memory_space<vmem_shared>>
        tpu.enqueue_indirect_dma source(%arg20 : memref<125x8xf32, #tpu.memory_space<vmem>>) target(%dma_start3A_675 : memref<10240x8xf32, #tpu.memory_space<vmem_shared>>) offsets(%dma_start3A_672 : memref<125xi32, #tpu.memory_space<vmem>>) semaphore(%arg38 : memref<!tpu.dma_semaphore, #tpu.memory_space<semaphore_mem>>) {add = true}
      } else {
      }
      %ge3A_532 = arith.constant 3 : i32
      %ge3A_533 = arith.cmpi sge, %add3A_505, %ge3A_532 : i32
      %convert_element_type3A_534 = arith.extui %ge3A_533 : i1 to i32
      %cond3A_535 = arith.constant 0 : i32
      %cond3A_536 = arith.cmpi ne, %convert_element_type3A_534, %cond3A_535 : i32
      scf.if %cond3A_536 {
        %sub3A = arith.constant 3 : i32
        %sub3A_670 = arith.subi %add3A_505, %sub3A : i32
        %dma_wait3A_671 = arith.constant 0 : i32
        %dma_wait3A_672 = arith.constant 0 : i32
        %dma_wait3A_673 = tpu.memref_slice %arg19[%dma_wait3A_671, %dma_wait3A_672] : memref<128x64xf32, #tpu.memory_space<vmem>> -> memref<125x64xf32, #tpu.memory_space<vmem>>
        %dma_wait3A_674 = arith.constant 0 : i32
        %dma_wait3A_675 = tpu.memref_slice %arg13[%sub3A_670, %dma_wait3A_674] : memref<80x125xi32, #tpu.memory_space<vmem>> -> memref<1x125xi32, #tpu.memory_space<vmem>>
        %dma_wait3A_676 = tpu.memref_squeeze %dma_wait3A_675 : memref<1x125xi32, #tpu.memory_space<vmem>> -> memref<125xi32, #tpu.memory_space<vmem>>
        %dma_wait3A_677 = arith.constant 0 : i32
        %dma_wait3A_678 = arith.constant 0 : i32
        %dma_wait3A_679 = tpu.memref_slice %arg24[%dma_wait3A_677, %dma_wait3A_678] : memref<10240x64xf32, #tpu.memory_space<vmem_shared>> -> memref<10240x64xf32, #tpu.memory_space<vmem_shared>>
        tpu.wait_indirect_dma semaphore(%arg37 : memref<!tpu.dma_semaphore, #tpu.memory_space<semaphore_mem>>) src(%dma_wait3A_673 : memref<125x64xf32, #tpu.memory_space<vmem>>) dst(%dma_wait3A_679 : memref<10240x64xf32, #tpu.memory_space<vmem_shared>>)
      } else {
      }
      %add3A_537 = arith.constant 3 : i32
      %add3A_538 = arith.addi %add3A_505, %add3A_537 : i32
      %lt3A_539 = arith.constant 80 : i32
      %lt3A_540 = arith.cmpi slt, %add3A_538, %lt3A_539 : i32
      %convert_element_type3A_541 = arith.extui %lt3A_540 : i1 to i32
      %cond3A_542 = arith.constant 0 : i32
      %cond3A_543 = arith.cmpi ne, %convert_element_type3A_541, %cond3A_542 : i32
      scf.if %cond3A_543 {
        %add3A_670 = arith.constant 3 : i32
        %add3A_671 = arith.addi %add3A_505, %add3A_670 : i32
        %dma_start3A_672 = arith.constant 0 : i32
        %dma_start3A_673 = arith.constant 0 : i32
        %dma_start3A_674 = tpu.memref_slice %arg19[%dma_start3A_672, %dma_start3A_673] : memref<128x64xf32, #tpu.memory_space<vmem>> -> memref<125x64xf32, #tpu.memory_space<vmem>>
        %dma_start3A_675 = arith.constant 0 : i32
        %dma_start3A_676 = tpu.memref_slice %arg12[%add3A_671, %dma_start3A_675] : memref<80x125xi32, #tpu.memory_space<vmem>> -> memref<1x125xi32, #tpu.memory_space<vmem>>
        %dma_start3A_677 = tpu.memref_squeeze %dma_start3A_676 : memref<1x125xi32, #tpu.memory_space<vmem>> -> memref<125xi32, #tpu.memory_space<vmem>>
        %dma_start3A_678 = arith.constant 0 : i32
        %dma_start3A_679 = arith.constant 0 : i32
        %dma_start3A_680 = tpu.memref_slice %arg4[%dma_start3A_678, %dma_start3A_679] : memref<10000x64xf32, #tpu.memory_space<hbm>> -> memref<10000x64xf32, #tpu.memory_space<hbm>>
        tpu.enqueue_indirect_dma source(%dma_start3A_680 : memref<10000x64xf32, #tpu.memory_space<hbm>>) target(%dma_start3A_674 : memref<125x64xf32, #tpu.memory_space<vmem>>) offsets(%dma_start3A_677 : memref<125xi32, #tpu.memory_space<vmem>>) semaphore(%arg31 : memref<!tpu.dma_semaphore, #tpu.memory_space<semaphore_mem>>)
      } else {
      }
      %mul3A_544 = arith.constant 6 : i32
      %mul3A_545 = arith.muli %mul3A_544, %scan3A_418 : i32
      %add3A_546 = arith.constant 3 : i32
      %add3A_547 = arith.addi %mul3A_545, %add3A_546 : i32
      %dma_wait3A_548 = arith.constant 0 : i32
      %dma_wait3A_549 = arith.constant 0 : i32
      %dma_wait3A_550 = tpu.memref_slice %arg17[%dma_wait3A_548, %dma_wait3A_549] : memref<128x64xf32, #tpu.memory_space<vmem>> -> memref<125x64xf32, #tpu.memory_space<vmem>>
      %dma_wait3A_551 = arith.constant 0 : i32
      %dma_wait3A_552 = tpu.memref_slice %arg12[%add3A_547, %dma_wait3A_551] : memref<80x125xi32, #tpu.memory_space<vmem>> -> memref<1x125xi32, #tpu.memory_space<vmem>>
      %dma_wait3A_553 = tpu.memref_squeeze %dma_wait3A_552 : memref<1x125xi32, #tpu.memory_space<vmem>> -> memref<125xi32, #tpu.memory_space<vmem>>
      %dma_wait3A_554 = arith.constant 0 : i32
      %dma_wait3A_555 = arith.constant 0 : i32
      %dma_wait3A_556 = tpu.memref_slice %arg4[%dma_wait3A_554, %dma_wait3A_555] : memref<10000x64xf32, #tpu.memory_space<hbm>> -> memref<10000x64xf32, #tpu.memory_space<hbm>>
      tpu.wait_indirect_dma semaphore(%arg29 : memref<!tpu.dma_semaphore, #tpu.memory_space<semaphore_mem>>) src(%dma_wait3A_556 : memref<10000x64xf32, #tpu.memory_space<hbm>>) dst(%dma_wait3A_550 : memref<125x64xf32, #tpu.memory_space<vmem>>)
      %dma_start3A_557 = arith.constant 0 : i32
      %dma_start3A_558 = arith.constant 0 : i32
      %dma_start3A_559 = tpu.memref_slice %arg17[%dma_start3A_557, %dma_start3A_558] : memref<128x64xf32, #tpu.memory_space<vmem>> -> memref<125x64xf32, #tpu.memory_space<vmem>>
      %dma_start3A_560 = arith.constant 0 : i32
      %dma_start3A_561 = tpu.memref_slice %arg13[%add3A_547, %dma_start3A_560] : memref<80x125xi32, #tpu.memory_space<vmem>> -> memref<1x125xi32, #tpu.memory_space<vmem>>
      %dma_start3A_562 = tpu.memref_squeeze %dma_start3A_561 : memref<1x125xi32, #tpu.memory_space<vmem>> -> memref<125xi32, #tpu.memory_space<vmem>>
      %dma_start3A_563 = arith.constant 0 : i32
      %dma_start3A_564 = arith.constant 0 : i32
      %dma_start3A_565 = tpu.memref_slice %arg24[%dma_start3A_563, %dma_start3A_564] : memref<10240x64xf32, #tpu.memory_space<vmem_shared>> -> memref<10240x64xf32, #tpu.memory_space<vmem_shared>>
      tpu.enqueue_indirect_dma source(%dma_start3A_559 : memref<125x64xf32, #tpu.memory_space<vmem>>) target(%dma_start3A_565 : memref<10240x64xf32, #tpu.memory_space<vmem_shared>>) offsets(%dma_start3A_562 : memref<125xi32, #tpu.memory_space<vmem>>) semaphore(%arg35 : memref<!tpu.dma_semaphore, #tpu.memory_space<semaphore_mem>>) {add = true}
      %ge3A_566 = arith.constant 40 : i32
      %ge3A_567 = arith.cmpi sge, %add3A_547, %ge3A_566 : i32
      %lt3A_568 = arith.constant 80 : i32
      %lt3A_569 = arith.cmpi slt, %add3A_547, %lt3A_568 : i32
      %and3A_570 = arith.andi %ge3A_567, %lt3A_569 : i1
      %convert_element_type3A_571 = arith.extui %and3A_570 : i1 to i32
      %cond3A_572 = arith.constant 0 : i32
      %cond3A_573 = arith.cmpi ne, %convert_element_type3A_571, %cond3A_572 : i32
      scf.if %cond3A_573 {
        %dma_start3A_670 = arith.constant 0 : i32
        %dma_start3A_671 = tpu.memref_slice %arg13[%add3A_547, %dma_start3A_670] : memref<80x125xi32, #tpu.memory_space<vmem>> -> memref<1x125xi32, #tpu.memory_space<vmem>>
        %dma_start3A_672 = tpu.memref_squeeze %dma_start3A_671 : memref<1x125xi32, #tpu.memory_space<vmem>> -> memref<125xi32, #tpu.memory_space<vmem>>
        %dma_start3A_673 = arith.constant 0 : i32
        %dma_start3A_674 = arith.constant 0 : i32
        %dma_start3A_675 = tpu.memref_slice %arg25[%dma_start3A_673, %dma_start3A_674] : memref<10240x8xf32, #tpu.memory_space<vmem_shared>> -> memref<10240x8xf32, #tpu.memory_space<vmem_shared>>
        tpu.enqueue_indirect_dma source(%arg20 : memref<125x8xf32, #tpu.memory_space<vmem>>) target(%dma_start3A_675 : memref<10240x8xf32, #tpu.memory_space<vmem_shared>>) offsets(%dma_start3A_672 : memref<125xi32, #tpu.memory_space<vmem>>) semaphore(%arg38 : memref<!tpu.dma_semaphore, #tpu.memory_space<semaphore_mem>>) {add = true}
      } else {
      }
      %ge3A_574 = arith.constant 3 : i32
      %ge3A_575 = arith.cmpi sge, %add3A_547, %ge3A_574 : i32
      %convert_element_type3A_576 = arith.extui %ge3A_575 : i1 to i32
      %cond3A_577 = arith.constant 0 : i32
      %cond3A_578 = arith.cmpi ne, %convert_element_type3A_576, %cond3A_577 : i32
      scf.if %cond3A_578 {
        %sub3A = arith.constant 3 : i32
        %sub3A_670 = arith.subi %add3A_547, %sub3A : i32
        %dma_wait3A_671 = arith.constant 0 : i32
        %dma_wait3A_672 = arith.constant 0 : i32
        %dma_wait3A_673 = tpu.memref_slice %arg14[%dma_wait3A_671, %dma_wait3A_672] : memref<128x64xf32, #tpu.memory_space<vmem>> -> memref<125x64xf32, #tpu.memory_space<vmem>>
        %dma_wait3A_674 = arith.constant 0 : i32
        %dma_wait3A_675 = tpu.memref_slice %arg13[%sub3A_670, %dma_wait3A_674] : memref<80x125xi32, #tpu.memory_space<vmem>> -> memref<1x125xi32, #tpu.memory_space<vmem>>
        %dma_wait3A_676 = tpu.memref_squeeze %dma_wait3A_675 : memref<1x125xi32, #tpu.memory_space<vmem>> -> memref<125xi32, #tpu.memory_space<vmem>>
        %dma_wait3A_677 = arith.constant 0 : i32
        %dma_wait3A_678 = arith.constant 0 : i32
        %dma_wait3A_679 = tpu.memref_slice %arg24[%dma_wait3A_677, %dma_wait3A_678] : memref<10240x64xf32, #tpu.memory_space<vmem_shared>> -> memref<10240x64xf32, #tpu.memory_space<vmem_shared>>
        tpu.wait_indirect_dma semaphore(%arg32 : memref<!tpu.dma_semaphore, #tpu.memory_space<semaphore_mem>>) src(%dma_wait3A_673 : memref<125x64xf32, #tpu.memory_space<vmem>>) dst(%dma_wait3A_679 : memref<10240x64xf32, #tpu.memory_space<vmem_shared>>)
      } else {
      }
      %add3A_579 = arith.constant 3 : i32
      %add3A_580 = arith.addi %add3A_547, %add3A_579 : i32
      %lt3A_581 = arith.constant 80 : i32
      %lt3A_582 = arith.cmpi slt, %add3A_580, %lt3A_581 : i32
      %convert_element_type3A_583 = arith.extui %lt3A_582 : i1 to i32
      %cond3A_584 = arith.constant 0 : i32
      %cond3A_585 = arith.cmpi ne, %convert_element_type3A_583, %cond3A_584 : i32
      scf.if %cond3A_585 {
        %add3A_670 = arith.constant 3 : i32
        %add3A_671 = arith.addi %add3A_547, %add3A_670 : i32
        %dma_start3A_672 = arith.constant 0 : i32
        %dma_start3A_673 = arith.constant 0 : i32
        %dma_start3A_674 = tpu.memref_slice %arg14[%dma_start3A_672, %dma_start3A_673] : memref<128x64xf32, #tpu.memory_space<vmem>> -> memref<125x64xf32, #tpu.memory_space<vmem>>
        %dma_start3A_675 = arith.constant 0 : i32
        %dma_start3A_676 = tpu.memref_slice %arg12[%add3A_671, %dma_start3A_675] : memref<80x125xi32, #tpu.memory_space<vmem>> -> memref<1x125xi32, #tpu.memory_space<vmem>>
        %dma_start3A_677 = tpu.memref_squeeze %dma_start3A_676 : memref<1x125xi32, #tpu.memory_space<vmem>> -> memref<125xi32, #tpu.memory_space<vmem>>
        %dma_start3A_678 = arith.constant 0 : i32
        %dma_start3A_679 = arith.constant 0 : i32
        %dma_start3A_680 = tpu.memref_slice %arg4[%dma_start3A_678, %dma_start3A_679] : memref<10000x64xf32, #tpu.memory_space<hbm>> -> memref<10000x64xf32, #tpu.memory_space<hbm>>
        tpu.enqueue_indirect_dma source(%dma_start3A_680 : memref<10000x64xf32, #tpu.memory_space<hbm>>) target(%dma_start3A_674 : memref<125x64xf32, #tpu.memory_space<vmem>>) offsets(%dma_start3A_677 : memref<125xi32, #tpu.memory_space<vmem>>) semaphore(%arg26 : memref<!tpu.dma_semaphore, #tpu.memory_space<semaphore_mem>>)
      } else {
      }
      %mul3A_586 = arith.constant 6 : i32
      %mul3A_587 = arith.muli %mul3A_586, %scan3A_418 : i32
      %add3A_588 = arith.constant 4 : i32
      %add3A_589 = arith.addi %mul3A_587, %add3A_588 : i32
      %dma_wait3A_590 = arith.constant 0 : i32
      %dma_wait3A_591 = arith.constant 0 : i32
      %dma_wait3A_592 = tpu.memref_slice %arg18[%dma_wait3A_590, %dma_wait3A_591] : memref<128x64xf32, #tpu.memory_space<vmem>> -> memref<125x64xf32, #tpu.memory_space<vmem>>
      %dma_wait3A_593 = arith.constant 0 : i32
      %dma_wait3A_594 = tpu.memref_slice %arg12[%add3A_589, %dma_wait3A_593] : memref<80x125xi32, #tpu.memory_space<vmem>> -> memref<1x125xi32, #tpu.memory_space<vmem>>
      %dma_wait3A_595 = tpu.memref_squeeze %dma_wait3A_594 : memref<1x125xi32, #tpu.memory_space<vmem>> -> memref<125xi32, #tpu.memory_space<vmem>>
      %dma_wait3A_596 = arith.constant 0 : i32
      %dma_wait3A_597 = arith.constant 0 : i32
      %dma_wait3A_598 = tpu.memref_slice %arg4[%dma_wait3A_596, %dma_wait3A_597] : memref<10000x64xf32, #tpu.memory_space<hbm>> -> memref<10000x64xf32, #tpu.memory_space<hbm>>
      tpu.wait_indirect_dma semaphore(%arg30 : memref<!tpu.dma_semaphore, #tpu.memory_space<semaphore_mem>>) src(%dma_wait3A_598 : memref<10000x64xf32, #tpu.memory_space<hbm>>) dst(%dma_wait3A_592 : memref<125x64xf32, #tpu.memory_space<vmem>>)
      %dma_start3A_599 = arith.constant 0 : i32
      %dma_start3A_600 = arith.constant 0 : i32
      %dma_start3A_601 = tpu.memref_slice %arg18[%dma_start3A_599, %dma_start3A_600] : memref<128x64xf32, #tpu.memory_space<vmem>> -> memref<125x64xf32, #tpu.memory_space<vmem>>
      %dma_start3A_602 = arith.constant 0 : i32
      %dma_start3A_603 = tpu.memref_slice %arg13[%add3A_589, %dma_start3A_602] : memref<80x125xi32, #tpu.memory_space<vmem>> -> memref<1x125xi32, #tpu.memory_space<vmem>>
      %dma_start3A_604 = tpu.memref_squeeze %dma_start3A_603 : memref<1x125xi32, #tpu.memory_space<vmem>> -> memref<125xi32, #tpu.memory_space<vmem>>
      %dma_start3A_605 = arith.constant 0 : i32
      %dma_start3A_606 = arith.constant 0 : i32
      %dma_start3A_607 = tpu.memref_slice %arg24[%dma_start3A_605, %dma_start3A_606] : memref<10240x64xf32, #tpu.memory_space<vmem_shared>> -> memref<10240x64xf32, #tpu.memory_space<vmem_shared>>
      tpu.enqueue_indirect_dma source(%dma_start3A_601 : memref<125x64xf32, #tpu.memory_space<vmem>>) target(%dma_start3A_607 : memref<10240x64xf32, #tpu.memory_space<vmem_shared>>) offsets(%dma_start3A_604 : memref<125xi32, #tpu.memory_space<vmem>>) semaphore(%arg36 : memref<!tpu.dma_semaphore, #tpu.memory_space<semaphore_mem>>) {add = true}
      %ge3A_608 = arith.constant 40 : i32
      %ge3A_609 = arith.cmpi sge, %add3A_589, %ge3A_608 : i32
      %lt3A_610 = arith.constant 80 : i32
      %lt3A_611 = arith.cmpi slt, %add3A_589, %lt3A_610 : i32
      %and3A_612 = arith.andi %ge3A_609, %lt3A_611 : i1
      %convert_element_type3A_613 = arith.extui %and3A_612 : i1 to i32
      %cond3A_614 = arith.constant 0 : i32
      %cond3A_615 = arith.cmpi ne, %convert_element_type3A_613, %cond3A_614 : i32
      scf.if %cond3A_615 {
        %dma_start3A_670 = arith.constant 0 : i32
        %dma_start3A_671 = tpu.memref_slice %arg13[%add3A_589, %dma_start3A_670] : memref<80x125xi32, #tpu.memory_space<vmem>> -> memref<1x125xi32, #tpu.memory_space<vmem>>
        %dma_start3A_672 = tpu.memref_squeeze %dma_start3A_671 : memref<1x125xi32, #tpu.memory_space<vmem>> -> memref<125xi32, #tpu.memory_space<vmem>>
        %dma_start3A_673 = arith.constant 0 : i32
        %dma_start3A_674 = arith.constant 0 : i32
        %dma_start3A_675 = tpu.memref_slice %arg25[%dma_start3A_673, %dma_start3A_674] : memref<10240x8xf32, #tpu.memory_space<vmem_shared>> -> memref<10240x8xf32, #tpu.memory_space<vmem_shared>>
        tpu.enqueue_indirect_dma source(%arg20 : memref<125x8xf32, #tpu.memory_space<vmem>>) target(%dma_start3A_675 : memref<10240x8xf32, #tpu.memory_space<vmem_shared>>) offsets(%dma_start3A_672 : memref<125xi32, #tpu.memory_space<vmem>>) semaphore(%arg38 : memref<!tpu.dma_semaphore, #tpu.memory_space<semaphore_mem>>) {add = true}
      } else {
      }
      %ge3A_616 = arith.constant 3 : i32
      %ge3A_617 = arith.cmpi sge, %add3A_589, %ge3A_616 : i32
      %convert_element_type3A_618 = arith.extui %ge3A_617 : i1 to i32
      %cond3A_619 = arith.constant 0 : i32
      %cond3A_620 = arith.cmpi ne, %convert_element_type3A_618, %cond3A_619 : i32
      scf.if %cond3A_620 {
        %sub3A = arith.constant 3 : i32
        %sub3A_670 = arith.subi %add3A_589, %sub3A : i32
        %dma_wait3A_671 = arith.constant 0 : i32
        %dma_wait3A_672 = arith.constant 0 : i32
        %dma_wait3A_673 = tpu.memref_slice %arg15[%dma_wait3A_671, %dma_wait3A_672] : memref<128x64xf32, #tpu.memory_space<vmem>> -> memref<125x64xf32, #tpu.memory_space<vmem>>
        %dma_wait3A_674 = arith.constant 0 : i32
        %dma_wait3A_675 = tpu.memref_slice %arg13[%sub3A_670, %dma_wait3A_674] : memref<80x125xi32, #tpu.memory_space<vmem>> -> memref<1x125xi32, #tpu.memory_space<vmem>>
        %dma_wait3A_676 = tpu.memref_squeeze %dma_wait3A_675 : memref<1x125xi32, #tpu.memory_space<vmem>> -> memref<125xi32, #tpu.memory_space<vmem>>
        %dma_wait3A_677 = arith.constant 0 : i32
        %dma_wait3A_678 = arith.constant 0 : i32
        %dma_wait3A_679 = tpu.memref_slice %arg24[%dma_wait3A_677, %dma_wait3A_678] : memref<10240x64xf32, #tpu.memory_space<vmem_shared>> -> memref<10240x64xf32, #tpu.memory_space<vmem_shared>>
        tpu.wait_indirect_dma semaphore(%arg33 : memref<!tpu.dma_semaphore, #tpu.memory_space<semaphore_mem>>) src(%dma_wait3A_673 : memref<125x64xf32, #tpu.memory_space<vmem>>) dst(%dma_wait3A_679 : memref<10240x64xf32, #tpu.memory_space<vmem_shared>>)
      } else {
      }
      %add3A_621 = arith.constant 3 : i32
      %add3A_622 = arith.addi %add3A_589, %add3A_621 : i32
      %lt3A_623 = arith.constant 80 : i32
      %lt3A_624 = arith.cmpi slt, %add3A_622, %lt3A_623 : i32
      %convert_element_type3A_625 = arith.extui %lt3A_624 : i1 to i32
      %cond3A_626 = arith.constant 0 : i32
      %cond3A_627 = arith.cmpi ne, %convert_element_type3A_625, %cond3A_626 : i32
      scf.if %cond3A_627 {
        %add3A_670 = arith.constant 3 : i32
        %add3A_671 = arith.addi %add3A_589, %add3A_670 : i32
        %dma_start3A_672 = arith.constant 0 : i32
        %dma_start3A_673 = arith.constant 0 : i32
        %dma_start3A_674 = tpu.memref_slice %arg15[%dma_start3A_672, %dma_start3A_673] : memref<128x64xf32, #tpu.memory_space<vmem>> -> memref<125x64xf32, #tpu.memory_space<vmem>>
        %dma_start3A_675 = arith.constant 0 : i32
        %dma_start3A_676 = tpu.memref_slice %arg12[%add3A_671, %dma_start3A_675] : memref<80x125xi32, #tpu.memory_space<vmem>> -> memref<1x125xi32, #tpu.memory_space<vmem>>
        %dma_start3A_677 = tpu.memref_squeeze %dma_start3A_676 : memref<1x125xi32, #tpu.memory_space<vmem>> -> memref<125xi32, #tpu.memory_space<vmem>>
        %dma_start3A_678 = arith.constant 0 : i32
        %dma_start3A_679 = arith.constant 0 : i32
        %dma_start3A_680 = tpu.memref_slice %arg4[%dma_start3A_678, %dma_start3A_679] : memref<10000x64xf32, #tpu.memory_space<hbm>> -> memref<10000x64xf32, #tpu.memory_space<hbm>>
        tpu.enqueue_indirect_dma source(%dma_start3A_680 : memref<10000x64xf32, #tpu.memory_space<hbm>>) target(%dma_start3A_674 : memref<125x64xf32, #tpu.memory_space<vmem>>) offsets(%dma_start3A_677 : memref<125xi32, #tpu.memory_space<vmem>>) semaphore(%arg27 : memref<!tpu.dma_semaphore, #tpu.memory_space<semaphore_mem>>)
      } else {
      }
      %mul3A_628 = arith.constant 6 : i32
      %mul3A_629 = arith.muli %mul3A_628, %scan3A_418 : i32
      %add3A_630 = arith.constant 5 : i32
      %add3A_631 = arith.addi %mul3A_629, %add3A_630 : i32
      %dma_wait3A_632 = arith.constant 0 : i32
      %dma_wait3A_633 = arith.constant 0 : i32
      %dma_wait3A_634 = tpu.memref_slice %arg19[%dma_wait3A_632, %dma_wait3A_633] : memref<128x64xf32, #tpu.memory_space<vmem>> -> memref<125x64xf32, #tpu.memory_space<vmem>>
      %dma_wait3A_635 = arith.constant 0 : i32
      %dma_wait3A_636 = tpu.memref_slice %arg12[%add3A_631, %dma_wait3A_635] : memref<80x125xi32, #tpu.memory_space<vmem>> -> memref<1x125xi32, #tpu.memory_space<vmem>>
      %dma_wait3A_637 = tpu.memref_squeeze %dma_wait3A_636 : memref<1x125xi32, #tpu.memory_space<vmem>> -> memref<125xi32, #tpu.memory_space<vmem>>
      %dma_wait3A_638 = arith.constant 0 : i32
      %dma_wait3A_639 = arith.constant 0 : i32
      %dma_wait3A_640 = tpu.memref_slice %arg4[%dma_wait3A_638, %dma_wait3A_639] : memref<10000x64xf32, #tpu.memory_space<hbm>> -> memref<10000x64xf32, #tpu.memory_space<hbm>>
      tpu.wait_indirect_dma semaphore(%arg31 : memref<!tpu.dma_semaphore, #tpu.memory_space<semaphore_mem>>) src(%dma_wait3A_640 : memref<10000x64xf32, #tpu.memory_space<hbm>>) dst(%dma_wait3A_634 : memref<125x64xf32, #tpu.memory_space<vmem>>)
      %dma_start3A_641 = arith.constant 0 : i32
      %dma_start3A_642 = arith.constant 0 : i32
      %dma_start3A_643 = tpu.memref_slice %arg19[%dma_start3A_641, %dma_start3A_642] : memref<128x64xf32, #tpu.memory_space<vmem>> -> memref<125x64xf32, #tpu.memory_space<vmem>>
      %dma_start3A_644 = arith.constant 0 : i32
      %dma_start3A_645 = tpu.memref_slice %arg13[%add3A_631, %dma_start3A_644] : memref<80x125xi32, #tpu.memory_space<vmem>> -> memref<1x125xi32, #tpu.memory_space<vmem>>
      %dma_start3A_646 = tpu.memref_squeeze %dma_start3A_645 : memref<1x125xi32, #tpu.memory_space<vmem>> -> memref<125xi32, #tpu.memory_space<vmem>>
      %dma_start3A_647 = arith.constant 0 : i32
      %dma_start3A_648 = arith.constant 0 : i32
      %dma_start3A_649 = tpu.memref_slice %arg24[%dma_start3A_647, %dma_start3A_648] : memref<10240x64xf32, #tpu.memory_space<vmem_shared>> -> memref<10240x64xf32, #tpu.memory_space<vmem_shared>>
      tpu.enqueue_indirect_dma source(%dma_start3A_643 : memref<125x64xf32, #tpu.memory_space<vmem>>) target(%dma_start3A_649 : memref<10240x64xf32, #tpu.memory_space<vmem_shared>>) offsets(%dma_start3A_646 : memref<125xi32, #tpu.memory_space<vmem>>) semaphore(%arg37 : memref<!tpu.dma_semaphore, #tpu.memory_space<semaphore_mem>>) {add = true}
      %ge3A_650 = arith.constant 40 : i32
      %ge3A_651 = arith.cmpi sge, %add3A_631, %ge3A_650 : i32
      %lt3A_652 = arith.constant 80 : i32
      %lt3A_653 = arith.cmpi slt, %add3A_631, %lt3A_652 : i32
      %and3A_654 = arith.andi %ge3A_651, %lt3A_653 : i1
      %convert_element_type3A_655 = arith.extui %and3A_654 : i1 to i32
      %cond3A_656 = arith.constant 0 : i32
      %cond3A_657 = arith.cmpi ne, %convert_element_type3A_655, %cond3A_656 : i32
      scf.if %cond3A_657 {
        %dma_start3A_670 = arith.constant 0 : i32
        %dma_start3A_671 = tpu.memref_slice %arg13[%add3A_631, %dma_start3A_670] : memref<80x125xi32, #tpu.memory_space<vmem>> -> memref<1x125xi32, #tpu.memory_space<vmem>>
        %dma_start3A_672 = tpu.memref_squeeze %dma_start3A_671 : memref<1x125xi32, #tpu.memory_space<vmem>> -> memref<125xi32, #tpu.memory_space<vmem>>
        %dma_start3A_673 = arith.constant 0 : i32
        %dma_start3A_674 = arith.constant 0 : i32
        %dma_start3A_675 = tpu.memref_slice %arg25[%dma_start3A_673, %dma_start3A_674] : memref<10240x8xf32, #tpu.memory_space<vmem_shared>> -> memref<10240x8xf32, #tpu.memory_space<vmem_shared>>
        tpu.enqueue_indirect_dma source(%arg20 : memref<125x8xf32, #tpu.memory_space<vmem>>) target(%dma_start3A_675 : memref<10240x8xf32, #tpu.memory_space<vmem_shared>>) offsets(%dma_start3A_672 : memref<125xi32, #tpu.memory_space<vmem>>) semaphore(%arg38 : memref<!tpu.dma_semaphore, #tpu.memory_space<semaphore_mem>>) {add = true}
      } else {
      }
      %ge3A_658 = arith.constant 3 : i32
      %ge3A_659 = arith.cmpi sge, %add3A_631, %ge3A_658 : i32
      %convert_element_type3A_660 = arith.extui %ge3A_659 : i1 to i32
      %cond3A_661 = arith.constant 0 : i32
      %cond3A_662 = arith.cmpi ne, %convert_element_type3A_660, %cond3A_661 : i32
      scf.if %cond3A_662 {
        %sub3A = arith.constant 3 : i32
        %sub3A_670 = arith.subi %add3A_631, %sub3A : i32
        %dma_wait3A_671 = arith.constant 0 : i32
        %dma_wait3A_672 = arith.constant 0 : i32
        %dma_wait3A_673 = tpu.memref_slice %arg16[%dma_wait3A_671, %dma_wait3A_672] : memref<128x64xf32, #tpu.memory_space<vmem>> -> memref<125x64xf32, #tpu.memory_space<vmem>>
        %dma_wait3A_674 = arith.constant 0 : i32
        %dma_wait3A_675 = tpu.memref_slice %arg13[%sub3A_670, %dma_wait3A_674] : memref<80x125xi32, #tpu.memory_space<vmem>> -> memref<1x125xi32, #tpu.memory_space<vmem>>
        %dma_wait3A_676 = tpu.memref_squeeze %dma_wait3A_675 : memref<1x125xi32, #tpu.memory_space<vmem>> -> memref<125xi32, #tpu.memory_space<vmem>>
        %dma_wait3A_677 = arith.constant 0 : i32
        %dma_wait3A_678 = arith.constant 0 : i32
        %dma_wait3A_679 = tpu.memref_slice %arg24[%dma_wait3A_677, %dma_wait3A_678] : memref<10240x64xf32, #tpu.memory_space<vmem_shared>> -> memref<10240x64xf32, #tpu.memory_space<vmem_shared>>
        tpu.wait_indirect_dma semaphore(%arg34 : memref<!tpu.dma_semaphore, #tpu.memory_space<semaphore_mem>>) src(%dma_wait3A_673 : memref<125x64xf32, #tpu.memory_space<vmem>>) dst(%dma_wait3A_679 : memref<10240x64xf32, #tpu.memory_space<vmem_shared>>)
      } else {
      }
      %add3A_663 = arith.constant 3 : i32
      %add3A_664 = arith.addi %add3A_631, %add3A_663 : i32
      %lt3A_665 = arith.constant 80 : i32
      %lt3A_666 = arith.cmpi slt, %add3A_664, %lt3A_665 : i32
      %convert_element_type3A_667 = arith.extui %lt3A_666 : i1 to i32
      %cond3A_668 = arith.constant 0 : i32
      %cond3A_669 = arith.cmpi ne, %convert_element_type3A_667, %cond3A_668 : i32
      scf.if %cond3A_669 {
        %add3A_670 = arith.constant 3 : i32
        %add3A_671 = arith.addi %add3A_631, %add3A_670 : i32
        %dma_start3A_672 = arith.constant 0 : i32
        %dma_start3A_673 = arith.constant 0 : i32
        %dma_start3A_674 = tpu.memref_slice %arg16[%dma_start3A_672, %dma_start3A_673] : memref<128x64xf32, #tpu.memory_space<vmem>> -> memref<125x64xf32, #tpu.memory_space<vmem>>
        %dma_start3A_675 = arith.constant 0 : i32
        %dma_start3A_676 = tpu.memref_slice %arg12[%add3A_671, %dma_start3A_675] : memref<80x125xi32, #tpu.memory_space<vmem>> -> memref<1x125xi32, #tpu.memory_space<vmem>>
        %dma_start3A_677 = tpu.memref_squeeze %dma_start3A_676 : memref<1x125xi32, #tpu.memory_space<vmem>> -> memref<125xi32, #tpu.memory_space<vmem>>
        %dma_start3A_678 = arith.constant 0 : i32
        %dma_start3A_679 = arith.constant 0 : i32
        %dma_start3A_680 = tpu.memref_slice %arg4[%dma_start3A_678, %dma_start3A_679] : memref<10000x64xf32, #tpu.memory_space<hbm>> -> memref<10000x64xf32, #tpu.memory_space<hbm>>
        tpu.enqueue_indirect_dma source(%dma_start3A_680 : memref<10000x64xf32, #tpu.memory_space<hbm>>) target(%dma_start3A_674 : memref<125x64xf32, #tpu.memory_space<vmem>>) offsets(%dma_start3A_677 : memref<125xi32, #tpu.memory_space<vmem>>) semaphore(%arg28 : memref<!tpu.dma_semaphore, #tpu.memory_space<semaphore_mem>>)
      } else {
      }
    }
    %scan3A_284 = arith.constant 13 : i32
    %dma_wait3A_285 = arith.constant 78 : i32
    %dma_wait3A_286 = arith.constant 0 : i32
    %dma_wait3A_287 = arith.constant 0 : i32
    %dma_wait3A_288 = tpu.memref_slice %arg14[%dma_wait3A_286, %dma_wait3A_287] : memref<128x64xf32, #tpu.memory_space<vmem>> -> memref<125x64xf32, #tpu.memory_space<vmem>>
    %dma_wait3A_289 = arith.constant 0 : i32
    %dma_wait3A_290 = tpu.memref_slice %arg12[%dma_wait3A_285, %dma_wait3A_289] : memref<80x125xi32, #tpu.memory_space<vmem>> -> memref<1x125xi32, #tpu.memory_space<vmem>>
    %dma_wait3A_291 = tpu.memref_squeeze %dma_wait3A_290 : memref<1x125xi32, #tpu.memory_space<vmem>> -> memref<125xi32, #tpu.memory_space<vmem>>
    %dma_wait3A_292 = arith.constant 0 : i32
    %dma_wait3A_293 = arith.constant 0 : i32
    %dma_wait3A_294 = tpu.memref_slice %arg4[%dma_wait3A_292, %dma_wait3A_293] : memref<10000x64xf32, #tpu.memory_space<hbm>> -> memref<10000x64xf32, #tpu.memory_space<hbm>>
    tpu.wait_indirect_dma semaphore(%arg26 : memref<!tpu.dma_semaphore, #tpu.memory_space<semaphore_mem>>) src(%dma_wait3A_294 : memref<10000x64xf32, #tpu.memory_space<hbm>>) dst(%dma_wait3A_288 : memref<125x64xf32, #tpu.memory_space<vmem>>)
    %dma_start3A_295 = arith.constant 78 : i32
    %dma_start3A_296 = arith.constant 0 : i32
    %dma_start3A_297 = arith.constant 0 : i32
    %dma_start3A_298 = tpu.memref_slice %arg14[%dma_start3A_296, %dma_start3A_297] : memref<128x64xf32, #tpu.memory_space<vmem>> -> memref<125x64xf32, #tpu.memory_space<vmem>>
    %dma_start3A_299 = arith.constant 0 : i32
    %dma_start3A_300 = tpu.memref_slice %arg13[%dma_start3A_295, %dma_start3A_299] : memref<80x125xi32, #tpu.memory_space<vmem>> -> memref<1x125xi32, #tpu.memory_space<vmem>>
    %dma_start3A_301 = tpu.memref_squeeze %dma_start3A_300 : memref<1x125xi32, #tpu.memory_space<vmem>> -> memref<125xi32, #tpu.memory_space<vmem>>
    %dma_start3A_302 = arith.constant 0 : i32
    %dma_start3A_303 = arith.constant 0 : i32
    %dma_start3A_304 = tpu.memref_slice %arg24[%dma_start3A_302, %dma_start3A_303] : memref<10240x64xf32, #tpu.memory_space<vmem_shared>> -> memref<10240x64xf32, #tpu.memory_space<vmem_shared>>
    tpu.enqueue_indirect_dma source(%dma_start3A_298 : memref<125x64xf32, #tpu.memory_space<vmem>>) target(%dma_start3A_304 : memref<10240x64xf32, #tpu.memory_space<vmem_shared>>) offsets(%dma_start3A_301 : memref<125xi32, #tpu.memory_space<vmem>>) semaphore(%arg32 : memref<!tpu.dma_semaphore, #tpu.memory_space<semaphore_mem>>) {add = true}
    %and3A_305 = arith.constant true
    %and3A_306 = arith.constant true
    %and3A_307 = arith.andi %and3A_305, %and3A_306 : i1
    %convert_element_type3A_308 = arith.extui %and3A_307 : i1 to i32
    %cond3A_309 = arith.constant 0 : i32
    %cond3A_310 = arith.cmpi ne, %convert_element_type3A_308, %cond3A_309 : i32
    scf.if %cond3A_310 {
      %dma_start3A_418 = arith.constant 78 : i32
      %dma_start3A_419 = arith.constant 0 : i32
      %dma_start3A_420 = tpu.memref_slice %arg13[%dma_start3A_418, %dma_start3A_419] : memref<80x125xi32, #tpu.memory_space<vmem>> -> memref<1x125xi32, #tpu.memory_space<vmem>>
      %dma_start3A_421 = tpu.memref_squeeze %dma_start3A_420 : memref<1x125xi32, #tpu.memory_space<vmem>> -> memref<125xi32, #tpu.memory_space<vmem>>
      %dma_start3A_422 = arith.constant 0 : i32
      %dma_start3A_423 = arith.constant 0 : i32
      %dma_start3A_424 = tpu.memref_slice %arg25[%dma_start3A_422, %dma_start3A_423] : memref<10240x8xf32, #tpu.memory_space<vmem_shared>> -> memref<10240x8xf32, #tpu.memory_space<vmem_shared>>
      tpu.enqueue_indirect_dma source(%arg20 : memref<125x8xf32, #tpu.memory_space<vmem>>) target(%dma_start3A_424 : memref<10240x8xf32, #tpu.memory_space<vmem_shared>>) offsets(%dma_start3A_421 : memref<125xi32, #tpu.memory_space<vmem>>) semaphore(%arg38 : memref<!tpu.dma_semaphore, #tpu.memory_space<semaphore_mem>>) {add = true}
    } else {
    }
    %dma_wait3A_311 = arith.constant 75 : i32
    %dma_wait3A_312 = arith.constant 0 : i32
    %dma_wait3A_313 = arith.constant 0 : i32
    %dma_wait3A_314 = tpu.memref_slice %arg17[%dma_wait3A_312, %dma_wait3A_313] : memref<128x64xf32, #tpu.memory_space<vmem>> -> memref<125x64xf32, #tpu.memory_space<vmem>>
    %dma_wait3A_315 = arith.constant 0 : i32
    %dma_wait3A_316 = tpu.memref_slice %arg13[%dma_wait3A_311, %dma_wait3A_315] : memref<80x125xi32, #tpu.memory_space<vmem>> -> memref<1x125xi32, #tpu.memory_space<vmem>>
    %dma_wait3A_317 = tpu.memref_squeeze %dma_wait3A_316 : memref<1x125xi32, #tpu.memory_space<vmem>> -> memref<125xi32, #tpu.memory_space<vmem>>
    %dma_wait3A_318 = arith.constant 0 : i32
    %dma_wait3A_319 = arith.constant 0 : i32
    %dma_wait3A_320 = tpu.memref_slice %arg24[%dma_wait3A_318, %dma_wait3A_319] : memref<10240x64xf32, #tpu.memory_space<vmem_shared>> -> memref<10240x64xf32, #tpu.memory_space<vmem_shared>>
    tpu.wait_indirect_dma semaphore(%arg35 : memref<!tpu.dma_semaphore, #tpu.memory_space<semaphore_mem>>) src(%dma_wait3A_314 : memref<125x64xf32, #tpu.memory_space<vmem>>) dst(%dma_wait3A_320 : memref<10240x64xf32, #tpu.memory_space<vmem_shared>>)
    %dma_wait3A_321 = arith.constant 79 : i32
    %dma_wait3A_322 = arith.constant 0 : i32
    %dma_wait3A_323 = arith.constant 0 : i32
    %dma_wait3A_324 = tpu.memref_slice %arg15[%dma_wait3A_322, %dma_wait3A_323] : memref<128x64xf32, #tpu.memory_space<vmem>> -> memref<125x64xf32, #tpu.memory_space<vmem>>
    %dma_wait3A_325 = arith.constant 0 : i32
    %dma_wait3A_326 = tpu.memref_slice %arg12[%dma_wait3A_321, %dma_wait3A_325] : memref<80x125xi32, #tpu.memory_space<vmem>> -> memref<1x125xi32, #tpu.memory_space<vmem>>
    %dma_wait3A_327 = tpu.memref_squeeze %dma_wait3A_326 : memref<1x125xi32, #tpu.memory_space<vmem>> -> memref<125xi32, #tpu.memory_space<vmem>>
    %dma_wait3A_328 = arith.constant 0 : i32
    %dma_wait3A_329 = arith.constant 0 : i32
    %dma_wait3A_330 = tpu.memref_slice %arg4[%dma_wait3A_328, %dma_wait3A_329] : memref<10000x64xf32, #tpu.memory_space<hbm>> -> memref<10000x64xf32, #tpu.memory_space<hbm>>
    tpu.wait_indirect_dma semaphore(%arg27 : memref<!tpu.dma_semaphore, #tpu.memory_space<semaphore_mem>>) src(%dma_wait3A_330 : memref<10000x64xf32, #tpu.memory_space<hbm>>) dst(%dma_wait3A_324 : memref<125x64xf32, #tpu.memory_space<vmem>>)
    %dma_start3A_331 = arith.constant 79 : i32
    %dma_start3A_332 = arith.constant 0 : i32
    %dma_start3A_333 = arith.constant 0 : i32
    %dma_start3A_334 = tpu.memref_slice %arg15[%dma_start3A_332, %dma_start3A_333] : memref<128x64xf32, #tpu.memory_space<vmem>> -> memref<125x64xf32, #tpu.memory_space<vmem>>
    %dma_start3A_335 = arith.constant 0 : i32
    %dma_start3A_336 = tpu.memref_slice %arg13[%dma_start3A_331, %dma_start3A_335] : memref<80x125xi32, #tpu.memory_space<vmem>> -> memref<1x125xi32, #tpu.memory_space<vmem>>
    %dma_start3A_337 = tpu.memref_squeeze %dma_start3A_336 : memref<1x125xi32, #tpu.memory_space<vmem>> -> memref<125xi32, #tpu.memory_space<vmem>>
    %dma_start3A_338 = arith.constant 0 : i32
    %dma_start3A_339 = arith.constant 0 : i32
    %dma_start3A_340 = tpu.memref_slice %arg24[%dma_start3A_338, %dma_start3A_339] : memref<10240x64xf32, #tpu.memory_space<vmem_shared>> -> memref<10240x64xf32, #tpu.memory_space<vmem_shared>>
    tpu.enqueue_indirect_dma source(%dma_start3A_334 : memref<125x64xf32, #tpu.memory_space<vmem>>) target(%dma_start3A_340 : memref<10240x64xf32, #tpu.memory_space<vmem_shared>>) offsets(%dma_start3A_337 : memref<125xi32, #tpu.memory_space<vmem>>) semaphore(%arg33 : memref<!tpu.dma_semaphore, #tpu.memory_space<semaphore_mem>>) {add = true}
    %and3A_341 = arith.constant true
    %and3A_342 = arith.constant true
    %and3A_343 = arith.andi %and3A_341, %and3A_342 : i1
    %convert_element_type3A_344 = arith.extui %and3A_343 : i1 to i32
    %cond3A_345 = arith.constant 0 : i32
    %cond3A_346 = arith.cmpi ne, %convert_element_type3A_344, %cond3A_345 : i32
    scf.if %cond3A_346 {
      %dma_start3A_418 = arith.constant 79 : i32
      %dma_start3A_419 = arith.constant 0 : i32
      %dma_start3A_420 = tpu.memref_slice %arg13[%dma_start3A_418, %dma_start3A_419] : memref<80x125xi32, #tpu.memory_space<vmem>> -> memref<1x125xi32, #tpu.memory_space<vmem>>
      %dma_start3A_421 = tpu.memref_squeeze %dma_start3A_420 : memref<1x125xi32, #tpu.memory_space<vmem>> -> memref<125xi32, #tpu.memory_space<vmem>>
      %dma_start3A_422 = arith.constant 0 : i32
      %dma_start3A_423 = arith.constant 0 : i32
      %dma_start3A_424 = tpu.memref_slice %arg25[%dma_start3A_422, %dma_start3A_423] : memref<10240x8xf32, #tpu.memory_space<vmem_shared>> -> memref<10240x8xf32, #tpu.memory_space<vmem_shared>>
      tpu.enqueue_indirect_dma source(%arg20 : memref<125x8xf32, #tpu.memory_space<vmem>>) target(%dma_start3A_424 : memref<10240x8xf32, #tpu.memory_space<vmem_shared>>) offsets(%dma_start3A_421 : memref<125xi32, #tpu.memory_space<vmem>>) semaphore(%arg38 : memref<!tpu.dma_semaphore, #tpu.memory_space<semaphore_mem>>) {add = true}
    } else {
    }
    %dma_wait3A_347 = arith.constant 76 : i32
    %dma_wait3A_348 = arith.constant 0 : i32
    %dma_wait3A_349 = arith.constant 0 : i32
    %dma_wait3A_350 = tpu.memref_slice %arg18[%dma_wait3A_348, %dma_wait3A_349] : memref<128x64xf32, #tpu.memory_space<vmem>> -> memref<125x64xf32, #tpu.memory_space<vmem>>
    %dma_wait3A_351 = arith.constant 0 : i32
    %dma_wait3A_352 = tpu.memref_slice %arg13[%dma_wait3A_347, %dma_wait3A_351] : memref<80x125xi32, #tpu.memory_space<vmem>> -> memref<1x125xi32, #tpu.memory_space<vmem>>
    %dma_wait3A_353 = tpu.memref_squeeze %dma_wait3A_352 : memref<1x125xi32, #tpu.memory_space<vmem>> -> memref<125xi32, #tpu.memory_space<vmem>>
    %dma_wait3A_354 = arith.constant 0 : i32
    %dma_wait3A_355 = arith.constant 0 : i32
    %dma_wait3A_356 = tpu.memref_slice %arg24[%dma_wait3A_354, %dma_wait3A_355] : memref<10240x64xf32, #tpu.memory_space<vmem_shared>> -> memref<10240x64xf32, #tpu.memory_space<vmem_shared>>
    tpu.wait_indirect_dma semaphore(%arg36 : memref<!tpu.dma_semaphore, #tpu.memory_space<semaphore_mem>>) src(%dma_wait3A_350 : memref<125x64xf32, #tpu.memory_space<vmem>>) dst(%dma_wait3A_356 : memref<10240x64xf32, #tpu.memory_space<vmem_shared>>)
    %dma_wait3A_357 = arith.constant 77 : i32
    %dma_wait3A_358 = arith.constant 0 : i32
    %dma_wait3A_359 = arith.constant 0 : i32
    %dma_wait3A_360 = tpu.memref_slice %arg19[%dma_wait3A_358, %dma_wait3A_359] : memref<128x64xf32, #tpu.memory_space<vmem>> -> memref<125x64xf32, #tpu.memory_space<vmem>>
    %dma_wait3A_361 = arith.constant 0 : i32
    %dma_wait3A_362 = tpu.memref_slice %arg13[%dma_wait3A_357, %dma_wait3A_361] : memref<80x125xi32, #tpu.memory_space<vmem>> -> memref<1x125xi32, #tpu.memory_space<vmem>>
    %dma_wait3A_363 = tpu.memref_squeeze %dma_wait3A_362 : memref<1x125xi32, #tpu.memory_space<vmem>> -> memref<125xi32, #tpu.memory_space<vmem>>
    %dma_wait3A_364 = arith.constant 0 : i32
    %dma_wait3A_365 = arith.constant 0 : i32
    %dma_wait3A_366 = tpu.memref_slice %arg24[%dma_wait3A_364, %dma_wait3A_365] : memref<10240x64xf32, #tpu.memory_space<vmem_shared>> -> memref<10240x64xf32, #tpu.memory_space<vmem_shared>>
    tpu.wait_indirect_dma semaphore(%arg37 : memref<!tpu.dma_semaphore, #tpu.memory_space<semaphore_mem>>) src(%dma_wait3A_360 : memref<125x64xf32, #tpu.memory_space<vmem>>) dst(%dma_wait3A_366 : memref<10240x64xf32, #tpu.memory_space<vmem_shared>>)
    %dma_wait3A_367 = arith.constant 78 : i32
    %dma_wait3A_368 = arith.constant 0 : i32
    %dma_wait3A_369 = arith.constant 0 : i32
    %dma_wait3A_370 = tpu.memref_slice %arg14[%dma_wait3A_368, %dma_wait3A_369] : memref<128x64xf32, #tpu.memory_space<vmem>> -> memref<125x64xf32, #tpu.memory_space<vmem>>
    %dma_wait3A_371 = arith.constant 0 : i32
    %dma_wait3A_372 = tpu.memref_slice %arg13[%dma_wait3A_367, %dma_wait3A_371] : memref<80x125xi32, #tpu.memory_space<vmem>> -> memref<1x125xi32, #tpu.memory_space<vmem>>
    %dma_wait3A_373 = tpu.memref_squeeze %dma_wait3A_372 : memref<1x125xi32, #tpu.memory_space<vmem>> -> memref<125xi32, #tpu.memory_space<vmem>>
    %dma_wait3A_374 = arith.constant 0 : i32
    %dma_wait3A_375 = arith.constant 0 : i32
    %dma_wait3A_376 = tpu.memref_slice %arg24[%dma_wait3A_374, %dma_wait3A_375] : memref<10240x64xf32, #tpu.memory_space<vmem_shared>> -> memref<10240x64xf32, #tpu.memory_space<vmem_shared>>
    tpu.wait_indirect_dma semaphore(%arg32 : memref<!tpu.dma_semaphore, #tpu.memory_space<semaphore_mem>>) src(%dma_wait3A_370 : memref<125x64xf32, #tpu.memory_space<vmem>>) dst(%dma_wait3A_376 : memref<10240x64xf32, #tpu.memory_space<vmem_shared>>)
    %dma_wait3A_377 = arith.constant 79 : i32
    %dma_wait3A_378 = arith.constant 0 : i32
    %dma_wait3A_379 = arith.constant 0 : i32
    %dma_wait3A_380 = tpu.memref_slice %arg15[%dma_wait3A_378, %dma_wait3A_379] : memref<128x64xf32, #tpu.memory_space<vmem>> -> memref<125x64xf32, #tpu.memory_space<vmem>>
    %dma_wait3A_381 = arith.constant 0 : i32
    %dma_wait3A_382 = tpu.memref_slice %arg13[%dma_wait3A_377, %dma_wait3A_381] : memref<80x125xi32, #tpu.memory_space<vmem>> -> memref<1x125xi32, #tpu.memory_space<vmem>>
    %dma_wait3A_383 = tpu.memref_squeeze %dma_wait3A_382 : memref<1x125xi32, #tpu.memory_space<vmem>> -> memref<125xi32, #tpu.memory_space<vmem>>
    %dma_wait3A_384 = arith.constant 0 : i32
    %dma_wait3A_385 = arith.constant 0 : i32
    %dma_wait3A_386 = tpu.memref_slice %arg24[%dma_wait3A_384, %dma_wait3A_385] : memref<10240x64xf32, #tpu.memory_space<vmem_shared>> -> memref<10240x64xf32, #tpu.memory_space<vmem_shared>>
    tpu.wait_indirect_dma semaphore(%arg33 : memref<!tpu.dma_semaphore, #tpu.memory_space<semaphore_mem>>) src(%dma_wait3A_380 : memref<125x64xf32, #tpu.memory_space<vmem>>) dst(%dma_wait3A_386 : memref<10240x64xf32, #tpu.memory_space<vmem_shared>>)
    %scan3A_387 = arith.constant 0 : i32
    %scan3A_388 = arith.constant 0 : i32
    %scan3A_389 = arith.constant 80 : i32
    %scan3A_390 = arith.addi %scan3A_388, %scan3A_389 : i32
    %scan3A_391 = arith.constant 1 : i32
    scf.for %scan3A_418 = %scan3A_388 to %scan3A_390 step %scan3A_391  : i32 {
      %ge3A = arith.constant 40 : i32
      %ge3A_419 = arith.cmpi sge, %scan3A_418, %ge3A : i32
      %lt3A_420 = arith.constant 80 : i32
      %lt3A_421 = arith.cmpi slt, %scan3A_418, %lt3A_420 : i32
      %and3A_422 = arith.andi %ge3A_419, %lt3A_421 : i1
      %convert_element_type3A_423 = arith.extui %and3A_422 : i1 to i32
      %cond3A_424 = arith.constant 0 : i32
      %cond3A_425 = arith.cmpi ne, %convert_element_type3A_423, %cond3A_424 : i32
      scf.if %cond3A_425 {
        %dma_wait3A_426 = arith.constant 0 : i32
        %dma_wait3A_427 = tpu.memref_slice %arg13[%scan3A_418, %dma_wait3A_426] : memref<80x125xi32, #tpu.memory_space<vmem>> -> memref<1x125xi32, #tpu.memory_space<vmem>>
        %dma_wait3A_428 = tpu.memref_squeeze %dma_wait3A_427 : memref<1x125xi32, #tpu.memory_space<vmem>> -> memref<125xi32, #tpu.memory_space<vmem>>
        %dma_wait3A_429 = arith.constant 0 : i32
        %dma_wait3A_430 = arith.constant 0 : i32
        %dma_wait3A_431 = tpu.memref_slice %arg25[%dma_wait3A_429, %dma_wait3A_430] : memref<10240x8xf32, #tpu.memory_space<vmem_shared>> -> memref<10240x8xf32, #tpu.memory_space<vmem_shared>>
        tpu.wait_indirect_dma semaphore(%arg38 : memref<!tpu.dma_semaphore, #tpu.memory_space<semaphore_mem>>) src(%arg20 : memref<125x8xf32, #tpu.memory_space<vmem>>) dst(%dma_wait3A_431 : memref<10240x8xf32, #tpu.memory_space<vmem_shared>>)
      } else {
      }
    }
    %scan3A_392 = arith.constant 80 : i32
    %lt3A = arith.constant 25 : i32
    %lt3A_393 = arith.cmpi slt, %add3A, %lt3A : i32
    %convert_element_type3A_394 = arith.extui %lt3A_393 : i1 to i32
    %cond3A_395 = arith.constant 0 : i32
    %cond3A_396 = arith.cmpi ne, %convert_element_type3A_394, %cond3A_395 : i32
    scf.if %cond3A_396 {
      "tpu.region"() ({
        %run_scoped3A = tpu.sem_alloc : memref<!tpu.dma_semaphore, #tpu.memory_space<semaphore_mem>>
        %dma_start3A_508 = arith.constant 0 : i32
        %dma_start3A_509 = arith.constant 0 : i32
        %dma_start3A_510 = tpu.memref_slice %arg5[%add3A, %dma_start3A_508, %dma_start3A_509] : memref<25x5x80xi32, #tpu.memory_space<hbm>> -> memref<1x5x80xi32, #tpu.memory_space<hbm>>
        %dma_start3A_511 = tpu.memref_squeeze %dma_start3A_510 : memref<1x5x80xi32, #tpu.memory_space<hbm>> -> memref<5x80xi32, #tpu.memory_space<hbm>>
        %dma_start3A_512 = arith.constant 0 : i32
        %dma_start3A_513 = arith.constant 0 : i32
        %dma_start3A_514 = tpu.memref_slice %arg5[%add3A, %dma_start3A_512, %dma_start3A_513] : memref<25x5x80xi32, #tpu.memory_space<hbm>> -> memref<1x5x80xi32, #tpu.memory_space<hbm>>
        %dma_start3A_515 = tpu.memref_squeeze %dma_start3A_514 : memref<1x5x80xi32, #tpu.memory_space<hbm>> -> memref<5x80xi32, #tpu.memory_space<hbm>>
        tpu.enqueue_dma source(%dma_start3A_515 : memref<5x80xi32, #tpu.memory_space<hbm>>) target(%arg21 : memref<5x80xi32, #tpu.memory_space<vmem>>) target_semaphore(%run_scoped3A : memref<!tpu.dma_semaphore, #tpu.memory_space<semaphore_mem>>)
        %dma_wait3A_516 = arith.constant 0 : i32
        %dma_wait3A_517 = arith.constant 0 : i32
        %dma_wait3A_518 = tpu.memref_slice %arg5[%add3A, %dma_wait3A_516, %dma_wait3A_517] : memref<25x5x80xi32, #tpu.memory_space<hbm>> -> memref<1x5x80xi32, #tpu.memory_space<hbm>>
        %dma_wait3A_519 = tpu.memref_squeeze %dma_wait3A_518 : memref<1x5x80xi32, #tpu.memory_space<hbm>> -> memref<5x80xi32, #tpu.memory_space<hbm>>
        %dma_wait3A_520 = arith.constant 0 : i32
        %dma_wait3A_521 = arith.constant 0 : i32
        %dma_wait3A_522 = tpu.memref_slice %arg5[%add3A, %dma_wait3A_520, %dma_wait3A_521] : memref<25x5x80xi32, #tpu.memory_space<hbm>> -> memref<1x5x80xi32, #tpu.memory_space<hbm>>
        %dma_wait3A_523 = tpu.memref_squeeze %dma_wait3A_522 : memref<1x5x80xi32, #tpu.memory_space<hbm>> -> memref<5x80xi32, #tpu.memory_space<hbm>>
        tpu.wait_dma2 semaphore(%run_scoped3A : memref<!tpu.dma_semaphore, #tpu.memory_space<semaphore_mem>>) src(%dma_wait3A_523 : memref<5x80xi32, #tpu.memory_space<hbm>>) dst(%arg21 : memref<5x80xi32, #tpu.memory_space<vmem>>)
        tpu.yield
      }) : () -> ()
      %dma_start3A_418 = arith.constant 0 : i32
      %dma_start3A_419 = arith.constant 0 : i32
      %dma_start3A_420 = tpu.memref_slice %arg21[%dma_start3A_418, %dma_start3A_419] : memref<5x80xi32, #tpu.memory_space<vmem>> -> memref<1x80xi32, #tpu.memory_space<vmem>>
      %dma_start3A_421 = tpu.memref_squeeze %dma_start3A_420 : memref<1x80xi32, #tpu.memory_space<vmem>> -> memref<80xi32, #tpu.memory_space<vmem>>
      %dma_start3A_422 = arith.constant 0 : i32
      %dma_start3A_423 = arith.constant 0 : i32
      %dma_start3A_424 = tpu.memref_slice %arg2[%dma_start3A_422, %dma_start3A_423] : memref<10000x128xf32, #tpu.memory_space<hbm>> -> memref<10000x128xf32, #tpu.memory_space<hbm>>
      tpu.enqueue_indirect_dma source(%dma_start3A_424 : memref<10000x128xf32, #tpu.memory_space<hbm>>) target(%arg22 : memref<80x128xf32, #tpu.memory_space<vmem>>) offsets(%dma_start3A_421 : memref<80xi32, #tpu.memory_space<vmem>>) semaphore(%arg26 : memref<!tpu.dma_semaphore, #tpu.memory_space<semaphore_mem>>)
      %dma_wait3A_425 = arith.constant 0 : i32
      %dma_wait3A_426 = arith.constant 0 : i32
      %dma_wait3A_427 = tpu.memref_slice %arg21[%dma_wait3A_425, %dma_wait3A_426] : memref<5x80xi32, #tpu.memory_space<vmem>> -> memref<1x80xi32, #tpu.memory_space<vmem>>
      %dma_wait3A_428 = tpu.memref_squeeze %dma_wait3A_427 : memref<1x80xi32, #tpu.memory_space<vmem>> -> memref<80xi32, #tpu.memory_space<vmem>>
      %dma_wait3A_429 = arith.constant 0 : i32
      %dma_wait3A_430 = arith.constant 0 : i32
      %dma_wait3A_431 = tpu.memref_slice %arg2[%dma_wait3A_429, %dma_wait3A_430] : memref<10000x128xf32, #tpu.memory_space<hbm>> -> memref<10000x128xf32, #tpu.memory_space<hbm>>
      tpu.wait_indirect_dma semaphore(%arg26 : memref<!tpu.dma_semaphore, #tpu.memory_space<semaphore_mem>>) src(%dma_wait3A_431 : memref<10000x128xf32, #tpu.memory_space<hbm>>) dst(%arg22 : memref<80x128xf32, #tpu.memory_space<vmem>>)
      %mul3A_432 = arith.constant 400 : i32
      %mul3A_433 = arith.muli %add3A, %mul3A_432 : i32
      %add3A_434 = arith.constant 0 : i32
      %add3A_435 = arith.addi %mul3A_433, %add3A_434 : i32
      "tpu.region"() ({
        %run_scoped3A = tpu.sem_alloc : memref<!tpu.dma_semaphore, #tpu.memory_space<semaphore_mem>>
        %dma_start3A_508 = arith.constant 0 : i32
        %dma_start3A_509 = tpu.memref_slice %arg9[%add3A_435, %dma_start3A_508] : memref<10000x128xf32, #tpu.memory_space<hbm>> -> memref<80x128xf32, #tpu.memory_space<hbm>>
        %dma_start3A_510 = arith.constant 0 : i32
        %dma_start3A_511 = tpu.memref_slice %arg9[%add3A_435, %dma_start3A_510] : memref<10000x128xf32, #tpu.memory_space<hbm>> -> memref<80x128xf32, #tpu.memory_space<hbm>>
        tpu.enqueue_dma source(%arg22 : memref<80x128xf32, #tpu.memory_space<vmem>>) target(%dma_start3A_511 : memref<80x128xf32, #tpu.memory_space<hbm>>) target_semaphore(%run_scoped3A : memref<!tpu.dma_semaphore, #tpu.memory_space<semaphore_mem>>)
        %dma_wait3A_512 = arith.constant 0 : i32
        %dma_wait3A_513 = tpu.memref_slice %arg9[%add3A_435, %dma_wait3A_512] : memref<10000x128xf32, #tpu.memory_space<hbm>> -> memref<80x128xf32, #tpu.memory_space<hbm>>
        %dma_wait3A_514 = arith.constant 0 : i32
        %dma_wait3A_515 = tpu.memref_slice %arg9[%add3A_435, %dma_wait3A_514] : memref<10000x128xf32, #tpu.memory_space<hbm>> -> memref<80x128xf32, #tpu.memory_space<hbm>>
        tpu.wait_dma2 semaphore(%run_scoped3A : memref<!tpu.dma_semaphore, #tpu.memory_space<semaphore_mem>>) src(%arg22 : memref<80x128xf32, #tpu.memory_space<vmem>>) dst(%dma_wait3A_515 : memref<80x128xf32, #tpu.memory_space<hbm>>)
        tpu.yield
      }) : () -> ()
      %dma_start3A_436 = arith.constant 1 : i32
      %dma_start3A_437 = arith.constant 0 : i32
      %dma_start3A_438 = tpu.memref_slice %arg21[%dma_start3A_436, %dma_start3A_437] : memref<5x80xi32, #tpu.memory_space<vmem>> -> memref<1x80xi32, #tpu.memory_space<vmem>>
      %dma_start3A_439 = tpu.memref_squeeze %dma_start3A_438 : memref<1x80xi32, #tpu.memory_space<vmem>> -> memref<80xi32, #tpu.memory_space<vmem>>
      %dma_start3A_440 = arith.constant 0 : i32
      %dma_start3A_441 = arith.constant 0 : i32
      %dma_start3A_442 = tpu.memref_slice %arg2[%dma_start3A_440, %dma_start3A_441] : memref<10000x128xf32, #tpu.memory_space<hbm>> -> memref<10000x128xf32, #tpu.memory_space<hbm>>
      tpu.enqueue_indirect_dma source(%dma_start3A_442 : memref<10000x128xf32, #tpu.memory_space<hbm>>) target(%arg22 : memref<80x128xf32, #tpu.memory_space<vmem>>) offsets(%dma_start3A_439 : memref<80xi32, #tpu.memory_space<vmem>>) semaphore(%arg26 : memref<!tpu.dma_semaphore, #tpu.memory_space<semaphore_mem>>)
      %dma_wait3A_443 = arith.constant 1 : i32
      %dma_wait3A_444 = arith.constant 0 : i32
      %dma_wait3A_445 = tpu.memref_slice %arg21[%dma_wait3A_443, %dma_wait3A_444] : memref<5x80xi32, #tpu.memory_space<vmem>> -> memref<1x80xi32, #tpu.memory_space<vmem>>
      %dma_wait3A_446 = tpu.memref_squeeze %dma_wait3A_445 : memref<1x80xi32, #tpu.memory_space<vmem>> -> memref<80xi32, #tpu.memory_space<vmem>>
      %dma_wait3A_447 = arith.constant 0 : i32
      %dma_wait3A_448 = arith.constant 0 : i32
      %dma_wait3A_449 = tpu.memref_slice %arg2[%dma_wait3A_447, %dma_wait3A_448] : memref<10000x128xf32, #tpu.memory_space<hbm>> -> memref<10000x128xf32, #tpu.memory_space<hbm>>
      tpu.wait_indirect_dma semaphore(%arg26 : memref<!tpu.dma_semaphore, #tpu.memory_space<semaphore_mem>>) src(%dma_wait3A_449 : memref<10000x128xf32, #tpu.memory_space<hbm>>) dst(%arg22 : memref<80x128xf32, #tpu.memory_space<vmem>>)
      %mul3A_450 = arith.constant 400 : i32
      %mul3A_451 = arith.muli %add3A, %mul3A_450 : i32
      %add3A_452 = arith.constant 80 : i32
      %add3A_453 = arith.addi %mul3A_451, %add3A_452 : i32
      "tpu.region"() ({
        %run_scoped3A = tpu.sem_alloc : memref<!tpu.dma_semaphore, #tpu.memory_space<semaphore_mem>>
        %dma_start3A_508 = arith.constant 0 : i32
        %dma_start3A_509 = tpu.memref_slice %arg9[%add3A_453, %dma_start3A_508] : memref<10000x128xf32, #tpu.memory_space<hbm>> -> memref<80x128xf32, #tpu.memory_space<hbm>>
        %dma_start3A_510 = arith.constant 0 : i32
        %dma_start3A_511 = tpu.memref_slice %arg9[%add3A_453, %dma_start3A_510] : memref<10000x128xf32, #tpu.memory_space<hbm>> -> memref<80x128xf32, #tpu.memory_space<hbm>>
        tpu.enqueue_dma source(%arg22 : memref<80x128xf32, #tpu.memory_space<vmem>>) target(%dma_start3A_511 : memref<80x128xf32, #tpu.memory_space<hbm>>) target_semaphore(%run_scoped3A : memref<!tpu.dma_semaphore, #tpu.memory_space<semaphore_mem>>)
        %dma_wait3A_512 = arith.constant 0 : i32
        %dma_wait3A_513 = tpu.memref_slice %arg9[%add3A_453, %dma_wait3A_512] : memref<10000x128xf32, #tpu.memory_space<hbm>> -> memref<80x128xf32, #tpu.memory_space<hbm>>
        %dma_wait3A_514 = arith.constant 0 : i32
        %dma_wait3A_515 = tpu.memref_slice %arg9[%add3A_453, %dma_wait3A_514] : memref<10000x128xf32, #tpu.memory_space<hbm>> -> memref<80x128xf32, #tpu.memory_space<hbm>>
        tpu.wait_dma2 semaphore(%run_scoped3A : memref<!tpu.dma_semaphore, #tpu.memory_space<semaphore_mem>>) src(%arg22 : memref<80x128xf32, #tpu.memory_space<vmem>>) dst(%dma_wait3A_515 : memref<80x128xf32, #tpu.memory_space<hbm>>)
        tpu.yield
      }) : () -> ()
      %dma_start3A_454 = arith.constant 2 : i32
      %dma_start3A_455 = arith.constant 0 : i32
      %dma_start3A_456 = tpu.memref_slice %arg21[%dma_start3A_454, %dma_start3A_455] : memref<5x80xi32, #tpu.memory_space<vmem>> -> memref<1x80xi32, #tpu.memory_space<vmem>>
      %dma_start3A_457 = tpu.memref_squeeze %dma_start3A_456 : memref<1x80xi32, #tpu.memory_space<vmem>> -> memref<80xi32, #tpu.memory_space<vmem>>
      %dma_start3A_458 = arith.constant 0 : i32
      %dma_start3A_459 = arith.constant 0 : i32
      %dma_start3A_460 = tpu.memref_slice %arg2[%dma_start3A_458, %dma_start3A_459] : memref<10000x128xf32, #tpu.memory_space<hbm>> -> memref<10000x128xf32, #tpu.memory_space<hbm>>
      tpu.enqueue_indirect_dma source(%dma_start3A_460 : memref<10000x128xf32, #tpu.memory_space<hbm>>) target(%arg22 : memref<80x128xf32, #tpu.memory_space<vmem>>) offsets(%dma_start3A_457 : memref<80xi32, #tpu.memory_space<vmem>>) semaphore(%arg26 : memref<!tpu.dma_semaphore, #tpu.memory_space<semaphore_mem>>)
      %dma_wait3A_461 = arith.constant 2 : i32
      %dma_wait3A_462 = arith.constant 0 : i32
      %dma_wait3A_463 = tpu.memref_slice %arg21[%dma_wait3A_461, %dma_wait3A_462] : memref<5x80xi32, #tpu.memory_space<vmem>> -> memref<1x80xi32, #tpu.memory_space<vmem>>
      %dma_wait3A_464 = tpu.memref_squeeze %dma_wait3A_463 : memref<1x80xi32, #tpu.memory_space<vmem>> -> memref<80xi32, #tpu.memory_space<vmem>>
      %dma_wait3A_465 = arith.constant 0 : i32
      %dma_wait3A_466 = arith.constant 0 : i32
      %dma_wait3A_467 = tpu.memref_slice %arg2[%dma_wait3A_465, %dma_wait3A_466] : memref<10000x128xf32, #tpu.memory_space<hbm>> -> memref<10000x128xf32, #tpu.memory_space<hbm>>
      tpu.wait_indirect_dma semaphore(%arg26 : memref<!tpu.dma_semaphore, #tpu.memory_space<semaphore_mem>>) src(%dma_wait3A_467 : memref<10000x128xf32, #tpu.memory_space<hbm>>) dst(%arg22 : memref<80x128xf32, #tpu.memory_space<vmem>>)
      %mul3A_468 = arith.constant 400 : i32
      %mul3A_469 = arith.muli %add3A, %mul3A_468 : i32
      %add3A_470 = arith.constant 160 : i32
      %add3A_471 = arith.addi %mul3A_469, %add3A_470 : i32
      "tpu.region"() ({
        %run_scoped3A = tpu.sem_alloc : memref<!tpu.dma_semaphore, #tpu.memory_space<semaphore_mem>>
        %dma_start3A_508 = arith.constant 0 : i32
        %dma_start3A_509 = tpu.memref_slice %arg9[%add3A_471, %dma_start3A_508] : memref<10000x128xf32, #tpu.memory_space<hbm>> -> memref<80x128xf32, #tpu.memory_space<hbm>>
        %dma_start3A_510 = arith.constant 0 : i32
        %dma_start3A_511 = tpu.memref_slice %arg9[%add3A_471, %dma_start3A_510] : memref<10000x128xf32, #tpu.memory_space<hbm>> -> memref<80x128xf32, #tpu.memory_space<hbm>>
        tpu.enqueue_dma source(%arg22 : memref<80x128xf32, #tpu.memory_space<vmem>>) target(%dma_start3A_511 : memref<80x128xf32, #tpu.memory_space<hbm>>) target_semaphore(%run_scoped3A : memref<!tpu.dma_semaphore, #tpu.memory_space<semaphore_mem>>)
        %dma_wait3A_512 = arith.constant 0 : i32
        %dma_wait3A_513 = tpu.memref_slice %arg9[%add3A_471, %dma_wait3A_512] : memref<10000x128xf32, #tpu.memory_space<hbm>> -> memref<80x128xf32, #tpu.memory_space<hbm>>
        %dma_wait3A_514 = arith.constant 0 : i32
        %dma_wait3A_515 = tpu.memref_slice %arg9[%add3A_471, %dma_wait3A_514] : memref<10000x128xf32, #tpu.memory_space<hbm>> -> memref<80x128xf32, #tpu.memory_space<hbm>>
        tpu.wait_dma2 semaphore(%run_scoped3A : memref<!tpu.dma_semaphore, #tpu.memory_space<semaphore_mem>>) src(%arg22 : memref<80x128xf32, #tpu.memory_space<vmem>>) dst(%dma_wait3A_515 : memref<80x128xf32, #tpu.memory_space<hbm>>)
        tpu.yield
      }) : () -> ()
      %dma_start3A_472 = arith.constant 3 : i32
      %dma_start3A_473 = arith.constant 0 : i32
      %dma_start3A_474 = tpu.memref_slice %arg21[%dma_start3A_472, %dma_start3A_473] : memref<5x80xi32, #tpu.memory_space<vmem>> -> memref<1x80xi32, #tpu.memory_space<vmem>>
      %dma_start3A_475 = tpu.memref_squeeze %dma_start3A_474 : memref<1x80xi32, #tpu.memory_space<vmem>> -> memref<80xi32, #tpu.memory_space<vmem>>
      %dma_start3A_476 = arith.constant 0 : i32
      %dma_start3A_477 = arith.constant 0 : i32
      %dma_start3A_478 = tpu.memref_slice %arg2[%dma_start3A_476, %dma_start3A_477] : memref<10000x128xf32, #tpu.memory_space<hbm>> -> memref<10000x128xf32, #tpu.memory_space<hbm>>
      tpu.enqueue_indirect_dma source(%dma_start3A_478 : memref<10000x128xf32, #tpu.memory_space<hbm>>) target(%arg22 : memref<80x128xf32, #tpu.memory_space<vmem>>) offsets(%dma_start3A_475 : memref<80xi32, #tpu.memory_space<vmem>>) semaphore(%arg26 : memref<!tpu.dma_semaphore, #tpu.memory_space<semaphore_mem>>)
      %dma_wait3A_479 = arith.constant 3 : i32
      %dma_wait3A_480 = arith.constant 0 : i32
      %dma_wait3A_481 = tpu.memref_slice %arg21[%dma_wait3A_479, %dma_wait3A_480] : memref<5x80xi32, #tpu.memory_space<vmem>> -> memref<1x80xi32, #tpu.memory_space<vmem>>
      %dma_wait3A_482 = tpu.memref_squeeze %dma_wait3A_481 : memref<1x80xi32, #tpu.memory_space<vmem>> -> memref<80xi32, #tpu.memory_space<vmem>>
      %dma_wait3A_483 = arith.constant 0 : i32
      %dma_wait3A_484 = arith.constant 0 : i32
      %dma_wait3A_485 = tpu.memref_slice %arg2[%dma_wait3A_483, %dma_wait3A_484] : memref<10000x128xf32, #tpu.memory_space<hbm>> -> memref<10000x128xf32, #tpu.memory_space<hbm>>
      tpu.wait_indirect_dma semaphore(%arg26 : memref<!tpu.dma_semaphore, #tpu.memory_space<semaphore_mem>>) src(%dma_wait3A_485 : memref<10000x128xf32, #tpu.memory_space<hbm>>) dst(%arg22 : memref<80x128xf32, #tpu.memory_space<vmem>>)
      %mul3A_486 = arith.constant 400 : i32
      %mul3A_487 = arith.muli %add3A, %mul3A_486 : i32
      %add3A_488 = arith.constant 240 : i32
      %add3A_489 = arith.addi %mul3A_487, %add3A_488 : i32
      "tpu.region"() ({
        %run_scoped3A = tpu.sem_alloc : memref<!tpu.dma_semaphore, #tpu.memory_space<semaphore_mem>>
        %dma_start3A_508 = arith.constant 0 : i32
        %dma_start3A_509 = tpu.memref_slice %arg9[%add3A_489, %dma_start3A_508] : memref<10000x128xf32, #tpu.memory_space<hbm>> -> memref<80x128xf32, #tpu.memory_space<hbm>>
        %dma_start3A_510 = arith.constant 0 : i32
        %dma_start3A_511 = tpu.memref_slice %arg9[%add3A_489, %dma_start3A_510] : memref<10000x128xf32, #tpu.memory_space<hbm>> -> memref<80x128xf32, #tpu.memory_space<hbm>>
        tpu.enqueue_dma source(%arg22 : memref<80x128xf32, #tpu.memory_space<vmem>>) target(%dma_start3A_511 : memref<80x128xf32, #tpu.memory_space<hbm>>) target_semaphore(%run_scoped3A : memref<!tpu.dma_semaphore, #tpu.memory_space<semaphore_mem>>)
        %dma_wait3A_512 = arith.constant 0 : i32
        %dma_wait3A_513 = tpu.memref_slice %arg9[%add3A_489, %dma_wait3A_512] : memref<10000x128xf32, #tpu.memory_space<hbm>> -> memref<80x128xf32, #tpu.memory_space<hbm>>
        %dma_wait3A_514 = arith.constant 0 : i32
        %dma_wait3A_515 = tpu.memref_slice %arg9[%add3A_489, %dma_wait3A_514] : memref<10000x128xf32, #tpu.memory_space<hbm>> -> memref<80x128xf32, #tpu.memory_space<hbm>>
        tpu.wait_dma2 semaphore(%run_scoped3A : memref<!tpu.dma_semaphore, #tpu.memory_space<semaphore_mem>>) src(%arg22 : memref<80x128xf32, #tpu.memory_space<vmem>>) dst(%dma_wait3A_515 : memref<80x128xf32, #tpu.memory_space<hbm>>)
        tpu.yield
      }) : () -> ()
      %dma_start3A_490 = arith.constant 4 : i32
      %dma_start3A_491 = arith.constant 0 : i32
      %dma_start3A_492 = tpu.memref_slice %arg21[%dma_start3A_490, %dma_start3A_491] : memref<5x80xi32, #tpu.memory_space<vmem>> -> memref<1x80xi32, #tpu.memory_space<vmem>>
      %dma_start3A_493 = tpu.memref_squeeze %dma_start3A_492 : memref<1x80xi32, #tpu.memory_space<vmem>> -> memref<80xi32, #tpu.memory_space<vmem>>
      %dma_start3A_494 = arith.constant 0 : i32
      %dma_start3A_495 = arith.constant 0 : i32
      %dma_start3A_496 = tpu.memref_slice %arg2[%dma_start3A_494, %dma_start3A_495] : memref<10000x128xf32, #tpu.memory_space<hbm>> -> memref<10000x128xf32, #tpu.memory_space<hbm>>
      tpu.enqueue_indirect_dma source(%dma_start3A_496 : memref<10000x128xf32, #tpu.memory_space<hbm>>) target(%arg22 : memref<80x128xf32, #tpu.memory_space<vmem>>) offsets(%dma_start3A_493 : memref<80xi32, #tpu.memory_space<vmem>>) semaphore(%arg26 : memref<!tpu.dma_semaphore, #tpu.memory_space<semaphore_mem>>)
      %dma_wait3A_497 = arith.constant 4 : i32
      %dma_wait3A_498 = arith.constant 0 : i32
      %dma_wait3A_499 = tpu.memref_slice %arg21[%dma_wait3A_497, %dma_wait3A_498] : memref<5x80xi32, #tpu.memory_space<vmem>> -> memref<1x80xi32, #tpu.memory_space<vmem>>
      %dma_wait3A_500 = tpu.memref_squeeze %dma_wait3A_499 : memref<1x80xi32, #tpu.memory_space<vmem>> -> memref<80xi32, #tpu.memory_space<vmem>>
      %dma_wait3A_501 = arith.constant 0 : i32
      %dma_wait3A_502 = arith.constant 0 : i32
      %dma_wait3A_503 = tpu.memref_slice %arg2[%dma_wait3A_501, %dma_wait3A_502] : memref<10000x128xf32, #tpu.memory_space<hbm>> -> memref<10000x128xf32, #tpu.memory_space<hbm>>
      tpu.wait_indirect_dma semaphore(%arg26 : memref<!tpu.dma_semaphore, #tpu.memory_space<semaphore_mem>>) src(%dma_wait3A_503 : memref<10000x128xf32, #tpu.memory_space<hbm>>) dst(%arg22 : memref<80x128xf32, #tpu.memory_space<vmem>>)
      %mul3A_504 = arith.constant 400 : i32
      %mul3A_505 = arith.muli %add3A, %mul3A_504 : i32
      %add3A_506 = arith.constant 320 : i32
      %add3A_507 = arith.addi %mul3A_505, %add3A_506 : i32
      "tpu.region"() ({
        %run_scoped3A = tpu.sem_alloc : memref<!tpu.dma_semaphore, #tpu.memory_space<semaphore_mem>>
        %dma_start3A_508 = arith.constant 0 : i32
        %dma_start3A_509 = tpu.memref_slice %arg9[%add3A_507, %dma_start3A_508] : memref<10000x128xf32, #tpu.memory_space<hbm>> -> memref<80x128xf32, #tpu.memory_space<hbm>>
        %dma_start3A_510 = arith.constant 0 : i32
        %dma_start3A_511 = tpu.memref_slice %arg9[%add3A_507, %dma_start3A_510] : memref<10000x128xf32, #tpu.memory_space<hbm>> -> memref<80x128xf32, #tpu.memory_space<hbm>>
        tpu.enqueue_dma source(%arg22 : memref<80x128xf32, #tpu.memory_space<vmem>>) target(%dma_start3A_511 : memref<80x128xf32, #tpu.memory_space<hbm>>) target_semaphore(%run_scoped3A : memref<!tpu.dma_semaphore, #tpu.memory_space<semaphore_mem>>)
        %dma_wait3A_512 = arith.constant 0 : i32
        %dma_wait3A_513 = tpu.memref_slice %arg9[%add3A_507, %dma_wait3A_512] : memref<10000x128xf32, #tpu.memory_space<hbm>> -> memref<80x128xf32, #tpu.memory_space<hbm>>
        %dma_wait3A_514 = arith.constant 0 : i32
        %dma_wait3A_515 = tpu.memref_slice %arg9[%add3A_507, %dma_wait3A_514] : memref<10000x128xf32, #tpu.memory_space<hbm>> -> memref<80x128xf32, #tpu.memory_space<hbm>>
        tpu.wait_dma2 semaphore(%run_scoped3A : memref<!tpu.dma_semaphore, #tpu.memory_space<semaphore_mem>>) src(%arg22 : memref<80x128xf32, #tpu.memory_space<vmem>>) dst(%dma_wait3A_515 : memref<80x128xf32, #tpu.memory_space<hbm>>)
        tpu.yield
      }) : () -> ()
    } else {
    }
    %barrier3A_397 = arith.constant 0 : index
    tpu.barrier barrier_id(%barrier3A_397)
    %mul3A_398 = arith.constant 640 : i32
    %mul3A_399 = arith.muli %arg1, %mul3A_398 : i32
    %add3A_400 = arith.constant 0 : i32
    %add3A_401 = arith.addi %mul3A_399, %add3A_400 : i32
    "tpu.region"() ({
      %run_scoped3A = tpu.sem_alloc : memref<!tpu.dma_semaphore, #tpu.memory_space<semaphore_mem>>
      %dma_start3A_418 = arith.constant 64 : i32
      %dma_start3A_419 = tpu.memref_slice %arg10[%arg0, %add3A_401, %dma_start3A_418] : memref<2x10240x128xf32, #tpu.memory_space<hbm>> -> memref<1x128x64xf32, #tpu.memory_space<hbm>>
      %dma_start3A_420 = tpu.memref_squeeze %dma_start3A_419 : memref<1x128x64xf32, #tpu.memory_space<hbm>> -> memref<128x64xf32, #tpu.memory_space<hbm>>
      %dma_start3A_421 = arith.constant 0 : i32
      %dma_start3A_422 = tpu.memref_slice %arg24[%add3A_401, %dma_start3A_421] : memref<10240x64xf32, #tpu.memory_space<vmem_shared>> -> memref<128x64xf32, #tpu.memory_space<vmem_shared>>
      tpu.enqueue_dma source(%dma_start3A_422 : memref<128x64xf32, #tpu.memory_space<vmem_shared>>) target(%dma_start3A_420 : memref<128x64xf32, #tpu.memory_space<hbm>>) target_semaphore(%run_scoped3A : memref<!tpu.dma_semaphore, #tpu.memory_space<semaphore_mem>>)
      %dma_wait3A_423 = arith.constant 64 : i32
      %dma_wait3A_424 = tpu.memref_slice %arg10[%arg0, %add3A_401, %dma_wait3A_423] : memref<2x10240x128xf32, #tpu.memory_space<hbm>> -> memref<1x128x64xf32, #tpu.memory_space<hbm>>
      %dma_wait3A_425 = tpu.memref_squeeze %dma_wait3A_424 : memref<1x128x64xf32, #tpu.memory_space<hbm>> -> memref<128x64xf32, #tpu.memory_space<hbm>>
      %dma_wait3A_426 = arith.constant 0 : i32
      %dma_wait3A_427 = tpu.memref_slice %arg24[%add3A_401, %dma_wait3A_426] : memref<10240x64xf32, #tpu.memory_space<vmem_shared>> -> memref<128x64xf32, #tpu.memory_space<vmem_shared>>
      tpu.wait_dma2 semaphore(%run_scoped3A : memref<!tpu.dma_semaphore, #tpu.memory_space<semaphore_mem>>) src(%dma_wait3A_427 : memref<128x64xf32, #tpu.memory_space<vmem_shared>>) dst(%dma_wait3A_425 : memref<128x64xf32, #tpu.memory_space<hbm>>)
      tpu.yield
    }) : () -> ()
    "tpu.region"() ({
      %run_scoped3A = tpu.sem_alloc : memref<!tpu.dma_semaphore, #tpu.memory_space<semaphore_mem>>
      %dma_start3A_418 = arith.constant 0 : i32
      %dma_start3A_419 = tpu.memref_slice %arg11[%arg0, %add3A_401, %dma_start3A_418] : memref<2x10240x8xf32, #tpu.memory_space<hbm>> -> memref<1x128x8xf32, #tpu.memory_space<hbm>>
      %dma_start3A_420 = tpu.memref_squeeze %dma_start3A_419 : memref<1x128x8xf32, #tpu.memory_space<hbm>> -> memref<128x8xf32, #tpu.memory_space<hbm>>
      %dma_start3A_421 = arith.constant 0 : i32
      %dma_start3A_422 = tpu.memref_slice %arg25[%add3A_401, %dma_start3A_421] : memref<10240x8xf32, #tpu.memory_space<vmem_shared>> -> memref<128x8xf32, #tpu.memory_space<vmem_shared>>
      tpu.enqueue_dma source(%dma_start3A_422 : memref<128x8xf32, #tpu.memory_space<vmem_shared>>) target(%dma_start3A_420 : memref<128x8xf32, #tpu.memory_space<hbm>>) target_semaphore(%run_scoped3A : memref<!tpu.dma_semaphore, #tpu.memory_space<semaphore_mem>>)
      %dma_wait3A_423 = arith.constant 0 : i32
      %dma_wait3A_424 = tpu.memref_slice %arg11[%arg0, %add3A_401, %dma_wait3A_423] : memref<2x10240x8xf32, #tpu.memory_space<hbm>> -> memref<1x128x8xf32, #tpu.memory_space<hbm>>
      %dma_wait3A_425 = tpu.memref_squeeze %dma_wait3A_424 : memref<1x128x8xf32, #tpu.memory_space<hbm>> -> memref<128x8xf32, #tpu.memory_space<hbm>>
      %dma_wait3A_426 = arith.constant 0 : i32
      %dma_wait3A_427 = tpu.memref_slice %arg25[%add3A_401, %dma_wait3A_426] : memref<10240x8xf32, #tpu.memory_space<vmem_shared>> -> memref<128x8xf32, #tpu.memory_space<vmem_shared>>
      tpu.wait_dma2 semaphore(%run_scoped3A : memref<!tpu.dma_semaphore, #tpu.memory_space<semaphore_mem>>) src(%dma_wait3A_427 : memref<128x8xf32, #tpu.memory_space<vmem_shared>>) dst(%dma_wait3A_425 : memref<128x8xf32, #tpu.memory_space<hbm>>)
      tpu.yield
    }) : () -> ()
    %mul3A_402 = arith.constant 640 : i32
    %mul3A_403 = arith.muli %arg1, %mul3A_402 : i32
    %add3A_404 = arith.constant 128 : i32
    %add3A_405 = arith.addi %mul3A_403, %add3A_404 : i32
    "tpu.region"() ({
      %run_scoped3A = tpu.sem_alloc : memref<!tpu.dma_semaphore, #tpu.memory_space<semaphore_mem>>
      %dma_start3A_418 = arith.constant 64 : i32
      %dma_start3A_419 = tpu.memref_slice %arg10[%arg0, %add3A_405, %dma_start3A_418] : memref<2x10240x128xf32, #tpu.memory_space<hbm>> -> memref<1x128x64xf32, #tpu.memory_space<hbm>>
      %dma_start3A_420 = tpu.memref_squeeze %dma_start3A_419 : memref<1x128x64xf32, #tpu.memory_space<hbm>> -> memref<128x64xf32, #tpu.memory_space<hbm>>
      %dma_start3A_421 = arith.constant 0 : i32
      %dma_start3A_422 = tpu.memref_slice %arg24[%add3A_405, %dma_start3A_421] : memref<10240x64xf32, #tpu.memory_space<vmem_shared>> -> memref<128x64xf32, #tpu.memory_space<vmem_shared>>
      tpu.enqueue_dma source(%dma_start3A_422 : memref<128x64xf32, #tpu.memory_space<vmem_shared>>) target(%dma_start3A_420 : memref<128x64xf32, #tpu.memory_space<hbm>>) target_semaphore(%run_scoped3A : memref<!tpu.dma_semaphore, #tpu.memory_space<semaphore_mem>>)
      %dma_wait3A_423 = arith.constant 64 : i32
      %dma_wait3A_424 = tpu.memref_slice %arg10[%arg0, %add3A_405, %dma_wait3A_423] : memref<2x10240x128xf32, #tpu.memory_space<hbm>> -> memref<1x128x64xf32, #tpu.memory_space<hbm>>
      %dma_wait3A_425 = tpu.memref_squeeze %dma_wait3A_424 : memref<1x128x64xf32, #tpu.memory_space<hbm>> -> memref<128x64xf32, #tpu.memory_space<hbm>>
      %dma_wait3A_426 = arith.constant 0 : i32
      %dma_wait3A_427 = tpu.memref_slice %arg24[%add3A_405, %dma_wait3A_426] : memref<10240x64xf32, #tpu.memory_space<vmem_shared>> -> memref<128x64xf32, #tpu.memory_space<vmem_shared>>
      tpu.wait_dma2 semaphore(%run_scoped3A : memref<!tpu.dma_semaphore, #tpu.memory_space<semaphore_mem>>) src(%dma_wait3A_427 : memref<128x64xf32, #tpu.memory_space<vmem_shared>>) dst(%dma_wait3A_425 : memref<128x64xf32, #tpu.memory_space<hbm>>)
      tpu.yield
    }) : () -> ()
    "tpu.region"() ({
      %run_scoped3A = tpu.sem_alloc : memref<!tpu.dma_semaphore, #tpu.memory_space<semaphore_mem>>
      %dma_start3A_418 = arith.constant 0 : i32
      %dma_start3A_419 = tpu.memref_slice %arg11[%arg0, %add3A_405, %dma_start3A_418] : memref<2x10240x8xf32, #tpu.memory_space<hbm>> -> memref<1x128x8xf32, #tpu.memory_space<hbm>>
      %dma_start3A_420 = tpu.memref_squeeze %dma_start3A_419 : memref<1x128x8xf32, #tpu.memory_space<hbm>> -> memref<128x8xf32, #tpu.memory_space<hbm>>
      %dma_start3A_421 = arith.constant 0 : i32
      %dma_start3A_422 = tpu.memref_slice %arg25[%add3A_405, %dma_start3A_421] : memref<10240x8xf32, #tpu.memory_space<vmem_shared>> -> memref<128x8xf32, #tpu.memory_space<vmem_shared>>
      tpu.enqueue_dma source(%dma_start3A_422 : memref<128x8xf32, #tpu.memory_space<vmem_shared>>) target(%dma_start3A_420 : memref<128x8xf32, #tpu.memory_space<hbm>>) target_semaphore(%run_scoped3A : memref<!tpu.dma_semaphore, #tpu.memory_space<semaphore_mem>>)
      %dma_wait3A_423 = arith.constant 0 : i32
      %dma_wait3A_424 = tpu.memref_slice %arg11[%arg0, %add3A_405, %dma_wait3A_423] : memref<2x10240x8xf32, #tpu.memory_space<hbm>> -> memref<1x128x8xf32, #tpu.memory_space<hbm>>
      %dma_wait3A_425 = tpu.memref_squeeze %dma_wait3A_424 : memref<1x128x8xf32, #tpu.memory_space<hbm>> -> memref<128x8xf32, #tpu.memory_space<hbm>>
      %dma_wait3A_426 = arith.constant 0 : i32
      %dma_wait3A_427 = tpu.memref_slice %arg25[%add3A_405, %dma_wait3A_426] : memref<10240x8xf32, #tpu.memory_space<vmem_shared>> -> memref<128x8xf32, #tpu.memory_space<vmem_shared>>
      tpu.wait_dma2 semaphore(%run_scoped3A : memref<!tpu.dma_semaphore, #tpu.memory_space<semaphore_mem>>) src(%dma_wait3A_427 : memref<128x8xf32, #tpu.memory_space<vmem_shared>>) dst(%dma_wait3A_425 : memref<128x8xf32, #tpu.memory_space<hbm>>)
      tpu.yield
    }) : () -> ()
    %mul3A_406 = arith.constant 640 : i32
    %mul3A_407 = arith.muli %arg1, %mul3A_406 : i32
    %add3A_408 = arith.constant 256 : i32
    %add3A_409 = arith.addi %mul3A_407, %add3A_408 : i32
    "tpu.region"() ({
      %run_scoped3A = tpu.sem_alloc : memref<!tpu.dma_semaphore, #tpu.memory_space<semaphore_mem>>
      %dma_start3A_418 = arith.constant 64 : i32
      %dma_start3A_419 = tpu.memref_slice %arg10[%arg0, %add3A_409, %dma_start3A_418] : memref<2x10240x128xf32, #tpu.memory_space<hbm>> -> memref<1x128x64xf32, #tpu.memory_space<hbm>>
      %dma_start3A_420 = tpu.memref_squeeze %dma_start3A_419 : memref<1x128x64xf32, #tpu.memory_space<hbm>> -> memref<128x64xf32, #tpu.memory_space<hbm>>
      %dma_start3A_421 = arith.constant 0 : i32
      %dma_start3A_422 = tpu.memref_slice %arg24[%add3A_409, %dma_start3A_421] : memref<10240x64xf32, #tpu.memory_space<vmem_shared>> -> memref<128x64xf32, #tpu.memory_space<vmem_shared>>
      tpu.enqueue_dma source(%dma_start3A_422 : memref<128x64xf32, #tpu.memory_space<vmem_shared>>) target(%dma_start3A_420 : memref<128x64xf32, #tpu.memory_space<hbm>>) target_semaphore(%run_scoped3A : memref<!tpu.dma_semaphore, #tpu.memory_space<semaphore_mem>>)
      %dma_wait3A_423 = arith.constant 64 : i32
      %dma_wait3A_424 = tpu.memref_slice %arg10[%arg0, %add3A_409, %dma_wait3A_423] : memref<2x10240x128xf32, #tpu.memory_space<hbm>> -> memref<1x128x64xf32, #tpu.memory_space<hbm>>
      %dma_wait3A_425 = tpu.memref_squeeze %dma_wait3A_424 : memref<1x128x64xf32, #tpu.memory_space<hbm>> -> memref<128x64xf32, #tpu.memory_space<hbm>>
      %dma_wait3A_426 = arith.constant 0 : i32
      %dma_wait3A_427 = tpu.memref_slice %arg24[%add3A_409, %dma_wait3A_426] : memref<10240x64xf32, #tpu.memory_space<vmem_shared>> -> memref<128x64xf32, #tpu.memory_space<vmem_shared>>
      tpu.wait_dma2 semaphore(%run_scoped3A : memref<!tpu.dma_semaphore, #tpu.memory_space<semaphore_mem>>) src(%dma_wait3A_427 : memref<128x64xf32, #tpu.memory_space<vmem_shared>>) dst(%dma_wait3A_425 : memref<128x64xf32, #tpu.memory_space<hbm>>)
      tpu.yield
    }) : () -> ()
    "tpu.region"() ({
      %run_scoped3A = tpu.sem_alloc : memref<!tpu.dma_semaphore, #tpu.memory_space<semaphore_mem>>
      %dma_start3A_418 = arith.constant 0 : i32
      %dma_start3A_419 = tpu.memref_slice %arg11[%arg0, %add3A_409, %dma_start3A_418] : memref<2x10240x8xf32, #tpu.memory_space<hbm>> -> memref<1x128x8xf32, #tpu.memory_space<hbm>>
      %dma_start3A_420 = tpu.memref_squeeze %dma_start3A_419 : memref<1x128x8xf32, #tpu.memory_space<hbm>> -> memref<128x8xf32, #tpu.memory_space<hbm>>
      %dma_start3A_421 = arith.constant 0 : i32
      %dma_start3A_422 = tpu.memref_slice %arg25[%add3A_409, %dma_start3A_421] : memref<10240x8xf32, #tpu.memory_space<vmem_shared>> -> memref<128x8xf32, #tpu.memory_space<vmem_shared>>
      tpu.enqueue_dma source(%dma_start3A_422 : memref<128x8xf32, #tpu.memory_space<vmem_shared>>) target(%dma_start3A_420 : memref<128x8xf32, #tpu.memory_space<hbm>>) target_semaphore(%run_scoped3A : memref<!tpu.dma_semaphore, #tpu.memory_space<semaphore_mem>>)
      %dma_wait3A_423 = arith.constant 0 : i32
      %dma_wait3A_424 = tpu.memref_slice %arg11[%arg0, %add3A_409, %dma_wait3A_423] : memref<2x10240x8xf32, #tpu.memory_space<hbm>> -> memref<1x128x8xf32, #tpu.memory_space<hbm>>
      %dma_wait3A_425 = tpu.memref_squeeze %dma_wait3A_424 : memref<1x128x8xf32, #tpu.memory_space<hbm>> -> memref<128x8xf32, #tpu.memory_space<hbm>>
      %dma_wait3A_426 = arith.constant 0 : i32
      %dma_wait3A_427 = tpu.memref_slice %arg25[%add3A_409, %dma_wait3A_426] : memref<10240x8xf32, #tpu.memory_space<vmem_shared>> -> memref<128x8xf32, #tpu.memory_space<vmem_shared>>
      tpu.wait_dma2 semaphore(%run_scoped3A : memref<!tpu.dma_semaphore, #tpu.memory_space<semaphore_mem>>) src(%dma_wait3A_427 : memref<128x8xf32, #tpu.memory_space<vmem_shared>>) dst(%dma_wait3A_425 : memref<128x8xf32, #tpu.memory_space<hbm>>)
      tpu.yield
    }) : () -> ()
    %mul3A_410 = arith.constant 640 : i32
    %mul3A_411 = arith.muli %arg1, %mul3A_410 : i32
    %add3A_412 = arith.constant 384 : i32
    %add3A_413 = arith.addi %mul3A_411, %add3A_412 : i32
    "tpu.region"() ({
      %run_scoped3A = tpu.sem_alloc : memref<!tpu.dma_semaphore, #tpu.memory_space<semaphore_mem>>
      %dma_start3A_418 = arith.constant 64 : i32
      %dma_start3A_419 = tpu.memref_slice %arg10[%arg0, %add3A_413, %dma_start3A_418] : memref<2x10240x128xf32, #tpu.memory_space<hbm>> -> memref<1x128x64xf32, #tpu.memory_space<hbm>>
      %dma_start3A_420 = tpu.memref_squeeze %dma_start3A_419 : memref<1x128x64xf32, #tpu.memory_space<hbm>> -> memref<128x64xf32, #tpu.memory_space<hbm>>
      %dma_start3A_421 = arith.constant 0 : i32
      %dma_start3A_422 = tpu.memref_slice %arg24[%add3A_413, %dma_start3A_421] : memref<10240x64xf32, #tpu.memory_space<vmem_shared>> -> memref<128x64xf32, #tpu.memory_space<vmem_shared>>
      tpu.enqueue_dma source(%dma_start3A_422 : memref<128x64xf32, #tpu.memory_space<vmem_shared>>) target(%dma_start3A_420 : memref<128x64xf32, #tpu.memory_space<hbm>>) target_semaphore(%run_scoped3A : memref<!tpu.dma_semaphore, #tpu.memory_space<semaphore_mem>>)
      %dma_wait3A_423 = arith.constant 64 : i32
      %dma_wait3A_424 = tpu.memref_slice %arg10[%arg0, %add3A_413, %dma_wait3A_423] : memref<2x10240x128xf32, #tpu.memory_space<hbm>> -> memref<1x128x64xf32, #tpu.memory_space<hbm>>
      %dma_wait3A_425 = tpu.memref_squeeze %dma_wait3A_424 : memref<1x128x64xf32, #tpu.memory_space<hbm>> -> memref<128x64xf32, #tpu.memory_space<hbm>>
      %dma_wait3A_426 = arith.constant 0 : i32
      %dma_wait3A_427 = tpu.memref_slice %arg24[%add3A_413, %dma_wait3A_426] : memref<10240x64xf32, #tpu.memory_space<vmem_shared>> -> memref<128x64xf32, #tpu.memory_space<vmem_shared>>
      tpu.wait_dma2 semaphore(%run_scoped3A : memref<!tpu.dma_semaphore, #tpu.memory_space<semaphore_mem>>) src(%dma_wait3A_427 : memref<128x64xf32, #tpu.memory_space<vmem_shared>>) dst(%dma_wait3A_425 : memref<128x64xf32, #tpu.memory_space<hbm>>)
      tpu.yield
    }) : () -> ()
    "tpu.region"() ({
      %run_scoped3A = tpu.sem_alloc : memref<!tpu.dma_semaphore, #tpu.memory_space<semaphore_mem>>
      %dma_start3A_418 = arith.constant 0 : i32
      %dma_start3A_419 = tpu.memref_slice %arg11[%arg0, %add3A_413, %dma_start3A_418] : memref<2x10240x8xf32, #tpu.memory_space<hbm>> -> memref<1x128x8xf32, #tpu.memory_space<hbm>>
      %dma_start3A_420 = tpu.memref_squeeze %dma_start3A_419 : memref<1x128x8xf32, #tpu.memory_space<hbm>> -> memref<128x8xf32, #tpu.memory_space<hbm>>
      %dma_start3A_421 = arith.constant 0 : i32
      %dma_start3A_422 = tpu.memref_slice %arg25[%add3A_413, %dma_start3A_421] : memref<10240x8xf32, #tpu.memory_space<vmem_shared>> -> memref<128x8xf32, #tpu.memory_space<vmem_shared>>
      tpu.enqueue_dma source(%dma_start3A_422 : memref<128x8xf32, #tpu.memory_space<vmem_shared>>) target(%dma_start3A_420 : memref<128x8xf32, #tpu.memory_space<hbm>>) target_semaphore(%run_scoped3A : memref<!tpu.dma_semaphore, #tpu.memory_space<semaphore_mem>>)
      %dma_wait3A_423 = arith.constant 0 : i32
      %dma_wait3A_424 = tpu.memref_slice %arg11[%arg0, %add3A_413, %dma_wait3A_423] : memref<2x10240x8xf32, #tpu.memory_space<hbm>> -> memref<1x128x8xf32, #tpu.memory_space<hbm>>
      %dma_wait3A_425 = tpu.memref_squeeze %dma_wait3A_424 : memref<1x128x8xf32, #tpu.memory_space<hbm>> -> memref<128x8xf32, #tpu.memory_space<hbm>>
      %dma_wait3A_426 = arith.constant 0 : i32
      %dma_wait3A_427 = tpu.memref_slice %arg25[%add3A_413, %dma_wait3A_426] : memref<10240x8xf32, #tpu.memory_space<vmem_shared>> -> memref<128x8xf32, #tpu.memory_space<vmem_shared>>
      tpu.wait_dma2 semaphore(%run_scoped3A : memref<!tpu.dma_semaphore, #tpu.memory_space<semaphore_mem>>) src(%dma_wait3A_427 : memref<128x8xf32, #tpu.memory_space<vmem_shared>>) dst(%dma_wait3A_425 : memref<128x8xf32, #tpu.memory_space<hbm>>)
      tpu.yield
    }) : () -> ()
    %mul3A_414 = arith.constant 640 : i32
    %mul3A_415 = arith.muli %arg1, %mul3A_414 : i32
    %add3A_416 = arith.constant 512 : i32
    %add3A_417 = arith.addi %mul3A_415, %add3A_416 : i32
    "tpu.region"() ({
      %run_scoped3A = tpu.sem_alloc : memref<!tpu.dma_semaphore, #tpu.memory_space<semaphore_mem>>
      %dma_start3A_418 = arith.constant 64 : i32
      %dma_start3A_419 = tpu.memref_slice %arg10[%arg0, %add3A_417, %dma_start3A_418] : memref<2x10240x128xf32, #tpu.memory_space<hbm>> -> memref<1x128x64xf32, #tpu.memory_space<hbm>>
      %dma_start3A_420 = tpu.memref_squeeze %dma_start3A_419 : memref<1x128x64xf32, #tpu.memory_space<hbm>> -> memref<128x64xf32, #tpu.memory_space<hbm>>
      %dma_start3A_421 = arith.constant 0 : i32
      %dma_start3A_422 = tpu.memref_slice %arg24[%add3A_417, %dma_start3A_421] : memref<10240x64xf32, #tpu.memory_space<vmem_shared>> -> memref<128x64xf32, #tpu.memory_space<vmem_shared>>
      tpu.enqueue_dma source(%dma_start3A_422 : memref<128x64xf32, #tpu.memory_space<vmem_shared>>) target(%dma_start3A_420 : memref<128x64xf32, #tpu.memory_space<hbm>>) target_semaphore(%run_scoped3A : memref<!tpu.dma_semaphore, #tpu.memory_space<semaphore_mem>>)
      %dma_wait3A_423 = arith.constant 64 : i32
      %dma_wait3A_424 = tpu.memref_slice %arg10[%arg0, %add3A_417, %dma_wait3A_423] : memref<2x10240x128xf32, #tpu.memory_space<hbm>> -> memref<1x128x64xf32, #tpu.memory_space<hbm>>
      %dma_wait3A_425 = tpu.memref_squeeze %dma_wait3A_424 : memref<1x128x64xf32, #tpu.memory_space<hbm>> -> memref<128x64xf32, #tpu.memory_space<hbm>>
      %dma_wait3A_426 = arith.constant 0 : i32
      %dma_wait3A_427 = tpu.memref_slice %arg24[%add3A_417, %dma_wait3A_426] : memref<10240x64xf32, #tpu.memory_space<vmem_shared>> -> memref<128x64xf32, #tpu.memory_space<vmem_shared>>
      tpu.wait_dma2 semaphore(%run_scoped3A : memref<!tpu.dma_semaphore, #tpu.memory_space<semaphore_mem>>) src(%dma_wait3A_427 : memref<128x64xf32, #tpu.memory_space<vmem_shared>>) dst(%dma_wait3A_425 : memref<128x64xf32, #tpu.memory_space<hbm>>)
      tpu.yield
    }) : () -> ()
    "tpu.region"() ({
      %run_scoped3A = tpu.sem_alloc : memref<!tpu.dma_semaphore, #tpu.memory_space<semaphore_mem>>
      %dma_start3A_418 = arith.constant 0 : i32
      %dma_start3A_419 = tpu.memref_slice %arg11[%arg0, %add3A_417, %dma_start3A_418] : memref<2x10240x8xf32, #tpu.memory_space<hbm>> -> memref<1x128x8xf32, #tpu.memory_space<hbm>>
      %dma_start3A_420 = tpu.memref_squeeze %dma_start3A_419 : memref<1x128x8xf32, #tpu.memory_space<hbm>> -> memref<128x8xf32, #tpu.memory_space<hbm>>
      %dma_start3A_421 = arith.constant 0 : i32
      %dma_start3A_422 = tpu.memref_slice %arg25[%add3A_417, %dma_start3A_421] : memref<10240x8xf32, #tpu.memory_space<vmem_shared>> -> memref<128x8xf32, #tpu.memory_space<vmem_shared>>
      tpu.enqueue_dma source(%dma_start3A_422 : memref<128x8xf32, #tpu.memory_space<vmem_shared>>) target(%dma_start3A_420 : memref<128x8xf32, #tpu.memory_space<hbm>>) target_semaphore(%run_scoped3A : memref<!tpu.dma_semaphore, #tpu.memory_space<semaphore_mem>>)
      %dma_wait3A_423 = arith.constant 0 : i32
      %dma_wait3A_424 = tpu.memref_slice %arg11[%arg0, %add3A_417, %dma_wait3A_423] : memref<2x10240x8xf32, #tpu.memory_space<hbm>> -> memref<1x128x8xf32, #tpu.memory_space<hbm>>
      %dma_wait3A_425 = tpu.memref_squeeze %dma_wait3A_424 : memref<1x128x8xf32, #tpu.memory_space<hbm>> -> memref<128x8xf32, #tpu.memory_space<hbm>>
      %dma_wait3A_426 = arith.constant 0 : i32
      %dma_wait3A_427 = tpu.memref_slice %arg25[%add3A_417, %dma_wait3A_426] : memref<10240x8xf32, #tpu.memory_space<vmem_shared>> -> memref<128x8xf32, #tpu.memory_space<vmem_shared>>
      tpu.wait_dma2 semaphore(%run_scoped3A : memref<!tpu.dma_semaphore, #tpu.memory_space<semaphore_mem>>) src(%dma_wait3A_427 : memref<128x8xf32, #tpu.memory_space<vmem_shared>>) dst(%dma_wait3A_425 : memref<128x8xf32, #tpu.memory_space<hbm>>)
      tpu.yield
    }) : () -> ()
    return
  }
}

module attributes {stable_mosaic.version = 14 : i64} {
  func.func @_mlp_body(%arg0: i32, %arg1: memref<2000x128xf32, #tpu.memory_space<vmem>>, %arg2: memref<1x2000x128xf32, #tpu.memory_space<vmem>>, %arg3: memref<1x2000x128xf32, #tpu.memory_space<vmem>>, %arg4: memref<1x2000x8xf32, #tpu.memory_space<vmem>>, %arg5: memref<1x2000x8xf32, #tpu.memory_space<vmem>>, %arg6: memref<128x384xf32, #tpu.memory_space<vmem>>, %arg7: memref<128xf32, #tpu.memory_space<vmem>>, %arg8: memref<128x128xf32, #tpu.memory_space<vmem>>, %arg9: memref<128xf32, #tpu.memory_space<vmem>>, %arg10: memref<2000x128xf32, #tpu.memory_space<vmem>>) attributes {dimension_semantics = [#tpu.dimension_semantics<arbitrary>], iteration_bounds = array<i64: 5>, scalar_prefetch = 0 : i64, scratch_operands = 0 : i64, tpu.core_type = #tpu.core_type<tc>, window_params = [{transform_indices = @transform_0, window_bounds = array<i64: 2000, 128>}, {transform_indices = @transform_1, window_bounds = array<i64: 1, 2000, 128>}, {transform_indices = @transform_2, window_bounds = array<i64: 1, 2000, 128>}, {transform_indices = @transform_3, window_bounds = array<i64: 1, 2000, 8>}, {transform_indices = @transform_4, window_bounds = array<i64: 1, 2000, 8>}, {pipeline_mode = #tpu.pipeline_mode<synchronous>, transform_indices = @transform_5, window_bounds = array<i64: 128, 384>}, {pipeline_mode = #tpu.pipeline_mode<synchronous>, transform_indices = @transform_6, window_bounds = array<i64: 128>}, {pipeline_mode = #tpu.pipeline_mode<synchronous>, transform_indices = @transform_7, window_bounds = array<i64: 128, 128>}, {pipeline_mode = #tpu.pipeline_mode<synchronous>, transform_indices = @transform_8, window_bounds = array<i64: 128>}, {transform_indices = @transform_9, window_bounds = array<i64: 2000, 128>}]} {
    %get3A = arith.constant 0 : index
    %get3A_0 = arith.constant 0 : index
    %get3A_1 = arith.constant 0 : index
    %get3A_2 = vector.load %arg4[%get3A, %get3A_0, %get3A_1] : memref<1x2000x8xf32, #tpu.memory_space<vmem>>, vector<1x2000x8xf32>
    %get3A_3 = vector.shape_cast %get3A_2 : vector<1x2000x8xf32> to vector<2000x8xf32>
    %slice3A = vector.extract_strided_slice %get3A_3 {offsets = [0, 0], sizes = [2000, 1], strides = [1, 1]} : vector<2000x8xf32> to vector<2000x1xf32>
    %max3A = arith.constant 1.000000e+00 : f32
    %max3A_4 = vector.broadcast %max3A : f32 to vector<2000x1xf32>
    %max3A_5 = arith.maximumf %slice3A, %max3A_4 : vector<2000x1xf32>
    %div3A = arith.constant 1.000000e+00 : f32
    %div3A_6 = vector.broadcast %div3A : f32 to vector<2000x1xf32>
    %div3A_7 = arith.divf %div3A_6, %max3A_5 : vector<2000x1xf32>
    %get3A_8 = arith.constant 0 : index
    %get3A_9 = arith.constant 0 : index
    %get3A_10 = arith.constant 0 : index
    %get3A_11 = vector.load %arg5[%get3A_8, %get3A_9, %get3A_10] : memref<1x2000x8xf32, #tpu.memory_space<vmem>>, vector<1x2000x8xf32>
    %get3A_12 = vector.shape_cast %get3A_11 : vector<1x2000x8xf32> to vector<2000x8xf32>
    %slice3A_13 = vector.extract_strided_slice %get3A_12 {offsets = [0, 0], sizes = [2000, 1], strides = [1, 1]} : vector<2000x8xf32> to vector<2000x1xf32>
    %max3A_14 = arith.constant 1.000000e+00 : f32
    %max3A_15 = vector.broadcast %max3A_14 : f32 to vector<2000x1xf32>
    %max3A_16 = arith.maximumf %slice3A_13, %max3A_15 : vector<2000x1xf32>
    %div3A_17 = arith.constant 1.000000e+00 : f32
    %div3A_18 = vector.broadcast %div3A_17 : f32 to vector<2000x1xf32>
    %div3A_19 = arith.divf %div3A_18, %max3A_16 : vector<2000x1xf32>
    %get3A_20 = arith.constant 0 : index
    %get3A_21 = arith.constant 0 : index
    %get3A_22 = vector.load %arg1[%get3A_20, %get3A_21] : memref<2000x128xf32, #tpu.memory_space<vmem>>, vector<2000x128xf32>
    %get3A_23 = arith.constant 0 : index
    %get3A_24 = arith.constant 0 : index
    %get3A_25 = vector.load %arg6[%get3A_23, %get3A_24] : memref<128x384xf32, #tpu.memory_space<vmem>>, vector<128x128xf32>
    %dot_general3A = arith.constant dense<0.000000e+00> : vector<2000x128xf32>
    %dot_general3A_26 = tpu.matmul %get3A_22, %get3A_25, %dot_general3A {dimension_numbers = #tpu.dot_dimension_numbers<[1], [1], [0], [0], [0, 0, 1, 0], [], []>, transpose_lhs_hint = false} : vector<2000x128xf32>, vector<128x128xf32>, vector<2000x128xf32> -> vector<2000x128xf32>
    %get3A_27 = arith.constant 0 : index
    %get3A_28 = arith.constant 0 : index
    %get3A_29 = arith.constant 0 : index
    %get3A_30 = vector.load %arg2[%get3A_27, %get3A_28, %get3A_29] : memref<1x2000x128xf32, #tpu.memory_space<vmem>>, vector<1x2000x128xf32>
    %get3A_31 = vector.shape_cast %get3A_30 : vector<1x2000x128xf32> to vector<2000x128xf32>
    %mul3A = vector.broadcast %div3A_7 : vector<2000x1xf32> to vector<2000x128xf32>
    %mul3A_32 = arith.mulf %get3A_31, %mul3A : vector<2000x128xf32>
    %get3A_33 = arith.constant 0 : index
    %get3A_34 = arith.constant 128 : index
    %get3A_35 = vector.load %arg6[%get3A_33, %get3A_34] : memref<128x384xf32, #tpu.memory_space<vmem>>, vector<128x128xf32>
    %dot_general3A_36 = arith.constant dense<0.000000e+00> : vector<2000x128xf32>
    %dot_general3A_37 = tpu.matmul %mul3A_32, %get3A_35, %dot_general3A_36 {dimension_numbers = #tpu.dot_dimension_numbers<[1], [1], [0], [0], [0, 0, 1, 0], [], []>, transpose_lhs_hint = false} : vector<2000x128xf32>, vector<128x128xf32>, vector<2000x128xf32> -> vector<2000x128xf32>
    %add3A = arith.addf %dot_general3A_26, %dot_general3A_37 : vector<2000x128xf32>
    %get3A_38 = arith.constant 0 : index
    %get3A_39 = arith.constant 0 : index
    %get3A_40 = arith.constant 0 : index
    %get3A_41 = vector.load %arg3[%get3A_38, %get3A_39, %get3A_40] : memref<1x2000x128xf32, #tpu.memory_space<vmem>>, vector<1x2000x128xf32>
    %get3A_42 = vector.shape_cast %get3A_41 : vector<1x2000x128xf32> to vector<2000x128xf32>
    %mul3A_43 = vector.broadcast %div3A_19 : vector<2000x1xf32> to vector<2000x128xf32>
    %mul3A_44 = arith.mulf %get3A_42, %mul3A_43 : vector<2000x128xf32>
    %get3A_45 = arith.constant 0 : index
    %get3A_46 = arith.constant 256 : index
    %get3A_47 = vector.load %arg6[%get3A_45, %get3A_46] : memref<128x384xf32, #tpu.memory_space<vmem>>, vector<128x128xf32>
    %dot_general3A_48 = arith.constant dense<0.000000e+00> : vector<2000x128xf32>
    %dot_general3A_49 = tpu.matmul %mul3A_44, %get3A_47, %dot_general3A_48 {dimension_numbers = #tpu.dot_dimension_numbers<[1], [1], [0], [0], [0, 0, 1, 0], [], []>, transpose_lhs_hint = false} : vector<2000x128xf32>, vector<128x128xf32>, vector<2000x128xf32> -> vector<2000x128xf32>
    %add3A_50 = arith.addf %add3A, %dot_general3A_49 : vector<2000x128xf32>
    %get3A_51 = arith.constant 0 : index
    %get3A_52 = vector.load %arg7[%get3A_51] : memref<128xf32, #tpu.memory_space<vmem>>, vector<128xf32>
    %broadcast_in_dim3A = vector.shape_cast %get3A_52 : vector<128xf32> to vector<1x128xf32>
    %add3A_53 = vector.broadcast %broadcast_in_dim3A : vector<1x128xf32> to vector<2000x128xf32>
    %add3A_54 = arith.addf %add3A_50, %add3A_53 : vector<2000x128xf32>
    %tanh3A = math.tanh %add3A_54 : vector<2000x128xf32>
    %get3A_55 = arith.constant 0 : index
    %get3A_56 = arith.constant 0 : index
    %get3A_57 = vector.load %arg8[%get3A_55, %get3A_56] : memref<128x128xf32, #tpu.memory_space<vmem>>, vector<128x128xf32>
    %dot_general3A_58 = arith.constant dense<0.000000e+00> : vector<2000x128xf32>
    %dot_general3A_59 = tpu.matmul %tanh3A, %get3A_57, %dot_general3A_58 {dimension_numbers = #tpu.dot_dimension_numbers<[1], [1], [0], [0], [0, 0, 1, 0], [], []>, transpose_lhs_hint = false} : vector<2000x128xf32>, vector<128x128xf32>, vector<2000x128xf32> -> vector<2000x128xf32>
    %get3A_60 = arith.constant 0 : index
    %get3A_61 = vector.load %arg9[%get3A_60] : memref<128xf32, #tpu.memory_space<vmem>>, vector<128xf32>
    %broadcast_in_dim3A_62 = vector.shape_cast %get3A_61 : vector<128xf32> to vector<1x128xf32>
    %add3A_63 = vector.broadcast %broadcast_in_dim3A_62 : vector<1x128xf32> to vector<2000x128xf32>
    %add3A_64 = arith.addf %dot_general3A_59, %add3A_63 : vector<2000x128xf32>
    %swap3A = arith.constant 0 : index
    %swap3A_65 = arith.constant 0 : index
    %swap3A_66 = vector.load %arg10[%swap3A, %swap3A_65] : memref<2000x128xf32, #tpu.memory_space<vmem>>, vector<2000x128xf32>
    tpu.vector_store %arg10[%swap3A, %swap3A_65], %add3A_64 {strides = array<i32>} : memref<2000x128xf32, #tpu.memory_space<vmem>>, vector<2000x128xf32>,
    return
  }
  func.func @transform_0(%arg0: i32) -> (i32, i32) {
    %c0_i32 = arith.constant 0 : i32
    %c0_i32_0 = arith.constant 0 : i32
    return %arg0, %c0_i32 : i32, i32
  }
  func.func @transform_1(%arg0: i32) -> (i32, i32, i32) {
    %c0_i32 = arith.constant 0 : i32
    %c0_i32_0 = arith.constant 0 : i32
    %c0_i32_1 = arith.constant 0 : i32
    return %c0_i32, %arg0, %c0_i32_0 : i32, i32, i32
  }
  func.func @transform_2(%arg0: i32) -> (i32, i32, i32) {
    %c1_i32 = arith.constant 1 : i32
    %c0_i32 = arith.constant 0 : i32
    %c0_i32_0 = arith.constant 0 : i32
    return %c1_i32, %arg0, %c0_i32 : i32, i32, i32
  }
  func.func @transform_3(%arg0: i32) -> (i32, i32, i32) {
    %c0_i32 = arith.constant 0 : i32
    %c0_i32_0 = arith.constant 0 : i32
    %c0_i32_1 = arith.constant 0 : i32
    return %c0_i32, %arg0, %c0_i32_0 : i32, i32, i32
  }
  func.func @transform_4(%arg0: i32) -> (i32, i32, i32) {
    %c1_i32 = arith.constant 1 : i32
    %c0_i32 = arith.constant 0 : i32
    %c0_i32_0 = arith.constant 0 : i32
    return %c1_i32, %arg0, %c0_i32 : i32, i32, i32
  }
  func.func @transform_5(%arg0: i32) -> (i32, i32) {
    %c0_i32 = arith.constant 0 : i32
    %c0_i32_0 = arith.constant 0 : i32
    %c0_i32_1 = arith.constant 0 : i32
    return %c0_i32, %c0_i32_0 : i32, i32
  }
  func.func @transform_6(%arg0: i32) -> i32 {
    %c0_i32 = arith.constant 0 : i32
    %c0_i32_0 = arith.constant 0 : i32
    return %c0_i32 : i32
  }
  func.func @transform_7(%arg0: i32) -> (i32, i32) {
    %c0_i32 = arith.constant 0 : i32
    %c0_i32_0 = arith.constant 0 : i32
    %c0_i32_1 = arith.constant 0 : i32
    return %c0_i32, %c0_i32_0 : i32, i32
  }
  func.func @transform_8(%arg0: i32) -> i32 {
    %c0_i32 = arith.constant 0 : i32
    %c0_i32_0 = arith.constant 0 : i32
    return %c0_i32 : i32
  }
  func.func @transform_9(%arg0: i32) -> (i32, i32) {
    %c0_i32 = arith.constant 0 : i32
    %c0_i32_0 = arith.constant 0 : i32
    return %arg0, %c0_i32 : i32, i32
  }
}

</mosaic_0001>

<sc_bundles>
// kernel: kernel.4.cloned.1.call-start
scs
__scs_entry_jumppad:
0x0: {  	(pc) =	sbr.rel $0x88, $3  }
0x1: {  	(tag) =	ssettag $0x0;
	lr =	simm.s32 $0x1  }
0x2: {  	[smem:$0x3F99] =	sst lr;
	_ =	strace $0xD0000000  }
0x3: {  	_ = 	snop  }
0x4: {  	_ = 	snop  }
0x5: {  	_ = 	snop  }
0x6: {  	_ = 	snop  }
0x7: {  	_ = 	snop  }
__scs_overlays_trampoline_lowered:
0x8: {  	[smem:$0x3FA8] =	sst s0  }
0x9: {  	[smem:$0x3FA9] =	sst s1  }
0xa: {  	[smem:$0x3FAA] =	sst s2  }
0xb: {  	[smem:$0x3FAB] =	sst s3  }
0xc: {  	[smem:$0x3FAC] =	sst s4  }
0xd: {  	[smem:$0x3FAD] =	sst s5  }
0xe: {  	[smem:$0x3FAE] =	sst s6  }
0xf: {  	[smem:$0x3FAF] =	sst s7  }
0x10: {  	[smem:$0x3FB0] =	sst s8  }
0x11: {  	[smem:$0x3FB1] =	sst s9;
	s0 =	simm.s32 @!p0 $0x0  }
0x12: {  	s1 =	sld [smem:$0x3F97];
	s0 =	simm.s32 @p0 $0x1  }
0x13: {  	[smem:$0x3FB2] =	sst s0;
	s0 =	simm.s32 @!p1 $0x0  }
0x14: {  	s2 =	sld [smem:$0x3F96];
	s0 =	simm.s32 @p1 $0x1  }
0x15: {  	[smem:$0x3FB3] =	sst s0;
	s0 =	simm.s32 @!p2 $0x0  }
0x16: {  	s3 =	sld [smem:$0x3FDB];
	s0 =	simm.s32 @p2 $0x1  }
0x17: {  	s4 =	simm.s32 $0x1BF5;
	[smem:$0x3FB5] =	sst s0  }
0x18: {  	s0 =	sld [smem:$0x3F98];
	_ =	swait.ge [sflag:s4], $0x0  }
0x19: {  	s7 =	sld [smem:$0x3F99]  }
0x1a: {  	s8 =	sadd.s32 $0xFFFFE003, lr  }
0x1b: {  	s9 =	sadd.s32 $0xFFFFFEF7, lr;
	s5 =	simm.s32 $0xFFFFFFFF;
	p2 =	slt.u32 s8, $0xFFFFF086  }
0x1c: {  	p1 =	slt.u32 s9, $0xF7A;
	s5 =	simm.s32 @!p2 $0x0  }
0x1d: {  	s5 =	simm.s32 @p1 $0x1;
	p0 =	seq.s32 s7, s2  }
0x1e: {  	s7 =	smul.u32 @!p0 $0xF7A, s2;
	p2 =	seq.s32 @!p0 s5, $0x0  }
0x1f: {  	s9 =	smul.u32 $0xF7A, s1;
	s8 =	simm.s32 @!p0 $0x1BF5;
	p2 =	por !p2, p0  }
0x20: {  	[sflag:s8] =	ssyncset.s32 @!p0 $0xFFFFF086;
	s6 =	sadd.s32 @!p0 s3, s7;
	s7 =	simm.s32 @!p0 $0x108  }
0x21: {  	s3 =	sadd.s32 s3, s9;
	s6 =	sadd.s32 @!p0 $0x88, s6;
	s7 =	simm.s32 @p2 $0x1082  }
0x22: {  	[simem:s7], [sflag:s8] =	dma.local @!p0 [hbm:s6], $0xF7A  }
0x23: {  	s9 =	sor.u32 $0xD0000000, s2;
	s6 =	simm.s32 $0x108;
	_ =	swait.ge @!p0 [sflag:s8], $0x0  }
0x24: {  	s3 =	sadd.s32 $0x88, s3;
	s6 =	simm.s32 @!p1 $0x1082;
	[sflag:s4] =	ssyncset.s32 $0xFFFFF086  }
0x25: {  	[simem:s6], [sflag:s4] =	dma.local [hbm:s3], $0xF7A  }
0x26: {  	[smem:$0x3F99] =	sst s1;
	(tag) =	ssettag s2;
	_ =	strace s9  }
0x27: {  	s1 =	sld [smem:$0x3FA9]  }
0x28: {  	s2 =	sld [smem:$0x3FAA]  }
0x29: {  	s4 =	sld [smem:$0x3FAC]  }
0x2a: {  	p0 =	seq.s32 s5, $0x0;
	s5 =	sld [smem:$0x3FAD]  }
0x2b: {  	s6 =	sld [smem:$0x3FAE]  }
0x2c: {  	s7 =	sld [smem:$0x3FAF]  }
0x2d: {  	s3 =	simm.s32 $0x108;
	s8 =	sld [smem:$0x3FB0]  }
0x2e: {  	s3 =	simm.s32 @!p0 $0x1082;
	s9 =	sld [smem:$0x3FB1]  }
0x2f: {  	lr =	sadd.s32 s0, s3;
	s0 =	sld [smem:$0x3FA8]  }
0x30: {  	s3 =	sld [smem:$0x3FAB]  }
0x31: {  	[smem:$0x3FB4] =	sst s10  }
0x32: {  	s10 =	sld [smem:$0x3FB2];
	_ =	sdelay $0x3  }
0x33: {  	p0 =	seq.s32 s10, $0x1;
	s10 =	sld [smem:$0x3FB4];
	_ =	sdelay $0x3  }
0x34: {  	[smem:$0x3FB4] =	sst s10  }
0x35: {  	s10 =	sld [smem:$0x3FB3];
	_ =	sdelay $0x3  }
0x36: {  	p1 =	seq.s32 s10, $0x1;
	s10 =	sld [smem:$0x3FB4];
	_ =	sdelay $0x3  }
0x37: {  	[smem:$0x3FB4] =	sst s10  }
0x38: {  	s10 =	sld [smem:$0x3FB5]  }
0x39: {  	_ = 	snop;
	(pc) =	sbr.ind lr, $3  }
0x3a: {  	_ = 	snop  }
0x3b: {  	_ = 	snop  }
0x3c: {  	p2 =	seq.s32 s10, $0x1;
	s10 =	sld [smem:$0x3FB4]  }
0x3d: {  	_ =	shalt  }
0x3e: {  	_ =	shalt  }
0x3f: {  	_ =	shalt  }
0x40: {  	_ =	shalt  }
0x41: {  	_ =	shalt  }
0x42: {  	_ =	shalt  }
0x43: {  	_ =	shalt  }
0x44: {  	_ =	shalt  }
0x45: {  	_ =	shalt  }
0x46: {  	_ =	shalt  }
0x47: {  	_ =	shalt  }
0x48: {  	_ =	shalt  }
0x49: {  	_ =	shalt  }
0x4a: {  	_ =	shalt  }
0x4b: {  	_ =	shalt  }
0x4c: {  	_ =	shalt  }
0x4d: {  	_ =	shalt  }
0x4e: {  	_ =	shalt  }
0x4f: {  	_ =	shalt  }
0x50: {  	_ =	shalt  }
0x51: {  	_ =	shalt  }
0x52: {  	_ =	shalt  }
0x53: {  	_ =	shalt  }
0x54: {  	_ =	shalt  }
0x55: {  	_ =	shalt  }
0x56: {  	_ =	shalt  }
0x57: {  	_ =	shalt  }
0x58: {  	_ =	shalt  }
0x59: {  	_ =	shalt  }
0x5a: {  	_ =	shalt  }
0x5b: {  	_ =	shalt  }
0x5c: {  	_ =	shalt  }
0x5d: {  	_ =	shalt  }
0x5e: {  	_ =	shalt  }
0x5f: {  	_ =	shalt  }
0x60: {  	_ =	shalt  }
0x61: {  	_ =	shalt  }
0x62: {  	_ =	shalt  }
0x63: {  	_ =	shalt  }
0x64: {  	_ =	shalt  }
0x65: {  	_ =	shalt  }
0x66: {  	_ =	shalt  }
0x67: {  	_ =	shalt  }
0x68: {  	_ =	shalt  }
0x69: {  	_ =	shalt  }
0x6a: {  	_ =	shalt  }
0x6b: {  	_ =	shalt  }
0x6c: {  	_ =	shalt  }
0x6d: {  	_ =	shalt  }
0x6e: {  	_ =	shalt  }
0x6f: {  	_ =	shalt  }
0x70: {  	_ =	shalt  }
0x71: {  	_ =	shalt  }
0x72: {  	_ =	shalt  }
0x73: {  	_ =	shalt  }
0x74: {  	_ =	shalt  }
0x75: {  	_ =	shalt  }
0x76: {  	_ =	shalt  }
0x77: {  	_ =	shalt  }
0x78: {  	_ =	shalt  }
0x79: {  	_ =	shalt  }
0x7a: {  	_ =	shalt  }
0x7b: {  	_ =	shalt  }
0x7c: {  	_ =	shalt  }
0x7d: {  	_ =	shalt  }
0x7e: {  	_ =	shalt  }
0x7f: {  	_ =	shalt  }
0x80: {  	_ =	shalt  }
0x81: {  	_ =	shalt  }
0x82: {  	_ =	shalt  }
0x83: {  	_ =	shalt  }
0x84: {  	_ =	shalt  }
0x85: {  	_ =	shalt  }
0x86: {  	_ =	shalt  }
0x87: {  	_ =	shalt  }
.Lfunc_end0:
.L_simem_size_0:
called_computation_lowered:
.L_overlay_start_0:
0x88: {  	s2 =	sld [smem:$0x3FD9]  }
0x89: {  	s3 =	sld [smem:$0x3FFE];
	_ =	sdelay $0x1  }
0x8a: {  	s1 =	srdreg.scid  }
0x8b: {  	s0 =	sand.u32 $0x1, s1  }
0x8c: {  	s17 =	sshll.u32 s0, $0xA;
	s2 =	sadd.s32 s3, s2  }
0x8d: {  	s2 =	sadd.s32 s2, s17  }
0x8e: {  	[smem:$0x3FC0] =	sst s2  }
0x8f: {  	_ = 	snop  }
0x90: {  	s2 =	sld [smem:$0x3FC9]  }
0x91: {  	s18 =	sld [smem:$0x3FC6]  }
0x92: {  	s4 =	sld [smem:$0x3FD0];
	(tm) =	ssettm $0x1  }
0x93: {  	s5 =	sld [smem:$0x3FFB];
	_ =	sdelay $0x3  }
0x94: {  	_ =	strace s5  }
0x95: {  	s5 =	sld [smem:$0x3FFC];
	_ =	sdelay $0x3  }
0x96: {  	_ =	strace s5  }
0x97: {  	s5 =	sld [smem:$0x3FFD];
	_ =	sdelay $0x3  }
0x98: {  	_ =	strace s5  }
0x99: {  	_ =	strace $0x8FFFFFFF  }
0x9a: {  	s19 =	sld [smem:$0x3FDB];
	_ =	sdelay $0x1  }
0x9b: {  	s6 =	simm.s32 $_scs_section_size  }
0x9c: {  	s7 =	simm.s32 $_size__tile_overlayer_lowered;
	s8 =	simm.s32 $_tile_overlayer_lowered  }
0x9d: {  	s22 =	simm.s32 $0x1BFF;
	s21 =	sshll.u32 s8, $0x1;
	s5 =	sadd.s32 s6, s19  }
0x9e: {  	s9 =	simm.s32 $0x0;
	s20 =	sshll.u32 s7, $0x1;
	s7 =	sadd.s32 s21, s5  }
0x9f: {  	[timem:s9], [sflag:s22] =	dma.local [hbm:s7], s20  }
0xa0: {  	_ =	swait.ge [sflag:s22], s20  }
0xa1: {  	s6 =	ssub.s32 $0x0, s20;
	[sflag:s22] =	ssyncset.done $0x0  }
0xa2: {  	[sflag:s22] =	ssyncadd.s32 s6;
	_ =	sdelay $0x1  }
0xa3: {  	s23 =	simm.s32 $0x1B8B  }
0xa4: {  	_ =	swait.ge [sflag:s23], $0x1  }
0xa5: {  	[sflag:s23] =	ssyncset.done $0x0  }
0xa6: {  	s25 =	simm.s32 $0x1B8E;
	s24 =	sld [smem:$0x3FFE];
	[sflag:s23] =	ssyncadd.s32 $0xFFFFFFFF  }
0xa7: {  	s26 =	simm.s32 $execute0_lowered;
	[smem:$0x3FD2] =	sst s25  }
0xa8: {  	s7 =	sshll.u32 s26, $0x1;
	_ =	strace $0x80000046;
	[dreg:$0x1] =	wrdreg $0xFFFFFFFF  }
0xa9: {  	s28 =	simm.s32 $_size_execute0_lowered;
	s5 =	sadd.s32 s5, s7;
	[dreg:$0x0] =	wrdreg $0x0  }
0xaa: {  	s7 =	sshll.u32 s28, $0x1;
	[dreg:$0x2] =	wrdreg s5  }
0xab: {  	[dreg:$0x3] =	wrdreg s7  }
0xac: {  	[dreg:$0x4] =	wrdreg $0xC0  }
0xad: {  	_ =	task [dreg:s9], $0x5FFFF  }
0xae: {  	[dreg:$0x1] =	wrdreg $0xFFFFFFFF  }
0xaf: {  	[dreg:$0x0] =	wrdreg $0x60  }
0xb0: {  	[dreg:$0x2] =	wrdreg s18  }
0xb1: {  	[dreg:$0x3] =	wrdreg s24  }
0xb2: {  	[dreg:$0x4] =	wrdreg s2  }
0xb3: {  	[dreg:$0x5] =	wrdreg s4  }
0xb4: {  	[dreg:$0x6] =	wrdreg $0x145780  }
0xb5: {  	[dreg:$0x7] =	wrdreg $0x1E5780  }
0xb6: {  	[dreg:$0x8] =	wrdreg $0x9  }
0xb7: {  	_ =	task.clear_ibuf [dreg:s9], $0x9FFFF;
	_ =	strace $0x90000046  }
0xb8: {  	s29 =	simm.s32 $0x9;
	_ =	strace $0x80000048  }
0xb9: {  	_ =	swait.ge [sflag:s29], $0x1  }
0xba: {  	[sflag:s29] =	ssyncadd.s32 $0xFFFFFFFF  }
0xbb: {  	_ =	strace $0x90000048  }
0xbc: {  	_ =	sfence  }
0xbd: {  	s30 =	sld [smem:$0x0];
	_ =	sdelay $0x2  }
0xbe: {  	s31 =	sshll.u32 s1, $0xD;
	s1 =	sshrl.u32 s1, $0x2  }
0xbf: {  	s3 =	sand.u32 $0x4000, s31;
	s1 =	sadd.s32 s1, s30  }
0xc0: {  	s0 =	sor.u32 s3, s0;
	s1 =	sshll.u32 s1, $0x11  }
0xc1: {  	s0 =	sor.u32 s1, s0  }
0xc2: {  	s0 =	sadd.s32 $0x8F2B, s0  }
0xc3: {  	[sflag:s0] =	ssyncadd.remote.s32 $0x1  }
0xc4: {  	_ =	sfence.sel $0xFFFF  }
0xc5: {  	[dreg:$0x0] =	wrdreg $0xFFFFFFFF;
	(pc) =	sbr.abs _section_cstart, $3  }
0xc6: {  	[dreg:$0x1] =	wrdreg $0xFFFFFFFF  }
0xc7: {  	_ =	task.clear_ibuf [dreg:s9], $0x2FFFF;
	_ =	strace $0x9FFFFFFF  }
0xc8: {  	(tm) =	ssettm $0x7FFFFFFF  }
0xc9: {  	_ =	shalt  }
tec
execute0_lowered:
.L_overlay_start_1:
0x0: {  	(tag) =	ssettag $0x1  }
0x1: {  	s0 =	rddreg [dreg:$0x1];
	s1 =	srdreg.scid  }
0x2: {  	s8 =	rddreg [dreg:$0x2];
	s20 =	stileid.u32  }
0x3: {  	s10 =	rddreg [dreg:$0x3];
	s29 =	simm.s32 $0x0;
	s5 =	smul.u32 $0x280, s20  }
0x4: {  	s9 =	sand.u32 $0x1, s1;
	s11 =	sadd.s32 $0x41E00, s0;
	s13 =	smul.u32 $0x14000, s20  }
0x5: {  	s6 =	smul.u32 $0x1400, s20;
	s31 =	sadd.s32 $0x41E08, s0;
	[smem:$0x7FF] =	sst s29  }
0x6: {  	s1 =	ssub.s32 $0x2, s9;
	s19 =	sshll.u32 s9, $0x4;
	s12 =	smul.u32 $0x140000, s9  }
0x7: {  	p0 =	seq.s32 s9, $0x1;
	s26 =	smul.u32 $0x14000, s9;
	s2 =	sshrl.u32 s1, $0x1  }
0x8: {  	s7 =	sor.u32 s20, s19;
	s3 =	sadd.s32 $0x100, s5;
	s4 =	sadd.s32 $0x180, s5  }
0x9: {  	s1 =	ssub.s32 s1, s2;
	s2 =	sadd.s32 $0x80, s5;
	s18 =	smul.u32 $0x32, s7  }
0xa: {  	s5 =	sadd.s32 $0x200, s5;
	s13 =	sadd.s32 s13, s12;
	s24 =	smul.u32 $0x1900, s7  }
0xb: {  	s15 =	sshll.u32 s3, $0x7;
	s23 =	sshll.u32 s4, $0x7;
	s25 =	smul.u32 $0xC800, s7  }
0xc: {  	s14 =	sshll.u32 s2, $0x7;
	s13 =	sshrl.u32 s13, $0x3;
	s15 =	sadd.s32 s12, s15  }
0xd: {  	s17 =	sshll.u32 s5, $0x7;
	s1 =	smax.u32 s1, $0x1;
	s14 =	sadd.s32 s12, s14  }
0xe: {  	s16 =	sadd.s32 s11, s13;
	s15 =	sshrl.u32 s15, $0x3;
	s8 =	sadd.s32 s8, s18  }
0xf: {  	s28 =	sadd.s32 s10, s24;
	s30 =	sshrl.u32 s25, $0x3;
	[dreg:$0x8] =	wrdreg s16  }
0x10: {  	s13 =	sadd.s32 s13, s31;
	s14 =	sshrl.u32 s14, $0x3;
	[dreg:$0xd] =	wrdreg s8  }
0x11: {  	s22 =	sadd.s32 s11, s15;
	s16 =	sadd.s32 s12, s23;
	[dreg:$0xe] =	wrdreg s28  }
0x12: {  	s12 =	sadd.s32 s12, s17;
	s9 =	sadd.s32 s10, s30;
	[dreg:$0xf] =	wrdreg s13  }
0x13: {  	s17 =	sadd.s32 s6, s26;
	s8 =	sshrl.u32 s26, $0x3;
	s13 =	smul.u32 $0x28000, s20  }
0x14: {  	s21 =	sadd.s32 s11, s14;
	[dreg:$0xa] =	wrdreg s22;
	s16 =	sshrl.u32 s16, $0x3  }
0x15: {  	s12 =	sshrl.u32 s12, $0x3;
	s18 =	sadd.s32 s14, s31;
	s22 =	sadd.s32 $0x3CE00, s0  }
0x16: {  	s10 =	sshrl.u32 s17, $0x3;
	s17 =	sshll.u32 s3, $0x6;
	[dreg:$0x9] =	wrdreg s21  }
0x17: {  	s19 =	sadd.s32 s11, s16;
	s11 =	sadd.s32 s11, s12;
	[dreg:$0x10] =	wrdreg s18  }
0x18: {  	s21 =	sadd.s32 s16, s31;
	s10 =	sadd.s32 s22, s10;
	s23 =	sadd.s32 s22, s2  }
0x19: {  	s24 =	sadd.s32 s22, s3;
	s25 =	sadd.s32 s22, s4;
	s30 =	sadd.s32 s22, s5  }
0x1a: {  	s22 =	rddreg [dreg:$0x5];
	s14 =	sshrl.u32 s13, $0x2;
	s16 =	sshll.u32 s2, $0x6  }
0x1b: {  	s18 =	sshll.u32 s4, $0x6;
	s2 =	sshll.u32 s2, $0x3;
	[dreg:$0xb] =	wrdreg s19  }
0x1c: {  	s3 =	sshll.u32 s3, $0x3;
	s4 =	sshll.u32 s4, $0x3;
	[dreg:$0xc] =	wrdreg s11  }
0x1d: {  	s13 =	simm.s32 $0xE;
	s19 =	sadd.s32 s15, s31;
	[dreg:$0x12] =	wrdreg s21  }
0x1e: {  	s11 =	sadd.s32 s12, s31;
	[dreg:$0x14] =	wrdreg s10;
	s10 =	sadd.s32 s8, s23  }
0x1f: {  	s26 =	sadd.s32 s8, s24;
	s28 =	sadd.s32 s8, s25;
	s21 =	rddreg [dreg:$0x4]  }
0x20: {  	s31 =	smul.u32 $0x2800, s20;
	s8 =	sadd.s32 s8, s30;
	[dreg:$0x11] =	wrdreg s19  }
0x21: {  	s24 =	sadd.s32 $0x29200, s0;
	s25 =	sadd.s32 $0x15800, s0;
	[dreg:$0x13] =	wrdreg s11  }
0x22: {  	s20 =	sshll.u32 s5, $0x6;
	s2 =	sadd.s32 s2, s22;
	[dreg:$0x15] =	wrdreg s10  }
0x23: {  	s3 =	sadd.s32 s3, s22;
	s4 =	sadd.s32 s4, s22;
	[dreg:$0x16] =	wrdreg s26  }
0x24: {  	s5 =	sshll.u32 s5, $0x3;
	s23 =	sadd.s32 $0x500, s9;
	[dreg:$0x17] =	wrdreg s28  }
0x25: {  	s30 =	sadd.s32 $0x1400, s9;
	[dreg:$0x18] =	wrdreg s8;
	s15 =	sadd.s32 s14, s21  }
0x26: {  	s19 =	sadd.s32 s18, s21;
	_ =	strace $0x80000047;
	[dreg:$0x1b] =	wrdreg s15  }
0x27: {  	s8 =	simm.s32 $0xB800;
	s5 =	sadd.s32 s5, s22;
	[dreg:$0x1e] =	wrdreg s19  }
0x28: {  	s26 =	sadd.s32 $0xA00, s9;
	s28 =	sadd.s32 $0xF00, s9;
	[smem:$0x7F8] =	sst s23  }
0x29: {  	s14 =	simm.s32 $0x5000;
	s9 =	simm.s32 $0x4;
	[smem:$0x7F9] =	sst s26  }
0x2a: {  	s10 =	simm.s32 $0x7;
	s11 =	simm.s32 $0x5;
	[smem:$0x7FA] =	sst s28  }
0x2b: {  	s18 =	simm.s32 $0x9;
	s12 =	sshrl.u32 s31, $0x3;
	[smem:$0x7FB] =	sst s30  }
0x2c: {  	s8 =	simm.s32 @!p0 $0x1800;
	p0 =	sgt.u32 s7, $0x18;
	[smem:$0x7FC] =	sst s1  }
0x2d: {  	s15 =	simm.s32 $0x7D;
	s8 =	sadd.s32 s8, s0;
	s0 =	sadd.s32 $0x3CC00, s0  }
0x2e: {  	s26 =	simm.s32 $0x9000;
	[dreg:$0x1a] =	wrdreg s0;
	s0 =	sadd.s32 s16, s21  }
0x2f: {  	s23 =	simm.s32 $0x1;
	s8 =	sadd.s32 s8, s12;
	[dreg:$0x1c] =	wrdreg s0  }
0x30: {  	s7 =	simm.s32 $0xD000;
	s0 =	sadd.s32 s17, s21;
	[dreg:$0x19] =	wrdreg s8  }
0x31: {  	s19 =	simm.s32 $0x3;
	s31 =	sadd.s32 $0x5000, s8;
	[dreg:$0x1d] =	wrdreg s0  }
0x32: {  	s16 =	simm.s32 $0xB000;
	s0 =	sadd.s32 s20, s21;
	[smem:$0x7FD] =	sst s31  }
0x33: {  	v0 =	vimm.f32 $0.0e+00;
	[dreg:$0x1f] =	wrdreg s0;
	s0 =	sadd.s32 s6, s22;
	s6 =	simm.s32 $0x2  }
.LBB2_1:
0x34: {  	s1 =	simm.s32 $0x0  }
.LBB2_2:
0x35: {  	p1 =	sne.s32 s1, $0x7F00  }
.Ltmp0:
0x36: {  	s12 =	sshra.s32 s1, $0x2;
	(pc) =	sbr.rel @p1 .LBB2_2-.Ltmp0, $4  }
0x37: {  	[tilespmem:s12+$0x5000] =	vst v0  }
0x38: {  	[tilespmem:s12+$0x5010] =	vst v0  }
0x39: {  	[tilespmem:s12+$0x5020] =	vst v0  }
0x3a: {  	s1 =	sadd.s32 $0x100, s1;
	[tilespmem:s12+$0x5030] =	vst v0  }
0x3b: {  	s1 =	simm.s32 $0x40;
	s12 =	simm.s32 $0x0  }
.LBB2_4:
0x3c: {  	p1 =	sne.s32 s1, $0x1FC0;
	[tilespmem:s12+$0x13D78] =	vst v0;
	s12 =	smov.u32 s1;
	s1 =	sadd.s32 $0x40, s1  }
.Ltmp1:
0x3d: {  	(pc) =	sbr.rel @p1 .LBB2_4-.Ltmp1, $2  }
0x3e: {  	_ =	sdelay $0x2  }
0x3f: {  	s12 =	sshra.s32 s12, $0x2  }
0x40: {  	[tilespmem:s12+$0x13D78] =	vst v0;
	s1 =	simm.s32 $0x0;
	s8 =	rddreg [dreg:$0x1a];
	s31 =	simm.s32 $0x11000  }
0x41: {  	[tilespmem:s31], [sflag:$0xE] =	stream.linear.gather [hbm4b:s8+s1], $0x3E8, $0x38;
	[tilespmem:$0x1F978] =	vst v63  }
0x42: {  	_ =	swait.ge [sflag:s13], $0x3E8  }
0x43: {  	[sflag:s13] =	ssyncset.done $0x0  }
0x44: {  	s12 =	rddreg [dreg:$0x1b];
	[sflag:s13] =	ssyncadd.s32 $0xFFFFFC18  }
0x45: {  	[spmem:s12] =	stream.linear.scatter [tilespmem:s14], [sflag:$0xE], $0x2000, $0x38;
	[tilespmem:$0x1F978] =	vst v63  }
0x46: {  	_ =	swait.ge [sflag:s13], $0x2000  }
0x47: {  	[sflag:s13] =	ssyncset.done $0x0  }
0x48: {  	s17 =	rddreg [dreg:$0x1c];
	[sflag:s13] =	ssyncadd.s32 $0xFFFFE000  }
0x49: {  	[spmem:s17] =	stream.linear.scatter [tilespmem:s14], [sflag:$0xE], $0x2000, $0x38;
	[tilespmem:$0x1F978] =	vst v63  }
0x4a: {  	_ =	swait.ge [sflag:s13], $0x2000  }
0x4b: {  	[sflag:s13] =	ssyncset.done $0x0  }
0x4c: {  	s20 =	rddreg [dreg:$0x1d];
	[sflag:s13] =	ssyncadd.s32 $0xFFFFE000  }
0x4d: {  	[spmem:s20] =	stream.linear.scatter [tilespmem:s14], [sflag:$0xE], $0x2000, $0x38;
	[tilespmem:$0x1F978] =	vst v63  }
0x4e: {  	_ =	swait.ge [sflag:s13], $0x2000  }
0x4f: {  	[sflag:s13] =	ssyncset.done $0x0  }
0x50: {  	s28 =	rddreg [dreg:$0x1e];
	[sflag:s13] =	ssyncadd.s32 $0xFFFFE000  }
0x51: {  	[spmem:s28] =	stream.linear.scatter [tilespmem:s14], [sflag:$0xE], $0x2000, $0x38;
	[tilespmem:$0x1F978] =	vst v63  }
0x52: {  	_ =	swait.ge [sflag:s13], $0x2000  }
0x53: {  	[sflag:s13] =	ssyncset.done $0x0  }
0x54: {  	s30 =	rddreg [dreg:$0x1f];
	[sflag:s13] =	ssyncadd.s32 $0xFFFFE000  }
0x55: {  	[spmem:s30] =	stream.linear.scatter [tilespmem:s14], [sflag:$0xE], $0x2000, $0x38;
	[tilespmem:$0x1F978] =	vst v63  }
0x56: {  	_ =	swait.ge [sflag:s13], $0x2000  }
0x57: {  	s1 =	simm.s32 $0x13D78;
	[sflag:s13] =	ssyncset.done $0x0  }
0x58: {  	s31 =	sadd.s32 $0x0, s0;
	s12 =	simm.s32 $0x20;
	[sflag:s13] =	ssyncadd.s32 $0xFFFFE000  }
0x59: {  	[spmem:s31] =	stream.linear.scatter [tilespmem:s1], [sflag:$0xE], $0x8, $0x38;
	[tilespmem:$0x1F978] =	vst v63  }
.LBB2_6:
0x5a: {  	p1 =	sne.s32 s12, $0xFE0  }
.Ltmp2:
0x5b: {  	_ = 	snop;
	(pc) =	sbr.rel @p1 .LBB2_6-.Ltmp2, $4  }
0x5c: {  	_ = 	snop  }
0x5d: {  	s20 =	sshra.s32 s12, $0x2;
	s12 =	sadd.s32 $0x20, s12  }
0x5e: {  	s1 =	sadd.s32 $0x10, s1;
	s20 =	sadd.s32 s20, s0  }
0x5f: {  	[spmem:s20] =	stream.linear.scatter [tilespmem:s1], [sflag:$0xE], $0x8, $0x38;
	[tilespmem:$0x1F978] =	vst v63  }
0x60: {  	_ =	swait.ge [sflag:s13], $0x400  }
0x61: {  	[sflag:s13] =	ssyncset.done $0x0  }
0x62: {  	s1 =	simm.s32 $0x13D78;
	s12 =	sadd.s32 $0x0, s2;
	[sflag:s13] =	ssyncadd.s32 $0xFFFFFC00  }
0x63: {  	[spmem:s12] =	stream.linear.scatter [tilespmem:s1], [sflag:$0xE], $0x8, $0x38;
	[tilespmem:$0x1F978] =	vst v63  }
0x64: {  	s12 =	simm.s32 $0x20  }
.LBB2_8:
0x65: {  	p1 =	sne.s32 s12, $0xFE0  }
.Ltmp3:
0x66: {  	_ = 	snop;
	(pc) =	sbr.rel @p1 .LBB2_8-.Ltmp3, $4  }
0x67: {  	_ = 	snop  }
0x68: {  	s20 =	sshra.s32 s12, $0x2;
	s12 =	sadd.s32 $0x20, s12  }
0x69: {  	s1 =	sadd.s32 $0x10, s1;
	s20 =	sadd.s32 s20, s2  }
0x6a: {  	[spmem:s20] =	stream.linear.scatter [tilespmem:s1], [sflag:$0xE], $0x8, $0x38;
	[tilespmem:$0x1F978] =	vst v63  }
0x6b: {  	_ =	swait.ge [sflag:s13], $0x400  }
0x6c: {  	[sflag:s13] =	ssyncset.done $0x0  }
0x6d: {  	s1 =	simm.s32 $0x13D78;
	s12 =	sadd.s32 $0x0, s3;
	[sflag:s13] =	ssyncadd.s32 $0xFFFFFC00  }
0x6e: {  	[spmem:s12] =	stream.linear.scatter [tilespmem:s1], [sflag:$0xE], $0x8, $0x38;
	[tilespmem:$0x1F978] =	vst v63  }
0x6f: {  	s12 =	simm.s32 $0x20  }
.LBB2_10:
0x70: {  	p1 =	sne.s32 s12, $0xFE0  }
.Ltmp4:
0x71: {  	_ = 	snop;
	(pc) =	sbr.rel @p1 .LBB2_10-.Ltmp4, $4  }
0x72: {  	_ = 	snop  }
0x73: {  	s20 =	sshra.s32 s12, $0x2;
	s12 =	sadd.s32 $0x20, s12  }
0x74: {  	s1 =	sadd.s32 $0x10, s1;
	s20 =	sadd.s32 s20, s3  }
0x75: {  	[spmem:s20] =	stream.linear.scatter [tilespmem:s1], [sflag:$0xE], $0x8, $0x38;
	[tilespmem:$0x1F978] =	vst v63  }
0x76: {  	_ =	swait.ge [sflag:s13], $0x400  }
0x77: {  	[sflag:s13] =	ssyncset.done $0x0  }
0x78: {  	s1 =	simm.s32 $0x13D78;
	s12 =	sadd.s32 $0x0, s4;
	[sflag:s13] =	ssyncadd.s32 $0xFFFFFC00  }
0x79: {  	[spmem:s12] =	stream.linear.scatter [tilespmem:s1], [sflag:$0xE], $0x8, $0x38;
	[tilespmem:$0x1F978] =	vst v63  }
0x7a: {  	s12 =	simm.s32 $0x20  }
.LBB2_12:
0x7b: {  	p1 =	sne.s32 s12, $0xFE0  }
.Ltmp5:
0x7c: {  	_ = 	snop;
	(pc) =	sbr.rel @p1 .LBB2_12-.Ltmp5, $4  }
0x7d: {  	_ = 	snop  }
0x7e: {  	s20 =	sshra.s32 s12, $0x2;
	s12 =	sadd.s32 $0x20, s12  }
0x7f: {  	s1 =	sadd.s32 $0x10, s1;
	s20 =	sadd.s32 s20, s4  }
0x80: {  	[spmem:s20] =	stream.linear.scatter [tilespmem:s1], [sflag:$0xE], $0x8, $0x38;
	[tilespmem:$0x1F978] =	vst v63  }
0x81: {  	_ =	swait.ge [sflag:s13], $0x400  }
0x82: {  	[sflag:s13] =	ssyncset.done $0x0  }
0x83: {  	s1 =	simm.s32 $0x13D78;
	s12 =	sadd.s32 $0x0, s5;
	[sflag:s13] =	ssyncadd.s32 $0xFFFFFC00  }
0x84: {  	[spmem:s12] =	stream.linear.scatter [tilespmem:s1], [sflag:$0xE], $0x8, $0x38;
	[tilespmem:$0x1F978] =	vst v63  }
0x85: {  	s12 =	simm.s32 $0x20  }
.LBB2_14:
0x86: {  	p1 =	sne.s32 s12, $0xFE0  }
.Ltmp6:
0x87: {  	_ = 	snop;
	(pc) =	sbr.rel @p1 .LBB2_14-.Ltmp6, $4  }
0x88: {  	_ = 	snop  }
0x89: {  	s20 =	sshra.s32 s12, $0x2;
	s12 =	sadd.s32 $0x20, s12  }
0x8a: {  	s1 =	sadd.s32 $0x10, s1;
	s20 =	sadd.s32 s20, s5  }
0x8b: {  	[spmem:s20] =	stream.linear.scatter [tilespmem:s1], [sflag:$0xE], $0x8, $0x38;
	[tilespmem:$0x1F978] =	vst v63  }
0x8c: {  	[dreg:$0x7] =	wrdreg s29  }
0x8d: {  	_ =	swait.ge [sflag:s13], $0x400  }
0x8e: {  	[sflag:s13] =	ssyncset.done $0x0  }
0x8f: {  	[sflag:s13] =	ssyncadd.s32 $0xFFFFFC00  }
0x90: {  	[bflag:$0x0] =	sbarrier.arrive $0xFFFF  }
0x91: {  	s8 =	sld [smem:$0x7FD];
	_ =	sdelay $0x1  }
0x92: {  	s1 =	simm.s32 $0x0  }
0x93: {  	[tilespmem:s1], [sflag:$0xE] =	stream.linear.gather [hbm4b:s8+s1], $0x2800, $0x38;
	[tilespmem:$0x1F978] =	vst v63  }
0x94: {  	_ =	swait.ge [sflag:s13], $0x2800  }
0x95: {  	[sflag:s13] =	ssyncset.done $0x0  }
0x96: {  	s12 =	simm.s32 $0x2800;
	s28 =	rddreg [dreg:$0x19];
	[sflag:s13] =	ssyncadd.s32 $0xFFFFD800  }
0x97: {  	[tilespmem:s12], [sflag:$0xE] =	stream.linear.gather [hbm4b:s28+s1], $0x2800, $0x38;
	[tilespmem:$0x1F978] =	vst v63  }
0x98: {  	_ =	swait.ge [sflag:s13], $0x2800  }
0x99: {  	[sflag:s13] =	ssyncset.done $0x0  }
0x9a: {  	[sflag:s13] =	ssyncadd.s32 $0xFFFFD800  }
0x9b: {  	[tilespmem:s14], [sflag:$0x1] =	stream.indirect.gather [hbm4b:s24+s15], $0x40, s1, s15, $0xb8;
	[tilespmem:$0x1F978] =	vst v63  }
0x9c: {  	s30 =	simm.s32 $0x80;
	s29 =	simm.s32 $0x7000  }
0x9d: {  	[tilespmem:s29], [sflag:$0x2] =	stream.indirect.gather [hbm4b:s24+s15], $0x40, s30, s15, $0xb8;
	[tilespmem:$0x1F978] =	vst v63  }
0x9e: {  	s31 =	simm.s32 $0x100;
	s20 =	simm.s32 $0x0  }
0x9f: {  	[tilespmem:s26], [sflag:$0x3] =	stream.indirect.gather [hbm4b:s24+s15], $0x40, s31, s15, $0xb8;
	[tilespmem:$0x1F978] =	vst v63  }
.LBB2_16:
0xa0: {  	p1 =	sgt.u32 s20, $0x6  }
0xa1: {  	p2 =	seq.s32 @!p1 s1, $0x0  }
0xa2: {  	_ =	swait.ge [sflag:s23], $0x1F40;
	p2 =	por p1, !p2  }
.Ltmp7:
0xa3: {  	s12 =	sshra.s32 s1, $0x2;
	[sflag:s23] =	ssyncset.done $0x0;
	(pc) =	sbr.rel @!p2 .LBB2_17-.Ltmp7, $4  }
0xa4: {  	s8 =	sadd.s32 $0x2800, s12;
	[sflag:s23] =	ssyncadd.s32 $0xFFFFE0C0  }
0xa5: {  	[spmem:s21] =	stream.indirect.scatter.add.f32 [tilespmem:s14], [sflag:$0x7], $0x40, s8, s15, $0xb8;
	[tilespmem:$0x1F978] =	vst v63  }
0xa6: {  	s30 =	simm.s32 @!p1 $0x7D;
	s31 =	simm.s32 @!p1 $0x11000  }
0xa7: {  	[spmem:s22] =	stream.indirect.scatter.add.f32 @!p1 [tilespmem:s31], [sflag:$0xD], $0x8, s8, s30, $0xb8;
	[tilespmem:$0x1F978] =	vst v63  }
.Ltmp8:
0xa8: {  	(pc) =	sbr.rel .LBB2_19-.Ltmp8, $4  }
0xa9: {  	s8 =	simm.s32 $0xA  }
0xaa: {  	_ =	swait.ge [sflag:s8], $0x1F40  }
0xab: {  	[sflag:s8] =	ssyncset.done $0x0  }
0xac: {  	p2 =	por $0x0, $0x0;
	[sflag:s8] =	ssyncadd.s32 $0xFFFFE0C0  }
.LBB2_17:
0xad: {  	p2 =	por @!p1 $0x1, $0x1  }
.LBB2_19:
0xae: {  	s8 =	sadd.s32 $0x180, s12  }
0xaf: {  	[tilespmem:s16], [sflag:$0x4] =	stream.indirect.gather [hbm4b:s24+s15], $0x40, s8, s15, $0xb8;
	[tilespmem:$0x1F978] =	vst v63  }
0xb0: {  	_ =	swait.ge [sflag:s6], $0x1F40  }
0xb1: {  	[sflag:s6] =	ssyncset.done $0x0  }
0xb2: {  	s8 =	sadd.s32 $0x2880, s12;
	[sflag:s6] =	ssyncadd.s32 $0xFFFFE0C0  }
0xb3: {  	[spmem:s21] =	stream.indirect.scatter.add.f32 [tilespmem:s29], [sflag:$0x8], $0x40, s8, s15, $0xb8;
	[tilespmem:$0x1F978] =	vst v63  }
0xb4: {  	_ = 	snop  }
0xb5: {  	[spmem:s22] =	stream.indirect.scatter.add.f32 @!p1 [tilespmem:s31], [sflag:$0xD], $0x8, s8, s30, $0xb8;
	[tilespmem:$0x1F978] =	vst v63  }
0xb6: {  	s8 =	simm.s32 @!p2 $0xB  }
0xb7: {  	_ =	swait.ge @!p2 [sflag:s8], $0x1F40  }
0xb8: {  	[sflag:s8] =	ssyncset.done @!p2 $0x0  }
0xb9: {  	s17 =	sadd.s32 $0x200, s12;
	[sflag:s8] =	ssyncadd.s32 @!p2 $0xFFFFE0C0  }
0xba: {  	[tilespmem:s7], [sflag:$0x5] =	stream.indirect.gather [hbm4b:s24+s15], $0x40, s17, s15, $0xb8;
	[tilespmem:$0x1F978] =	vst v63  }
0xbb: {  	_ =	swait.ge [sflag:s19], $0x1F40  }
0xbc: {  	[sflag:s19] =	ssyncset.done $0x0  }
0xbd: {  	s8 =	sadd.s32 $0x2900, s12;
	[sflag:s19] =	ssyncadd.s32 $0xFFFFE0C0  }
0xbe: {  	[spmem:s21] =	stream.indirect.scatter.add.f32 [tilespmem:s26], [sflag:$0x9], $0x40, s8, s15, $0xb8;
	[tilespmem:$0x1F978] =	vst v63  }
0xbf: {  	_ = 	snop  }
0xc0: {  	[spmem:s22] =	stream.indirect.scatter.add.f32 @!p1 [tilespmem:s31], [sflag:$0xD], $0x8, s8, s30, $0xb8;
	[tilespmem:$0x1F978] =	vst v63  }
0xc1: {  	s8 =	simm.s32 @!p2 $0xC  }
0xc2: {  	_ =	swait.ge @!p2 [sflag:s8], $0x1F40  }
0xc3: {  	[sflag:s8] =	ssyncset.done @!p2 $0x0  }
0xc4: {  	s28 =	sadd.s32 $0x280, s12;
	s17 =	simm.s32 $0xF000;
	[sflag:s8] =	ssyncadd.s32 @!p2 $0xFFFFE0C0  }
0xc5: {  	[tilespmem:s17], [sflag:$0x6] =	stream.indirect.gather [hbm4b:s24+s15], $0x40, s28, s15, $0xb8;
	[tilespmem:$0x1F978] =	vst v63  }
0xc6: {  	_ =	swait.ge [sflag:s9], $0x1F40  }
0xc7: {  	[sflag:s9] =	ssyncset.done $0x0  }
0xc8: {  	s8 =	sadd.s32 $0x2980, s12;
	[sflag:s9] =	ssyncadd.s32 $0xFFFFE0C0  }
0xc9: {  	[spmem:s21] =	stream.indirect.scatter.add.f32 [tilespmem:s16], [sflag:$0xA], $0x40, s8, s15, $0xb8;
	[tilespmem:$0x1F978] =	vst v63  }
0xca: {  	_ = 	snop  }
0xcb: {  	[spmem:s22] =	stream.indirect.scatter.add.f32 @!p1 [tilespmem:s31], [sflag:$0xD], $0x8, s8, s30, $0xb8;
	[tilespmem:$0x1F978] =	vst v63  }
0xcc: {  	_ =	swait.ge [sflag:s10], $0x1F40  }
0xcd: {  	[sflag:s10] =	ssyncset.done $0x0  }
0xce: {  	s31 =	sadd.s32 $0x300, s12;
	[sflag:s10] =	ssyncadd.s32 $0xFFFFE0C0  }
0xcf: {  	[tilespmem:s14], [sflag:$0x1] =	stream.indirect.gather [hbm4b:s24+s15], $0x40, s31, s15, $0xb8;
	[tilespmem:$0x1F978] =	vst v63  }
0xd0: {  	_ =	swait.ge [sflag:s11], $0x1F40  }
0xd1: {  	p1 =	sgt.u32 s20, $0x5;
	[sflag:s11] =	ssyncset.done $0x0  }
0xd2: {  	s8 =	sadd.s32 $0x2A00, s12;
	s30 =	simm.s32 @p1 $0x8;
	[sflag:s11] =	ssyncadd.s32 $0xFFFFE0C0  }
0xd3: {  	[spmem:s21] =	stream.indirect.scatter.add.f32 [tilespmem:s7], [sflag:$0xB], $0x40, s8, s15, $0xb8;
	[tilespmem:$0x1F978] =	vst v63  }
0xd4: {  	_ =	swait.ge @p1 [sflag:s30], $0x1F40  }
0xd5: {  	[sflag:s30] =	ssyncset.done @p1 $0x0  }
0xd6: {  	[sflag:s30] =	ssyncadd.s32 @p1 $0xFFFFE0C0;
	s30 =	sshra.s32 @p1 s1, $0x2  }
0xd7: {  	s28 =	simm.s32 @p1 $0x7D;
	s17 =	simm.s32 @p1 $0x7000;
	s31 =	sadd.s32 @p1 $0x380, s30  }
0xd8: {  	[tilespmem:s17], [sflag:$0x2] =	stream.indirect.gather @p1 [hbm4b:s24+s28], $0x40, s31, s28, $0xb8;
	[tilespmem:$0x1F978] =	vst v63  }
0xd9: {  	s17 =	simm.s32 @p1 $0x6  }
0xda: {  	_ =	swait.ge @p1 [sflag:s17], $0x1F40  }
0xdb: {  	[sflag:s17] =	ssyncset.done @p1 $0x0  }
0xdc: {  	[sflag:s17] =	ssyncadd.s32 @p1 $0xFFFFE0C0;
	s17 =	sadd.s32 @p1 $0x2A80, s30;
	s30 =	simm.s32 @p1 $0xF000  }
0xdd: {  	[spmem:s21] =	stream.indirect.scatter.add.f32 @p1 [tilespmem:s30], [sflag:$0xC], $0x40, s17, s28, $0xb8;
	[tilespmem:$0x1F978] =	vst v63  }
0xde: {  	s17 =	simm.s32 @!p1 $0x7D;
	s28 =	simm.s32 @!p1 $0x11000  }
0xdf: {  	[spmem:s22] =	stream.indirect.scatter.add.f32 @!p1 [tilespmem:s28], [sflag:$0xD], $0x8, s8, s17, $0xb8;
	[tilespmem:$0x1F978] =	vst v63  }
0xe0: {  	s8 =	simm.s32 @!p1 $0x8  }
0xe1: {  	_ =	swait.ge @!p1 [sflag:s8], $0x1F40  }
0xe2: {  	s30 =	sshra.s32 @!p1 s1, $0x2;
	[sflag:s8] =	ssyncset.done @!p1 $0x0  }
0xe3: {  	s31 =	simm.s32 @!p1 $0x7000;
	[sflag:s8] =	ssyncadd.s32 @!p1 $0xFFFFE0C0;
	s8 =	sadd.s32 @!p1 $0x380, s30  }
0xe4: {  	[tilespmem:s31], [sflag:$0x2] =	stream.indirect.gather @!p1 [hbm4b:s24+s17], $0x40, s8, s17, $0xb8;
	[tilespmem:$0x1F978] =	vst v63  }
0xe5: {  	s8 =	simm.s32 @!p1 $0x6  }
0xe6: {  	_ =	swait.ge @!p1 [sflag:s8], $0x1F40  }
0xe7: {  	[sflag:s8] =	ssyncset.done @!p1 $0x0  }
0xe8: {  	[sflag:s8] =	ssyncadd.s32 @!p1 $0xFFFFE0C0;
	s8 =	sadd.s32 @!p1 $0x2A80, s30;
	s30 =	simm.s32 @!p1 $0xF000  }
0xe9: {  	[spmem:s21] =	stream.indirect.scatter.add.f32 @!p1 [tilespmem:s30], [sflag:$0xC], $0x40, s8, s17, $0xb8;
	[tilespmem:$0x1F978] =	vst v63  }
0xea: {  	_ = 	snop  }
0xeb: {  	[spmem:s22] =	stream.indirect.scatter.add.f32 @!p1 [tilespmem:s28], [sflag:$0xD], $0x8, s8, s17, $0xb8;
	[tilespmem:$0x1F978] =	vst v63  }
0xec: {  	p1 =	seq.s32 s1, $0x9000  }
.Ltmp9:
0xed: {  	_ = 	snop;
	(pc) =	sbr.rel @p1 .LBB2_21-.Ltmp9, $4  }
0xee: {  	_ = 	snop  }
0xef: {  	_ =	swait.ge [sflag:s18], $0x1F40  }
0xf0: {  	[sflag:s18] =	ssyncset.done $0x0  }
0xf1: {  	[sflag:s18] =	ssyncadd.s32 $0xFFFFE0C0  }
.Ltmp10:
0xf2: {  	(pc) =	sbr.rel .LBB2_16-.Ltmp10, $3  }
0xf3: {  	_ =	sdelay $0x1  }
0xf4: {  	s8 =	sadd.s32 $0x400, s12;
	s20 =	sadd.s32 $0x1, s20;
	s1 =	sadd.s32 $0xC00, s1  }
0xf5: {  	[tilespmem:s26], [sflag:$0x3] =	stream.indirect.gather [hbm4b:s24+s15], $0x40, s8, s15, $0xb8;
	[tilespmem:$0x1F978] =	vst v63  }
.LBB2_21:
0xf6: {  	_ =	swait.ge [sflag:s23], $0x1F40  }
0xf7: {  	[sflag:s23] =	ssyncset.done $0x0  }
0xf8: {  	s1 =	simm.s32 $0x4F00;
	s20 =	simm.s32 $0xA;
	[sflag:s23] =	ssyncadd.s32 $0xFFFFE0C0  }
0xf9: {  	[spmem:s21] =	stream.indirect.scatter.add.f32 [tilespmem:s14], [sflag:$0x7], $0x40, s1, s15, $0xb8;
	[tilespmem:$0x1F978] =	vst v63  }
0xfa: {  	_ =	swait.ge [sflag:s20], $0x1F40  }
0xfb: {  	[sflag:s20] =	ssyncset.done $0x0  }
0xfc: {  	[sflag:s20] =	ssyncadd.s32 $0xFFFFE0C0  }
0xfd: {  	_ =	swait.ge [sflag:s6], $0x1F40  }
0xfe: {  	[sflag:s6] =	ssyncset.done $0x0  }
0xff: {  	s28 =	simm.s32 $0x4F80;
	s30 =	simm.s32 $0xB;
	[sflag:s6] =	ssyncadd.s32 $0xFFFFE0C0  }
0x100: {  	[spmem:s21] =	stream.indirect.scatter.add.f32 [tilespmem:s29], [sflag:$0x8], $0x40, s28, s15, $0xb8;
	[tilespmem:$0x1F978] =	vst v63  }
0x101: {  	_ =	swait.ge [sflag:s30], $0x1F40  }
0x102: {  	[sflag:s30] =	ssyncset.done $0x0  }
0x103: {  	s31 =	simm.s32 $0xC;
	[sflag:s30] =	ssyncadd.s32 $0xFFFFE0C0  }
0x104: {  	_ =	swait.ge [sflag:s31], $0x1F40  }
0x105: {  	[sflag:s31] =	ssyncset.done $0x0  }
0x106: {  	[sflag:s31] =	ssyncadd.s32 $0xFFFFE0C0  }
0x107: {  	_ =	swait.ge [sflag:s10], $0x1F40  }
0x108: {  	[sflag:s10] =	ssyncset.done $0x0  }
0x109: {  	s17 =	simm.s32 $0x8;
	[sflag:s10] =	ssyncadd.s32 $0xFFFFE0C0  }
0x10a: {  	_ =	swait.ge [sflag:s17], $0x1F40  }
0x10b: {  	p1 =	por $0x0, $0x0;
	[sflag:s17] =	ssyncset.done $0x0  }
0x10c: {  	s12 =	simm.s32 @!p1 $0xD;
	[sflag:s17] =	ssyncadd.s32 $0xFFFFE0C0  }
0x10d: {  	_ =	swait.ge @!p1 [sflag:s12], $0x3E8  }
0x10e: {  	s1 =	simm.s32 $0x1;
	[sflag:s12] =	ssyncset.done @!p1 $0x0  }
.LBB2_22:
0x10f: {  	s8 =	smov.u32 s1;
	s1 =	sadd.s32 $0x1, s1  }
0x110: {  	[sflag:s12] =	ssyncadd.s32 @!p1 $0xFFFFFC18;
	p2 =	sne.s32 s1, $0x50  }
.Ltmp11:
0x111: {  	(pc) =	sbr.rel @p2 .LBB2_22-.Ltmp11, $4  }
0x112: {  	p1 =	sgt.u32 s8, $0x27  }
0x113: {  	s12 =	simm.s32 @!p1 $0xD  }
0x114: {  	_ =	swait.ge @!p1 [sflag:s12], $0x3E8  }
0x115: {  	[sflag:s12] =	ssyncset.done @!p1 $0x0  }
0x116: {  	[sflag:s12] =	ssyncadd.s32 @!p1 $0xFFFFFC18  }
0x117: {  	[bflag:$0x0] =	sbarrier.arrive $0xFFFF  }
0x118: {  	s1 =	stileid.u32;
	s30 =	rddreg [dreg:$0x1b]  }
0x119: {  	s1 =	sshll.u32 s1, $0x6;
	s31 =	rddreg [dreg:$0x8];
	s20 =	sshrl.u32 s30, $0x3  }
0x11a: {  	s8 =	simm.s32 $0x10;
	s12 =	sor.u32 $0x1C0E, s1;
	[smem:$0x7F2] =	sst s20  }
0x11b: {  	[hbm:s31@s8], [sflag:s12] =	dma.strided [spmem:s20@s17], $0x400, s23, $0x8   }
0x11c: {  	_ =	swait.ge [sflag:s13], $0x400  }
0x11d: {  	s28 =	rddreg [dreg:$0x1c]  }
0x11e: {  	[sflag:s13] =	ssyncset.done $0x0;
	s31 =	rddreg [dreg:$0x9];
	s30 =	sshrl.u32 s28, $0x3  }
0x11f: {  	[sflag:s13] =	ssyncadd.s32 $0xFFFFFC00;
	[smem:$0x7F3] =	sst s30  }
0x120: {  	[hbm:s31@s8], [sflag:s12] =	dma.strided [spmem:s30@s17], $0x400, s23, $0x8   }
0x121: {  	_ =	swait.ge [sflag:s13], $0x400  }
0x122: {  	s28 =	rddreg [dreg:$0x1d]  }
0x123: {  	[sflag:s13] =	ssyncset.done $0x0;
	s31 =	rddreg [dreg:$0xa];
	s30 =	sshrl.u32 s28, $0x3  }
0x124: {  	[sflag:s13] =	ssyncadd.s32 $0xFFFFFC00;
	[smem:$0x7F4] =	sst s30  }
0x125: {  	[hbm:s31@s8], [sflag:s12] =	dma.strided [spmem:s30@s17], $0x400, s23, $0x8   }
0x126: {  	_ =	swait.ge [sflag:s13], $0x400  }
0x127: {  	s28 =	rddreg [dreg:$0x1e]  }
0x128: {  	[sflag:s13] =	ssyncset.done $0x0;
	s31 =	rddreg [dreg:$0xb];
	s30 =	sshrl.u32 s28, $0x3  }
0x129: {  	[sflag:s13] =	ssyncadd.s32 $0xFFFFFC00;
	[smem:$0x7F5] =	sst s30  }
0x12a: {  	[hbm:s31@s8], [sflag:s12] =	dma.strided [spmem:s30@s17], $0x400, s23, $0x8   }
0x12b: {  	_ =	swait.ge [sflag:s13], $0x400  }
0x12c: {  	s28 =	rddreg [dreg:$0x1f]  }
0x12d: {  	s31 =	rddreg [dreg:$0xc]  }
0x12e: {  	[sflag:s13] =	ssyncset.done $0x0;
	[smem:$0x7F6] =	sst s12;
	s30 =	sshrl.u32 s28, $0x3  }
0x12f: {  	[sflag:s13] =	ssyncadd.s32 $0xFFFFFC00;
	[smem:$0x7F7] =	sst s30  }
0x130: {  	[hbm:s31@s8], [sflag:s12] =	dma.strided [spmem:s30@s17], $0x400, s23, $0x8   }
0x131: {  	_ =	swait.ge [sflag:s13], $0x400  }
0x132: {  	[sflag:s13] =	ssyncset.done $0x0  }
0x133: {  	s1 =	simm.s32 $0x0;
	s12 =	simm.s32 $0x100;
	[sflag:s13] =	ssyncadd.s32 $0xFFFFFC00  }
.LBB2_24:
0x134: {  	p1 =	sne.s32 s12, $0x7F00;
	[tilespmem:s1+$0x5030] =	vst v0;
	s8 =	smov.u32 s12;
	s12 =	sadd.s32 $0x100, s12  }
.Ltmp12:
0x135: {  	[tilespmem:s1+$0x5020] =	vst v0;
	(pc) =	sbr.rel @p1 .LBB2_24-.Ltmp12, $3  }
0x136: {  	[tilespmem:s1+$0x5000] =	vst v0  }
0x137: {  	[tilespmem:s1+$0x5010] =	vst v0;
	_ =	sdelay $0x1  }
0x138: {  	s1 =	sshra.s32 s8, $0x2  }
0x139: {  	[tilespmem:s1+$0x5030] =	vst v0  }
0x13a: {  	[tilespmem:s1+$0x5020] =	vst v0  }
0x13b: {  	[tilespmem:s1+$0x5000] =	vst v0  }
0x13c: {  	[tilespmem:s1+$0x5010] =	vst v0;
	s8 =	rddreg [dreg:$0x1b]  }
0x13d: {  	[spmem:s8] =	stream.linear.scatter [tilespmem:s14], [sflag:$0xE], $0x2000, $0x38;
	[tilespmem:$0x1F978] =	vst v63  }
0x13e: {  	_ =	swait.ge [sflag:s13], $0x2000  }
0x13f: {  	[sflag:s13] =	ssyncset.done $0x0  }
0x140: {  	s12 =	rddreg [dreg:$0x1c];
	[sflag:s13] =	ssyncadd.s32 $0xFFFFE000  }
0x141: {  	[spmem:s12] =	stream.linear.scatter [tilespmem:s14], [sflag:$0xE], $0x2000, $0x38;
	[tilespmem:$0x1F978] =	vst v63  }
0x142: {  	_ =	swait.ge [sflag:s13], $0x2000  }
0x143: {  	[sflag:s13] =	ssyncset.done $0x0  }
0x144: {  	s17 =	rddreg [dreg:$0x1d];
	[sflag:s13] =	ssyncadd.s32 $0xFFFFE000  }
0x145: {  	[spmem:s17] =	stream.linear.scatter [tilespmem:s14], [sflag:$0xE], $0x2000, $0x38;
	[tilespmem:$0x1F978] =	vst v63  }
0x146: {  	_ =	swait.ge [sflag:s13], $0x2000  }
0x147: {  	[sflag:s13] =	ssyncset.done $0x0  }
0x148: {  	s20 =	rddreg [dreg:$0x1e];
	[sflag:s13] =	ssyncadd.s32 $0xFFFFE000  }
0x149: {  	[spmem:s20] =	stream.linear.scatter [tilespmem:s14], [sflag:$0xE], $0x2000, $0x38;
	[tilespmem:$0x1F978] =	vst v63  }
0x14a: {  	_ =	swait.ge [sflag:s13], $0x2000  }
0x14b: {  	[sflag:s13] =	ssyncset.done $0x0  }
0x14c: {  	s28 =	rddreg [dreg:$0x1f];
	[sflag:s13] =	ssyncadd.s32 $0xFFFFE000  }
0x14d: {  	[spmem:s28] =	stream.linear.scatter [tilespmem:s14], [sflag:$0xE], $0x2000, $0x38;
	[tilespmem:$0x1F978] =	vst v63  }
0x14e: {  	_ =	swait.ge [sflag:s13], $0x2000  }
0x14f: {  	[sflag:s13] =	ssyncset.done $0x0  }
0x150: {  	[sflag:s13] =	ssyncadd.s32 $0xFFFFE000  }
0x151: {  	s1 =	simm.s32 $0x0;
	[bflag:$0x0] =	sbarrier.arrive $0xFFFF  }
0x152: {  	[tilespmem:s14], [sflag:$0x1] =	stream.indirect.gather [hbm4b:s25+s15], $0x40, s1, s15, $0xb8;
	[tilespmem:$0x1F978] =	vst v63  }
0x153: {  	s8 =	simm.s32 $0x80  }
0x154: {  	[tilespmem:s29], [sflag:$0x2] =	stream.indirect.gather [hbm4b:s25+s15], $0x40, s8, s15, $0xb8;
	[tilespmem:$0x1F978] =	vst v63  }
0x155: {  	s30 =	simm.s32 $0x100;
	s31 =	simm.s32 $0x0;
	s20 =	simm.s32 $0xFFFFFFDC  }
0x156: {  	[tilespmem:s26], [sflag:$0x3] =	stream.indirect.gather [hbm4b:s25+s15], $0x40, s30, s15, $0xb8;
	[tilespmem:$0x1F978] =	vst v63  }
.LBB2_26:
0x157: {  	_ =	swait.ge [sflag:s23], $0x1F40  }
0x158: {  	s12 =	sshra.s32 s1, $0x2;
	s17 =	sadd.s32 $0xFFFFFFFC, s20;
	[sflag:s23] =	ssyncset.done $0x0  }
0x159: {  	s8 =	sadd.s32 $0x2800, s12;
	p1 =	sgt.u32 s17, $0x27;
	[sflag:s23] =	ssyncadd.s32 $0xFFFFE0C0  }
0x15a: {  	[spmem:s21] =	stream.indirect.scatter.add.f32 [tilespmem:s14], [sflag:$0x7], $0x40, s8, s15, $0xb8;
	[tilespmem:$0x1F978] =	vst v63  }
0x15b: {  	s17 =	simm.s32 @!p1 $0x7D;
	s28 =	simm.s32 @!p1 $0x11000  }
0x15c: {  	[spmem:s22] =	stream.indirect.scatter.add.f32 @!p1 [tilespmem:s28], [sflag:$0xD], $0x8, s8, s17, $0xb8;
	[tilespmem:$0x1F978] =	vst v63  }
0x15d: {  	p1 =	seq.s32 s1, $0x0  }
0x15e: {  	s8 =	simm.s32 @!p1 $0xA  }
0x15f: {  	_ =	swait.ge @!p1 [sflag:s8], $0x1F40  }
0x160: {  	[sflag:s8] =	ssyncset.done @!p1 $0x0  }
0x161: {  	p2 =	slt.u32 s31, $0x7;
	s28 =	sadd.s32 $0x180, s12;
	[sflag:s8] =	ssyncadd.s32 @!p1 $0xFFFFE0C0  }
0x162: {  	[tilespmem:s16], [sflag:$0x4] =	stream.indirect.gather [hbm4b:s25+s15], $0x40, s28, s15, $0xb8;
	[tilespmem:$0x1F978] =	vst v63  }
.Ltmp13:
0x163: {  	_ = 	snop;
	(pc) =	sbr.rel @p2 .LBB2_28-.Ltmp13, $4  }
0x164: {  	_ =	swait.ge [sflag:s6], $0x1F40  }
0x165: {  	[sflag:s6] =	ssyncset.done $0x0  }
0x166: {  	s13 =	simm.s32 $0x7000;
	s30 =	sadd.s32 $0x2880, s12;
	[sflag:s6] =	ssyncadd.s32 $0xFFFFE0C0  }
0x167: {  	[spmem:s21] =	stream.indirect.scatter.add.f32 [tilespmem:s29], [sflag:$0x8], $0x40, s30, s15, $0xb8;
	[tilespmem:$0x1F978] =	vst v63  }
.Ltmp14:
0x168: {  	(pc) =	sbr.rel .LBB2_29-.Ltmp14, $3  }
0x169: {  	_ =	sdelay $0x1  }
0x16a: {  	s8 =	simm.s32 $0x11000  }
0x16b: {  	[spmem:s22] =	stream.indirect.scatter.add.f32 [tilespmem:s8], [sflag:$0xD], $0x8, s30, s15, $0xb8;
	[tilespmem:$0x1F978] =	vst v63  }
.LBB2_28:
.Ltmp15:
0x16c: {  	(pc) =	sbr.rel @p1 .LBB2_30-.Ltmp15, $1  }
0x16d: {  	_ =	sdelay $0x3  }
.LBB2_29:
0x16e: {  	s8 =	simm.s32 $0xB  }
0x16f: {  	_ =	swait.ge [sflag:s8], $0x1F40  }
0x170: {  	[sflag:s8] =	ssyncset.done $0x0  }
0x171: {  	[sflag:s8] =	ssyncadd.s32 $0xFFFFE0C0  }
.LBB2_30:
0x172: {  	s8 =	sadd.s32 $0x200, s12  }
0x173: {  	[tilespmem:s7], [sflag:$0x5] =	stream.indirect.gather [hbm4b:s25+s15], $0x40, s8, s15, $0xb8;
	[tilespmem:$0x1F978] =	vst v63  }
0x174: {  	_ =	swait.ge [sflag:s19], $0x1F40  }
0x175: {  	s17 =	sadd.s32 $0xFFFFFFFE, s20;
	[sflag:s19] =	ssyncset.done $0x0  }
0x176: {  	s8 =	sadd.s32 $0x2900, s12;
	p2 =	sgt.u32 s17, $0x27;
	[sflag:s19] =	ssyncadd.s32 $0xFFFFE0C0  }
0x177: {  	[spmem:s21] =	stream.indirect.scatter.add.f32 [tilespmem:s26], [sflag:$0x9], $0x40, s8, s15, $0xb8;
	[tilespmem:$0x1F978] =	vst v63  }
0x178: {  	s17 =	simm.s32 @!p2 $0x7D;
	s28 =	simm.s32 @!p2 $0x11000  }
0x179: {  	[spmem:s22] =	stream.indirect.scatter.add.f32 @!p2 [tilespmem:s28], [sflag:$0xD], $0x8, s8, s17, $0xb8;
	[tilespmem:$0x1F978] =	vst v63  }
0x17a: {  	s8 =	simm.s32 @!p1 $0xC  }
0x17b: {  	_ =	swait.ge @!p1 [sflag:s8], $0x1F40  }
0x17c: {  	[sflag:s8] =	ssyncset.done @!p1 $0x0  }
0x17d: {  	s30 =	sadd.s32 $0x280, s12;
	s29 =	simm.s32 $0xF000;
	[sflag:s8] =	ssyncadd.s32 @!p1 $0xFFFFE0C0  }
0x17e: {  	[tilespmem:s29], [sflag:$0x6] =	stream.indirect.gather [hbm4b:s25+s15], $0x40, s30, s15, $0xb8;
	[tilespmem:$0x1F978] =	vst v63  }
0x17f: {  	_ =	swait.ge [sflag:s9], $0x1F40  }
0x180: {  	[sflag:s9] =	ssyncset.done $0x0  }
0x181: {  	s8 =	sadd.s32 $0x2980, s12;
	[sflag:s9] =	ssyncadd.s32 $0xFFFFE0C0  }
0x182: {  	[spmem:s21] =	stream.indirect.scatter.add.f32 [tilespmem:s16], [sflag:$0xA], $0x40, s8, s15, $0xb8;
	[tilespmem:$0x1F978] =	vst v63  }
0x183: {  	_ = 	snop  }
0x184: {  	[spmem:s22] =	stream.indirect.scatter.add.f32 @!p2 [tilespmem:s28], [sflag:$0xD], $0x8, s8, s17, $0xb8;
	[tilespmem:$0x1F978] =	vst v63  }
0x185: {  	_ =	swait.ge [sflag:s10], $0x1F40  }
0x186: {  	[sflag:s10] =	ssyncset.done $0x0  }
0x187: {  	s30 =	sadd.s32 $0x300, s12;
	[sflag:s10] =	ssyncadd.s32 $0xFFFFE0C0  }
0x188: {  	[tilespmem:s14], [sflag:$0x1] =	stream.indirect.gather [hbm4b:s25+s15], $0x40, s30, s15, $0xb8;
	[tilespmem:$0x1F978] =	vst v63  }
0x189: {  	_ =	swait.ge [sflag:s11], $0x1F40  }
0x18a: {  	p1 =	sgt.u32 s20, $0x27;
	[sflag:s11] =	ssyncset.done $0x0  }
0x18b: {  	s8 =	sadd.s32 $0x2A00, s12;
	s17 =	simm.s32 @p1 $0x8;
	[sflag:s11] =	ssyncadd.s32 $0xFFFFE0C0  }
0x18c: {  	[spmem:s21] =	stream.indirect.scatter.add.f32 [tilespmem:s7], [sflag:$0xB], $0x40, s8, s15, $0xb8;
	[tilespmem:$0x1F978] =	vst v63  }
0x18d: {  	_ =	swait.ge @p1 [sflag:s17], $0x1F40  }
0x18e: {  	[sflag:s17] =	ssyncset.done @p1 $0x0  }
0x18f: {  	[sflag:s17] =	ssyncadd.s32 @p1 $0xFFFFE0C0;
	s17 =	sshra.s32 @p1 s1, $0x2  }
0x190: {  	s29 =	simm.s32 @p1 $0x7000;
	s30 =	simm.s32 @p1 $0x7D;
	s28 =	sadd.s32 @p1 $0x380, s17  }
0x191: {  	[tilespmem:s29], [sflag:$0x2] =	stream.indirect.gather @p1 [hbm4b:s25+s30], $0x40, s28, s30, $0xb8;
	[tilespmem:$0x1F978] =	vst v63  }
0x192: {  	s28 =	simm.s32 @p1 $0x6  }
0x193: {  	_ =	swait.ge @p1 [sflag:s28], $0x1F40  }
0x194: {  	[sflag:s28] =	ssyncset.done @p1 $0x0  }
0x195: {  	s17 =	sadd.s32 @p1 $0x2A80, s17;
	[sflag:s28] =	ssyncadd.s32 @p1 $0xFFFFE0C0;
	s28 =	simm.s32 @p1 $0xF000  }
0x196: {  	[spmem:s21] =	stream.indirect.scatter.add.f32 @p1 [tilespmem:s28], [sflag:$0xC], $0x40, s17, s30, $0xb8;
	[tilespmem:$0x1F978] =	vst v63  }
0x197: {  	s17 =	simm.s32 @!p1 $0x7D;
	s28 =	simm.s32 @!p1 $0x11000  }
0x198: {  	[spmem:s22] =	stream.indirect.scatter.add.f32 @!p1 [tilespmem:s28], [sflag:$0xD], $0x8, s8, s17, $0xb8;
	[tilespmem:$0x1F978] =	vst v63  }
0x199: {  	s8 =	simm.s32 @!p1 $0x8  }
0x19a: {  	_ =	swait.ge @!p1 [sflag:s8], $0x1F40  }
0x19b: {  	s29 =	sshra.s32 @!p1 s1, $0x2;
	[sflag:s8] =	ssyncset.done @!p1 $0x0  }
0x19c: {  	s30 =	simm.s32 @!p1 $0x7000;
	[sflag:s8] =	ssyncadd.s32 @!p1 $0xFFFFE0C0;
	s8 =	sadd.s32 @!p1 $0x380, s29  }
0x19d: {  	[tilespmem:s30], [sflag:$0x2] =	stream.indirect.gather @!p1 [hbm4b:s25+s17], $0x40, s8, s17, $0xb8;
	[tilespmem:$0x1F978] =	vst v63  }
0x19e: {  	s8 =	simm.s32 @!p1 $0x6  }
0x19f: {  	_ =	swait.ge @!p1 [sflag:s8], $0x1F40  }
0x1a0: {  	[sflag:s8] =	ssyncset.done @!p1 $0x0  }
0x1a1: {  	[sflag:s8] =	ssyncadd.s32 @!p1 $0xFFFFE0C0;
	s8 =	sadd.s32 @!p1 $0x2A80, s29;
	s29 =	simm.s32 @!p1 $0xF000  }
0x1a2: {  	[spmem:s21] =	stream.indirect.scatter.add.f32 @!p1 [tilespmem:s29], [sflag:$0xC], $0x40, s8, s17, $0xb8;
	[tilespmem:$0x1F978] =	vst v63  }
0x1a3: {  	_ = 	snop  }
0x1a4: {  	[spmem:s22] =	stream.indirect.scatter.add.f32 @!p1 [tilespmem:s28], [sflag:$0xD], $0x8, s8, s17, $0xb8;
	[tilespmem:$0x1F978] =	vst v63  }
0x1a5: {  	p1 =	seq.s32 s1, $0x9000  }
.Ltmp16:
0x1a6: {  	_ = 	snop;
	(pc) =	sbr.rel @p1 .LBB2_32-.Ltmp16, $4  }
0x1a7: {  	_ = 	snop  }
0x1a8: {  	_ =	swait.ge [sflag:s18], $0x1F40  }
0x1a9: {  	[sflag:s18] =	ssyncset.done $0x0  }
0x1aa: {  	[sflag:s18] =	ssyncadd.s32 $0xFFFFE0C0  }
.Ltmp17:
0x1ab: {  	(pc) =	sbr.rel .LBB2_26-.Ltmp17, $4  }
0x1ac: {  	_ = 	snop  }
0x1ad: {  	s8 =	sadd.s32 $0x400, s12;
	s31 =	sadd.s32 $0x1, s31  }
0x1ae: {  	s1 =	sadd.s32 $0xC00, s1;
	s20 =	sadd.s32 $0x6, s20;
	s29 =	simm.s32 $0x7000  }
0x1af: {  	[tilespmem:s26], [sflag:$0x3] =	stream.indirect.gather [hbm4b:s25+s15], $0x40, s8, s15, $0xb8;
	[tilespmem:$0x1F978] =	vst v63  }
.LBB2_32:
0x1b0: {  	_ =	swait.ge [sflag:s23], $0x1F40  }
0x1b1: {  	[sflag:s23] =	ssyncset.done $0x0  }
0x1b2: {  	s8 =	simm.s32 $0x4F00;
	[sflag:s23] =	ssyncadd.s32 $0xFFFFE0C0  }
0x1b3: {  	[spmem:s21] =	stream.indirect.scatter.add.f32 [tilespmem:s14], [sflag:$0x7], $0x40, s8, s15, $0xb8;
	[tilespmem:$0x1F978] =	vst v63  }
0x1b4: {  	s1 =	simm.s32 $0x11000;
	s17 =	simm.s32 $0xA  }
0x1b5: {  	[spmem:s22] =	stream.indirect.scatter.add.f32 [tilespmem:s1], [sflag:$0xD], $0x8, s8, s15, $0xb8;
	[tilespmem:$0x1F978] =	vst v63  }
0x1b6: {  	_ =	swait.ge [sflag:s17], $0x1F40  }
0x1b7: {  	[sflag:s17] =	ssyncset.done $0x0  }
0x1b8: {  	[sflag:s17] =	ssyncadd.s32 $0xFFFFE0C0  }
0x1b9: {  	_ =	swait.ge [sflag:s6], $0x1F40  }
0x1ba: {  	[sflag:s6] =	ssyncset.done $0x0  }
0x1bb: {  	s20 =	simm.s32 $0x4F80;
	[sflag:s6] =	ssyncadd.s32 $0xFFFFE0C0  }
0x1bc: {  	[spmem:s21] =	stream.indirect.scatter.add.f32 [tilespmem:s13], [sflag:$0x8], $0x40, s20, s15, $0xb8;
	[tilespmem:$0x1F978] =	vst v63  }
0x1bd: {  	s28 =	simm.s32 $0xB  }
0x1be: {  	[spmem:s22] =	stream.indirect.scatter.add.f32 [tilespmem:s1], [sflag:$0xD], $0x8, s20, s15, $0xb8;
	[tilespmem:$0x1F978] =	vst v63  }
0x1bf: {  	_ =	swait.ge [sflag:s28], $0x1F40  }
0x1c0: {  	[sflag:s28] =	ssyncset.done $0x0  }
0x1c1: {  	s30 =	simm.s32 $0xC;
	[sflag:s28] =	ssyncadd.s32 $0xFFFFE0C0  }
0x1c2: {  	_ =	swait.ge [sflag:s30], $0x1F40  }
0x1c3: {  	[sflag:s30] =	ssyncset.done $0x0  }
0x1c4: {  	[sflag:s30] =	ssyncadd.s32 $0xFFFFE0C0  }
0x1c5: {  	_ =	swait.ge [sflag:s10], $0x1F40  }
0x1c6: {  	[sflag:s10] =	ssyncset.done $0x0  }
0x1c7: {  	s31 =	simm.s32 $0x8;
	[sflag:s10] =	ssyncadd.s32 $0xFFFFE0C0  }
0x1c8: {  	_ =	swait.ge [sflag:s31], $0x1F40  }
0x1c9: {  	p1 =	por $0x1, $0x1;
	[sflag:s31] =	ssyncset.done $0x0  }
0x1ca: {  	s12 =	simm.s32 @!p1 $0xD;
	[sflag:s31] =	ssyncadd.s32 $0xFFFFE0C0  }
0x1cb: {  	_ =	swait.ge @!p1 [sflag:s12], $0x3E8  }
0x1cc: {  	s1 =	simm.s32 $0x1;
	[sflag:s12] =	ssyncset.done @!p1 $0x0;
	s29 =	rddreg [dreg:$0x7]  }
.LBB2_33:
0x1cd: {  	s8 =	smov.u32 s1;
	s1 =	sadd.s32 $0x1, s1  }
0x1ce: {  	[sflag:s12] =	ssyncadd.s32 @!p1 $0xFFFFFC18;
	p2 =	sne.s32 s1, $0x50  }
.Ltmp18:
0x1cf: {  	(pc) =	sbr.rel @p2 .LBB2_33-.Ltmp18, $4  }
0x1d0: {  	p1 =	slt.u32 s8, $0x28  }
0x1d1: {  	s12 =	simm.s32 @!p1 $0xD  }
0x1d2: {  	_ =	swait.ge @!p1 [sflag:s12], $0x3E8  }
0x1d3: {  	[sflag:s12] =	ssyncset.done @!p1 $0x0  }
0x1d4: {  	[sflag:s12] =	ssyncadd.s32 @!p1 $0xFFFFFC18  }
0x1d5: {  	s1 =	simm.s32 @!p0 $0x0;
	s8 =	simm.s32 @!p0 $0x113E8;
	s12 =	rddreg [dreg:$0xd]  }
0x1d6: {  	[tilespmem:s8], [sflag:$0xE] =	stream.linear.gather @!p0 [hbm4b:s12+s1], $0x190, $0x38;
	[tilespmem:$0x1F978] =	vst v63  }
0x1d7: {  	s12 =	simm.s32 @!p0 $0xE  }
0x1d8: {  	_ =	swait.ge @!p0 [sflag:s12], $0x190  }
0x1d9: {  	[sflag:s12] =	ssyncset.done @!p0 $0x0  }
0x1da: {  	[sflag:s12] =	ssyncadd.s32 @!p0 $0xFFFFFE70  }
0x1db: {  	s17 =	simm.s32 @!p0 $0x50;
	s20 =	simm.s32 @!p0 $0x11578;
	s30 =	rddreg [dreg:$0x0]  }
0x1dc: {  	[tilespmem:s20], [sflag:$0x1] =	stream.indirect.gather @!p0 [hbm4b:s30+s17], $0x80, s8, s17, $0xb8;
	[tilespmem:$0x1F978] =	vst v63  }
0x1dd: {  	s8 =	simm.s32 @!p0 $0x1  }
0x1de: {  	_ =	swait.ge @!p0 [sflag:s8], $0x2800  }
0x1df: {  	[sflag:s8] =	ssyncset.done @!p0 $0x0  }
0x1e0: {  	s28 =	rddreg [dreg:$0xe];
	[sflag:s8] =	ssyncadd.s32 @!p0 $0xFFFFD800  }
0x1e1: {  	[hbm4b:s28+s1] =	stream.linear.scatter @!p0 [tilespmem:s20], [sflag:$0xE], $0x2800, $0x38;
	[tilespmem:$0x1F978] =	vst v63  }
0x1e2: {  	_ =	swait.ge @!p0 [sflag:s12], $0x2800  }
0x1e3: {  	[sflag:s12] =	ssyncset.done @!p0 $0x0  }
0x1e4: {  	s28 =	simm.s32 @!p0 $0x11438;
	[sflag:s12] =	ssyncadd.s32 @!p0 $0xFFFFD800  }
0x1e5: {  	[tilespmem:s20], [sflag:$0x1] =	stream.indirect.gather @!p0 [hbm4b:s30+s17], $0x80, s28, s17, $0xb8;
	[tilespmem:$0x1F978] =	vst v63  }
0x1e6: {  	_ =	swait.ge @!p0 [sflag:s8], $0x2800  }
0x1e7: {  	s28 =	sld [smem:$0x7F8]  }
0x1e8: {  	[sflag:s8] =	ssyncset.done @!p0 $0x0  }
0x1e9: {  	[sflag:s8] =	ssyncadd.s32 @!p0 $0xFFFFD800  }
0x1ea: {  	[hbm4b:s28+s1] =	stream.linear.scatter @!p0 [tilespmem:s20], [sflag:$0xE], $0x2800, $0x38;
	[tilespmem:$0x1F978] =	vst v63  }
0x1eb: {  	_ =	swait.ge @!p0 [sflag:s12], $0x2800  }
0x1ec: {  	[sflag:s12] =	ssyncset.done @!p0 $0x0  }
0x1ed: {  	s28 =	simm.s32 @!p0 $0x11488;
	[sflag:s12] =	ssyncadd.s32 @!p0 $0xFFFFD800  }
0x1ee: {  	[tilespmem:s20], [sflag:$0x1] =	stream.indirect.gather @!p0 [hbm4b:s30+s17], $0x80, s28, s17, $0xb8;
	[tilespmem:$0x1F978] =	vst v63  }
0x1ef: {  	_ =	swait.ge @!p0 [sflag:s8], $0x2800  }
0x1f0: {  	s28 =	sld [smem:$0x7F9]  }
0x1f1: {  	[sflag:s8] =	ssyncset.done @!p0 $0x0  }
0x1f2: {  	[sflag:s8] =	ssyncadd.s32 @!p0 $0xFFFFD800  }
0x1f3: {  	[hbm4b:s28+s1] =	stream.linear.scatter @!p0 [tilespmem:s20], [sflag:$0xE], $0x2800, $0x38;
	[tilespmem:$0x1F978] =	vst v63  }
0x1f4: {  	_ =	swait.ge @!p0 [sflag:s12], $0x2800  }
0x1f5: {  	[sflag:s12] =	ssyncset.done @!p0 $0x0  }
0x1f6: {  	s28 =	simm.s32 @!p0 $0x114D8;
	[sflag:s12] =	ssyncadd.s32 @!p0 $0xFFFFD800  }
0x1f7: {  	[tilespmem:s20], [sflag:$0x1] =	stream.indirect.gather @!p0 [hbm4b:s30+s17], $0x80, s28, s17, $0xb8;
	[tilespmem:$0x1F978] =	vst v63  }
0x1f8: {  	_ =	swait.ge @!p0 [sflag:s8], $0x2800  }
0x1f9: {  	s28 =	sld [smem:$0x7FA]  }
0x1fa: {  	[sflag:s8] =	ssyncset.done @!p0 $0x0  }
0x1fb: {  	[sflag:s8] =	ssyncadd.s32 @!p0 $0xFFFFD800  }
0x1fc: {  	[hbm4b:s28+s1] =	stream.linear.scatter @!p0 [tilespmem:s20], [sflag:$0xE], $0x2800, $0x38;
	[tilespmem:$0x1F978] =	vst v63  }
0x1fd: {  	_ =	swait.ge @!p0 [sflag:s12], $0x2800  }
0x1fe: {  	[sflag:s12] =	ssyncset.done @!p0 $0x0  }
0x1ff: {  	s28 =	simm.s32 @!p0 $0x11528;
	[sflag:s12] =	ssyncadd.s32 @!p0 $0xFFFFD800  }
0x200: {  	[tilespmem:s20], [sflag:$0x1] =	stream.indirect.gather @!p0 [hbm4b:s30+s17], $0x80, s28, s17, $0xb8;
	[tilespmem:$0x1F978] =	vst v63  }
0x201: {  	_ =	swait.ge @!p0 [sflag:s8], $0x2800  }
0x202: {  	[sflag:s8] =	ssyncset.done @!p0 $0x0  }
0x203: {  	[sflag:s8] =	ssyncadd.s32 @!p0 $0xFFFFD800;
	s8 =	sld [smem:$0x7FB];
	_ =	sdelay $0x2  }
0x204: {  	[hbm4b:s8+s1] =	stream.linear.scatter @!p0 [tilespmem:s20], [sflag:$0xE], $0x2800, $0x38;
	[tilespmem:$0x1F978] =	vst v63  }
0x205: {  	_ =	swait.ge @!p0 [sflag:s12], $0x2800  }
0x206: {  	[sflag:s12] =	ssyncset.done @!p0 $0x0  }
0x207: {  	[sflag:s12] =	ssyncadd.s32 @!p0 $0xFFFFD800  }
0x208: {  	[bflag:$0x0] =	sbarrier.arrive $0xFFFF  }
0x209: {  	s17 =	sld [smem:$0x7F6]  }
0x20a: {  	s20 =	sld [smem:$0x7F2];
	_ =	sdelay $0x1  }
0x20b: {  	s12 =	simm.s32 $0x10;
	s13 =	rddreg [dreg:$0xf]  }
0x20c: {  	[hbm:s13@s12], [sflag:s17] =	dma.strided [spmem:s20@s31], $0x400, s23, $0x8   }
0x20d: {  	s13 =	simm.s32 $0xE  }
0x20e: {  	_ =	swait.ge [sflag:s13], $0x400  }
0x20f: {  	[sflag:s13] =	ssyncset.done $0x0  }
0x210: {  	s28 =	sshrl.u32 s0, $0x3;
	s30 =	rddreg [dreg:$0x14];
	[sflag:s13] =	ssyncadd.s32 $0xFFFFFC00  }
0x211: {  	[hbm:s30], [sflag:s17] =	dma.local [spmem:s28], $0x80  }
0x212: {  	_ =	swait.ge [sflag:s13], $0x80  }
0x213: {  	s20 =	sld [smem:$0x7F3]  }
0x214: {  	[sflag:s13] =	ssyncset.done $0x0  }
0x215: {  	s8 =	rddreg [dreg:$0x10];
	[sflag:s13] =	ssyncadd.s32 $0xFFFFFF80  }
0x216: {  	[hbm:s8@s12], [sflag:s17] =	dma.strided [spmem:s20@s31], $0x400, s23, $0x8   }
0x217: {  	_ =	swait.ge [sflag:s13], $0x400  }
0x218: {  	[sflag:s13] =	ssyncset.done $0x0  }
0x219: {  	s28 =	sshrl.u32 s2, $0x3;
	s30 =	rddreg [dreg:$0x15];
	[sflag:s13] =	ssyncadd.s32 $0xFFFFFC00  }
0x21a: {  	[hbm:s30], [sflag:s17] =	dma.local [spmem:s28], $0x80  }
0x21b: {  	_ =	swait.ge [sflag:s13], $0x80  }
0x21c: {  	s20 =	sld [smem:$0x7F4]  }
0x21d: {  	[sflag:s13] =	ssyncset.done $0x0  }
0x21e: {  	s8 =	rddreg [dreg:$0x11];
	[sflag:s13] =	ssyncadd.s32 $0xFFFFFF80  }
0x21f: {  	[hbm:s8@s12], [sflag:s17] =	dma.strided [spmem:s20@s31], $0x400, s23, $0x8   }
0x220: {  	_ =	swait.ge [sflag:s13], $0x400  }
0x221: {  	[sflag:s13] =	ssyncset.done $0x0  }
0x222: {  	s28 =	sshrl.u32 s3, $0x3;
	s30 =	rddreg [dreg:$0x16];
	[sflag:s13] =	ssyncadd.s32 $0xFFFFFC00  }
0x223: {  	[hbm:s30], [sflag:s17] =	dma.local [spmem:s28], $0x80  }
0x224: {  	_ =	swait.ge [sflag:s13], $0x80  }
0x225: {  	s20 =	sld [smem:$0x7F5]  }
0x226: {  	[sflag:s13] =	ssyncset.done $0x0  }
0x227: {  	s8 =	rddreg [dreg:$0x12];
	[sflag:s13] =	ssyncadd.s32 $0xFFFFFF80  }
0x228: {  	[hbm:s8@s12], [sflag:s17] =	dma.strided [spmem:s20@s31], $0x400, s23, $0x8   }
0x229: {  	_ =	swait.ge [sflag:s13], $0x400  }
0x22a: {  	[sflag:s13] =	ssyncset.done $0x0  }
0x22b: {  	s28 =	sshrl.u32 s4, $0x3;
	s30 =	rddreg [dreg:$0x17];
	[sflag:s13] =	ssyncadd.s32 $0xFFFFFC00  }
0x22c: {  	[hbm:s30], [sflag:s17] =	dma.local [spmem:s28], $0x80  }
0x22d: {  	_ =	swait.ge [sflag:s13], $0x80  }
0x22e: {  	s20 =	sld [smem:$0x7F7]  }
0x22f: {  	[sflag:s13] =	ssyncset.done $0x0  }
0x230: {  	s8 =	rddreg [dreg:$0x13];
	[sflag:s13] =	ssyncadd.s32 $0xFFFFFF80  }
0x231: {  	[hbm:s8@s12], [sflag:s17] =	dma.strided [spmem:s20@s31], $0x400, s23, $0x8   }
0x232: {  	_ =	swait.ge [sflag:s13], $0x400  }
0x233: {  	[sflag:s13] =	ssyncset.done $0x0  }
0x234: {  	s28 =	sshrl.u32 s5, $0x3;
	s30 =	rddreg [dreg:$0x18];
	[sflag:s13] =	ssyncadd.s32 $0xFFFFFC00  }
0x235: {  	[hbm:s30], [sflag:s17] =	dma.local [spmem:s28], $0x80  }
0x236: {  	_ =	swait.ge [sflag:s13], $0x80  }
0x237: {  	s31 =	sld [smem:$0x7FC];
	_ =	sdelay $0x1  }
0x238: {  	s29 =	sadd.s32 $0x1, s29  }
0x239: {  	p1 =	sne.s32 s29, s31  }
.Ltmp19:
0x23a: {  	_ = 	snop;
	(pc) =	sbr.rel @p1 .LBB2_1-.Ltmp19, $3  }
0x23b: {  	_ =	sdelay $0x1  }
0x23c: {  	[sflag:s13] =	ssyncset.done $0x0  }
0x23d: {  	[sflag:s13] =	ssyncadd.s32 $0xFFFFFF80  }
0x23e: {  	_ =	sfence.sel $0x180000  }
0x23f: {  	[bflag:$0x0] =	sbarrier.arrive $0xFFFF  }
0x240: {  	_ =	strace $0x90000047  }
0x241: {  	s0 =	stileid.u32;
	[bflag:$0x2] =	sbarrier.arrive $0xFFFF  }
0x242: {  	p0 =	sne.s32 s0, $0x0;
	s0 =	rddreg [dreg:$0x6]  }
0x243: {  	s0 =	sadd.s32 @!p0 $0x100000, s0  }
0x244: {  	[sflag:s0] =	ssyncadd.tile.s32 @!p0 $0x1;
	_ =	shalt  }
.Lfunc_end2:
_tile_overlayer_lowered:
.L_overlay_start_2:
0x245: {  	(tag) =	ssettag $0x2  }
0x246: {  	s0 =	rddreg [dreg:$0x0];
	s2 =	stileid.u32  }
0x247: {  	s1 =	rddreg [dreg:$0x1];
	p0 =	sne.s32 s2, $0x0  }
0x248: {  	s3 =	rddreg [dreg:$0x2];
	[bflag:$0x3] =	sbarrier.arrive $0xFFFF;
	s2 =	simm.s32 @!p0 $0x1C0E  }
0x249: {  	[timem:s3], [sflag:s2] =	dma.local @!p0 [hbm:s0], s1  }
0x24a: {  	s0 =	simm.s32 @!p0 $0xE  }
0x24b: {  	_ =	swait.ge @!p0 [sflag:s0], s1  }
0x24c: {  	s1 =	ssub.s32 @!p0 $0x0, s1;
	[sflag:s0] =	ssyncset.done @!p0 $0x0  }
0x24d: {  	[sflag:s0] =	ssyncadd.s32 @!p0 s1  }
0x24e: {  	[bflag:$0x3] =	sbarrier.arrive $0xFFFF  }
0x24f: {  	_ =	shalt  }

</sc_bundles>
